<compile_context>
chip_gen: v7x
topology: tpu7x:2x2x1
jax: 0.10.2.dev20260603
libtpu: 0.0.44.dev20260713+nightly
codegen_flags: <defaults>
</compile_context>

<pallas_src>
import functools

import jax
import jax.numpy as jnp
from jax import lax
from jax.experimental import pallas as pl
from jax.experimental.pallas import tpu as pltpu
from jax.experimental.pallas import tpu_sc as plsc

N = 10000
E = 320000
D = 128
OUT = 128

NP = 10240
NW = 32
K = 128
CHUNKS = 79
EPW = CHUNKS * K
LAST_CHUNKS = (E - (NW - 1) * EPW) // K
RPT = NP // 16

S1_BLK = 1000
SZ_BLK = 1024
S3_BLK = 1000



def _s1_body(x_ref, wm1_ref, bm1_ref, wm2_ref, bm2_ref, o_ref, z_ref):
    h = jnp.maximum(x_ref[...] @ wm1_ref[...] + bm1_ref[...], 0.0)
    o_ref[...] = h @ wm2_ref[...] + bm2_ref[...]
    z_ref[...] = jnp.zeros((SZ_BLK, D), jnp.float32)


def _stage1(x, Wm1, bm1, Wm2, bm2):
    grid = N // S1_BLK
    return pl.pallas_call(
        _s1_body,
        grid=(grid,),
        in_specs=[
            pl.BlockSpec((S1_BLK, D), lambda i: (i, 0)),
            pl.BlockSpec((D, D), lambda i: (0, 0)),
            pl.BlockSpec((1, D), lambda i: (0, 0)),
            pl.BlockSpec((D, D), lambda i: (0, 0)),
            pl.BlockSpec((1, D), lambda i: (0, 0)),
        ],
        out_specs=[
            pl.BlockSpec((S1_BLK, D), lambda i: (i, 0)),
            pl.BlockSpec((SZ_BLK, D), lambda i: (i, 0)),
        ],
        out_shape=[
            jax.ShapeDtypeStruct((N, D), jnp.float32),
            jax.ShapeDtypeStruct((NP, D), jnp.float32),
        ],
    )(x, Wm1, bm1.reshape(1, D), Wm2, bm2.reshape(1, D))



def _sc_scatter_body(msg_hbm, row_hbm, col_hbm, zeros_hbm,
                     agg_out, deg_out, degall_out,
                     ridx0, ridx1, cidx0, cidx1, rows0, rows1,
                     deg_v, tmp0_v, tmp1_v, acc_v, agg_sh,
                     semg0, semg1, sems0, sems1, semi0, semi1):
    c = lax.axis_index("c")
    s = lax.axis_index("s")
    wid = s * 2 + c
    base = wid * EPW
    nc = jnp.where(wid == NW - 1, LAST_CHUNKS, CHUNKS)

    RIDX = (ridx0, ridx1)
    CIDX = (cidx0, cidx1)
    ROWS = (rows0, rows1)
    SEMG = (semg0, semg1)
    SEMS = (sems0, sems1)
    SEMI = (semi0, semi1)
    TMP = (tmp0_v, tmp1_v)

    pltpu.async_copy(zeros_hbm.at[pl.ds(s * RPT, RPT)],
                     agg_sh.at[pl.ds(s * RPT, RPT)], semg1)

    def zinit(i, carry):
        deg_v[pl.ds(i * 16, 16)] = jnp.zeros((16,), jnp.float32)
        return carry

    lax.fori_loop(0, NP // 16, zinit, 0)

    ones = jnp.full((16,), 1.0, jnp.float32)

    def i2start(i, p):
        pltpu.async_copy(row_hbm.at[pl.ds(base + i * K, K)], RIDX[p], SEMI[p])
        pltpu.async_copy(col_hbm.at[pl.ds(base + i * K, K)], CIDX[p], SEMI[p])

    def i2wait(p):
        pltpu.make_async_copy(row_hbm.at[pl.ds(0, K)], RIDX[p], SEMI[p]).wait()
        pltpu.make_async_copy(col_hbm.at[pl.ds(0, K)], CIDX[p], SEMI[p]).wait()

    def gstart(i, p):
        pltpu.async_copy(msg_hbm.at[RIDX[p]], ROWS[p], SEMG[p])

    def gwait(b):
        pltpu.make_async_copy(msg_hbm.at[RIDX[b]], ROWS[b], SEMG[b]).wait()

    def sstart(i, b):
        pltpu.async_copy(ROWS[b], agg_sh.at[CIDX[b]], SEMS[b], add=True)

    def swait(p):
        pltpu.make_async_copy(ROWS[p], agg_sh.at[CIDX[p]], SEMS[p]).wait()

    def dodeg(b):
        for j in range(K // 16):
            cc = CIDX[b][pl.ds(j * 16, 16)]
            plsc.addupdate_scatter(deg_v, [cc], ones)

    def full_step(i, b, p, first=False):
        if not first:
            swait(p)
        i2start(i + 1, p)
        gwait(b)
        i2wait(p)
        gstart(i + 1, p)
        dodeg(b)
        sstart(i, b)

    pltpu.sync_copy(row_hbm.at[pl.ds(base, K)], ridx0)
    pltpu.sync_copy(col_hbm.at[pl.ds(base, K)], cidx0)
    gstart(0, 0)
    pltpu.make_async_copy(zeros_hbm.at[pl.ds(0, RPT)],
                          agg_sh.at[pl.ds(s * RPT, RPT)], semg1).wait()
    plsc.subcore_barrier()
    full_step(0, 0, 1, first=True)

    def pair(q, carry):
        i0 = 2 * q + 1
        full_step(i0, 1, 0)
        full_step(i0 + 1, 0, 1)
        return carry

    lax.fori_loop(0, (nc - 3) // 2, pair, 0)

    swait(0)
    i2start(nc - 1, 0)
    gwait(1)
    i2wait(0)
    gstart(nc - 1, 0)
    dodeg(1)
    sstart(nc - 2, 1)
    swait(1)
    gwait(0)
    dodeg(0)
    sstart(nc - 1, 0)
    swait(0)

    pltpu.sync_copy(deg_v, degall_out.at[pl.ds((c * 16 + s) * NP, NP)])
    plsc.subcore_barrier()

    def rstart(t, u):
        pltpu.async_copy(
            degall_out.at[pl.ds((c * 16 + t) * NP + s * RPT, RPT)],
            TMP[u], SEMI[u])

    def rwait(u):
        pltpu.make_async_copy(degall_out.at[pl.ds(0, RPT)], TMP[u],
                              SEMI[u]).wait()

    def radd(u):
        rwait(u)
        for k in range(RPT // 16):
            sl = pl.ds(k * 16, 16)
            acc_v[sl] = acc_v[sl] + TMP[u][sl]

    pltpu.sync_copy(degall_out.at[pl.ds(c * 16 * NP + s * RPT, RPT)], acc_v)
    rstart(1, 1)

    def rpair(q, carry):
        t = 2 * q + 1
        rstart(t + 1, 0)
        radd(1)
        rstart(t + 2, 1)
        radd(0)
        return carry

    lax.fori_loop(0, 7, rpair, 0)
    radd(1)

    pltpu.sync_copy(acc_v, deg_out.at[c, pl.ds(s * RPT, RPT)])

    pltpu.sync_copy(agg_sh.at[pl.ds(s * RPT, RPT)],
                    agg_out.at[c, pl.ds(s * RPT, RPT)])


def _stage2(msg, row, col, zeros):
    kern = functools.partial(
        pl.kernel,
        mesh=plsc.VectorSubcoreMesh(core_axis_name="c", subcore_axis_name="s"),
        out_type=(
            jax.ShapeDtypeStruct((2, NP, D), jnp.float32),
            jax.ShapeDtypeStruct((2, NP), jnp.float32),
            jax.ShapeDtypeStruct((2 * 16 * NP,), jnp.float32),
        ),
        scratch_types=[
            pltpu.VMEM((K,), jnp.int32),
            pltpu.VMEM((K,), jnp.int32),
            pltpu.VMEM((K,), jnp.int32),
            pltpu.VMEM((K,), jnp.int32),
            pltpu.VMEM((K, D), jnp.float32),
            pltpu.VMEM((K, D), jnp.float32),
            pltpu.VMEM((NP,), jnp.float32),
            pltpu.VMEM((RPT,), jnp.float32),
            pltpu.VMEM((RPT,), jnp.float32),
            pltpu.VMEM((RPT,), jnp.float32),
            pltpu.VMEM_SHARED((NP, D), jnp.float32),
        ] + [pltpu.SemaphoreType.DMA] * 6,
        compiler_params=pltpu.CompilerParams(needs_layout_passes=False, disable_bounds_checks=True, disable_semaphore_checks=True),
    )(_sc_scatter_body)
    return kern(msg, row, col, zeros)



def _s3_body(x_ref, a0_ref, a1_ref, deg_ref, wf_ref, bf_ref, wo1a_ref,
             wo1b_ref, bo1_ref, wo2_ref, bo2_ref, o_ref):
    s = a0_ref[0] + a1_ref[0]
    aggn = s / jnp.maximum(deg_ref[...], 1.0)
    fx = x_ref[...] + jnp.tanh(aggn @ wf_ref[...] + bf_ref[...])
    o = jnp.maximum(fx @ wo1a_ref[...] + aggn @ wo1b_ref[...] + bo1_ref[...], 0.0)
    o_ref[...] = o @ wo2_ref[...] + bo2_ref[...]


def _stage3(x, agg, degb, Wf, bf, Wo1, bo1, Wo2, bo2):
    grid = N // S3_BLK
    return pl.pallas_call(
        _s3_body,
        grid=(grid,),
        in_specs=[
            pl.BlockSpec((S3_BLK, D), lambda i: (i, 0)),
            pl.BlockSpec((1, S3_BLK, D), lambda i: (0, i, 0)),
            pl.BlockSpec((1, S3_BLK, D), lambda i: (1, i, 0)),
            pl.BlockSpec((S3_BLK, D), lambda i: (i, 0)),
            pl.BlockSpec((D, D), lambda i: (0, 0)),
            pl.BlockSpec((1, D), lambda i: (0, 0)),
            pl.BlockSpec((D, D), lambda i: (0, 0)),
            pl.BlockSpec((D, D), lambda i: (0, 0)),
            pl.BlockSpec((1, D), lambda i: (0, 0)),
            pl.BlockSpec((D, OUT), lambda i: (0, 0)),
            pl.BlockSpec((1, OUT), lambda i: (0, 0)),
        ],
        out_specs=pl.BlockSpec((S3_BLK, OUT), lambda i: (i, 0)),
        out_shape=jax.ShapeDtypeStruct((N, OUT), jnp.float32),
    )(x, agg, agg, degb, Wf, bf.reshape(1, D), Wo1[:D], Wo1[D:],
      bo1.reshape(1, D), Wo2, bo2.reshape(1, OUT))


def kernel(x, edge_index, batch, Wm1, bm1, Wm2, bm2, Wf, bf, Wo1, bo1, Wo2, bo2):
    msg, zeros = _stage1(x, Wm1, bm1, Wm2, bm2)
    agg, deg, _ = _stage2(msg, edge_index[0], edge_index[1], zeros)
    degb = jnp.broadcast_to((deg[0, :N] + deg[1, :N]).reshape(N, 1), (N, D))
    return _stage3(x, agg, degb, Wf, bf, Wo1, bo1, Wo2, bo2)

# --- scband reference (transcript-rebuilt; emitter-appended) ---
"""Pipeline reference for scband-node-model-6536940224659 (READ-ONLY COPY).

The authoritative reference and input builder live on the scoring server;
editing this copy changes nothing except your own understanding.
"""

import jax, jax.numpy as jnp
import numpy as np

N = 10000
E = 320000
D = 128
OUT = 128


def setup_inputs(seed: int = 0) -> dict:
    key = jax.random.key(seed)
    ks = jax.random.split(key, 12)
    x = jax.random.normal(ks[0], (N, D), dtype=jnp.float32)
    edge_index = jax.random.randint(ks[1], (2, E), 0, N, dtype=jnp.int32)
    batch = jnp.zeros((N,), dtype=jnp.int32)
    s = 1.0 / np.sqrt(D)
    # message MLP (in_feat -> in_feat)
    Wm1 = jax.random.normal(ks[2], (D, D), dtype=jnp.float32) * s
    bm1 = jnp.zeros((D,), dtype=jnp.float32)
    Wm2 = jax.random.normal(ks[3], (D, D), dtype=jnp.float32) * s
    bm2 = jnp.zeros((D,), dtype=jnp.float32)
    # force processor linear (in_feat -> in_feat)
    Wf = jax.random.normal(ks[4], (D, D), dtype=jnp.float32) * s
    bf = jnp.zeros((D,), dtype=jnp.float32)
    # output MLP (2*in_feat -> in_feat -> out_feat)
    Wo1 = jax.random.normal(ks[5], (2 * D, D), dtype=jnp.float32) * (1.0 / np.sqrt(2 * D))
    bo1 = jnp.zeros((D,), dtype=jnp.float32)
    Wo2 = jax.random.normal(ks[6], (D, OUT), dtype=jnp.float32) * s
    bo2 = jnp.zeros((OUT,), dtype=jnp.float32)
    return {"x": x, "edge_index": edge_index, "batch": batch,
            "Wm1": Wm1, "bm1": bm1, "Wm2": Wm2, "bm2": bm2,
            "Wf": Wf, "bf": bf, "Wo1": Wo1, "bo1": bo1, "Wo2": Wo2, "bo2": bo2}


def reference(x, edge_index, batch, Wm1, bm1, Wm2, bm2, Wf, bf, Wo1, bo1, Wo2, bo2):
    row = edge_index[0]
    col = edge_index[1]
    # message MLP on gathered source-node features
    h = jax.nn.relu(x[row] @ Wm1 + bm1)
    neighbor_msg = h @ Wm2 + bm2
    # force processor: scatter-mean of messages at destination nodes
    agg = jax.ops.segment_sum(neighbor_msg, col, num_segments=N)
    deg = jax.ops.segment_sum(jnp.ones((E,), dtype=jnp.float32), col, num_segments=N)
    deg = jnp.maximum(deg, 1.0)
    agg_neighbors = agg / deg[:, None]
    # force-directed node update
    fx = x + jnp.tanh(agg_neighbors @ Wf + bf)
    out_final = jnp.concatenate([fx, agg_neighbors], axis=1)
    o = jax.nn.relu(out_final @ Wo1 + bo1)
    return o @ Wo2 + bo2

if __name__ == "__main__":
    import jax
    _d = setup_inputs()
    print(jax.jit(kernel)(*tuple(_d.values())))

</pallas_src>

<mosaic_0001>
#map = affine_map<(d0, d1) -> (0, 0)>
#map1 = affine_map<(d0, d1) -> (0)>
#map2 = affine_map<(d0, d1) -> (0, 0, 0)>
module attributes {stable_mosaic.version = 14 : i64} {
  func.func @_sc_scatter_body(%arg0: i32, %arg1: i32, %arg2: memref<10000x128xf32, #tpu.memory_space<hbm>>, %arg3: memref<320000xi32, #tpu.memory_space<hbm>>, %arg4: memref<320000xi32, #tpu.memory_space<hbm>>, %arg5: memref<10240x128xf32, #tpu.memory_space<hbm>>, %arg6: memref<2x10240x128xf32, #tpu.memory_space<hbm>>, %arg7: memref<2x10240xf32, #tpu.memory_space<hbm>>, %arg8: memref<327680xf32, #tpu.memory_space<hbm>>, %arg9: memref<128xi32, #tpu.memory_space<vmem>>, %arg10: memref<128xi32, #tpu.memory_space<vmem>>, %arg11: memref<128xi32, #tpu.memory_space<vmem>>, %arg12: memref<128xi32, #tpu.memory_space<vmem>>, %arg13: memref<128x128xf32, #tpu.memory_space<vmem>>, %arg14: memref<128x128xf32, #tpu.memory_space<vmem>>, %arg15: memref<10240xf32, #tpu.memory_space<vmem>>, %arg16: memref<640xf32, #tpu.memory_space<vmem>>, %arg17: memref<640xf32, #tpu.memory_space<vmem>>, %arg18: memref<640xf32, #tpu.memory_space<vmem>>, %arg19: memref<10240x128xf32, #tpu.memory_space<vmem_shared>>, %arg20: memref<!tpu.dma_semaphore, #tpu.memory_space<semaphore_mem>>, %arg21: memref<!tpu.dma_semaphore, #tpu.memory_space<semaphore_mem>>, %arg22: memref<!tpu.dma_semaphore, #tpu.memory_space<semaphore_mem>>, %arg23: memref<!tpu.dma_semaphore, #tpu.memory_space<semaphore_mem>>, %arg24: memref<!tpu.dma_semaphore, #tpu.memory_space<semaphore_mem>>, %arg25: memref<!tpu.dma_semaphore, #tpu.memory_space<semaphore_mem>>) attributes {dimension_semantics = [#tpu.dimension_semantics<core_parallel>, #tpu.dimension_semantics<subcore_parallel>], iteration_bounds = array<i64: 2, 16>, scalar_prefetch = 0 : i64, scratch_operands = 17 : i64, tpu.core_type = #tpu.core_type<sc_vector_subcore>, window_params = [{transform_indices = #map}, {transform_indices = #map1}, {transform_indices = #map1}, {transform_indices = #map}, {transform_indices = #map2}, {transform_indices = #map}, {transform_indices = #map1}]} {
    %mul3A = arith.constant 2 : i32
    %mul3A_0 = arith.muli %arg1, %mul3A : i32
    %add3A = arith.addi %mul3A_0, %arg0 : i32
    %mul3A_1 = arith.constant 10112 : i32
    %mul3A_2 = arith.muli %add3A, %mul3A_1 : i32
    %eq3A = arith.constant 31 : i32
    %eq3A_3 = arith.cmpi eq, %add3A, %eq3A : i32
    %jit3A = arith.constant 51 : i32
    %jit3A_4 = arith.constant 79 : i32
    %select_n3A = arith.select %eq3A_3, %jit3A, %jit3A_4 : i32
    %mul3A_5 = arith.constant 640 : i32
    %mul3A_6 = arith.muli %arg1, %mul3A_5 : i32
    %mul3A_7 = arith.constant 640 : i32
    %mul3A_8 = arith.muli %arg1, %mul3A_7 : i32
    %dma_start3A = arith.constant 0 : i32
    %dma_start3A_9 = tpu.memref_slice %arg19[%mul3A_8, %dma_start3A] : memref<10240x128xf32, #tpu.memory_space<vmem_shared>> -> memref<640x128xf32, #tpu.memory_space<vmem_shared>>
    %dma_start3A_10 = arith.constant 0 : i32
    %dma_start3A_11 = tpu.memref_slice %arg5[%mul3A_6, %dma_start3A_10] : memref<10240x128xf32, #tpu.memory_space<hbm>> -> memref<640x128xf32, #tpu.memory_space<hbm>>
    tpu.enqueue_dma source(%dma_start3A_11 : memref<640x128xf32, #tpu.memory_space<hbm>>) target(%dma_start3A_9 : memref<640x128xf32, #tpu.memory_space<vmem_shared>>) target_semaphore(%arg21 : memref<!tpu.dma_semaphore, #tpu.memory_space<semaphore_mem>>)
    %scan3A = arith.constant 0 : i32
    %scan3A_12 = arith.constant 0 : i32
    %scan3A_13 = arith.constant 640 : i32
    %scan3A_14 = arith.addi %scan3A_12, %scan3A_13 : i32
    %scan3A_15 = arith.constant 1 : i32
    scf.for %scan3A_497 = %scan3A_12 to %scan3A_14 step %scan3A_15  : i32 {
      %broadcast_in_dim3A_498 = arith.constant 0.000000e+00 : f32
      %broadcast_in_dim3A_499 = vector.broadcast %broadcast_in_dim3A_498 : f32 to vector<16xf32>
      %mul3A_500 = arith.constant 16 : i32
      %mul3A_501 = arith.muli %scan3A_497, %mul3A_500 : i32
      %swap3A_502 = arith.index_cast %mul3A_501 : i32 to index
      %swap3A_503 = tpu.vector_load %arg15[%swap3A_502] {strides = array<i32>} : memref<10240xf32, #tpu.memory_space<vmem>>, vector<16xf32>,
      tpu.vector_store %arg15[%swap3A_502], %broadcast_in_dim3A_499 {strides = array<i32>} : memref<10240xf32, #tpu.memory_space<vmem>>, vector<16xf32>,
    }
    %scan3A_16 = arith.constant 640 : i32
    %broadcast_in_dim3A = arith.constant 1.000000e+00 : f32
    %broadcast_in_dim3A_17 = vector.broadcast %broadcast_in_dim3A : f32 to vector<16xf32>
    "tpu.region"() ({
      %run_scoped3A = tpu.sem_alloc : memref<!tpu.dma_semaphore, #tpu.memory_space<semaphore_mem>>
      %dma_start3A_497 = tpu.memref_slice %arg3[%mul3A_2] : memref<320000xi32, #tpu.memory_space<hbm>> -> memref<128xi32, #tpu.memory_space<hbm>>
      %dma_start3A_498 = tpu.memref_slice %arg3[%mul3A_2] : memref<320000xi32, #tpu.memory_space<hbm>> -> memref<128xi32, #tpu.memory_space<hbm>>
      tpu.enqueue_dma source(%dma_start3A_498 : memref<128xi32, #tpu.memory_space<hbm>>) target(%arg9 : memref<128xi32, #tpu.memory_space<vmem>>) target_semaphore(%run_scoped3A : memref<!tpu.dma_semaphore, #tpu.memory_space<semaphore_mem>>)
      %dma_wait3A_499 = tpu.memref_slice %arg3[%mul3A_2] : memref<320000xi32, #tpu.memory_space<hbm>> -> memref<128xi32, #tpu.memory_space<hbm>>
      %dma_wait3A_500 = tpu.memref_slice %arg3[%mul3A_2] : memref<320000xi32, #tpu.memory_space<hbm>> -> memref<128xi32, #tpu.memory_space<hbm>>
      tpu.wait_dma2 semaphore(%run_scoped3A : memref<!tpu.dma_semaphore, #tpu.memory_space<semaphore_mem>>) src(%dma_wait3A_500 : memref<128xi32, #tpu.memory_space<hbm>>) dst(%arg9 : memref<128xi32, #tpu.memory_space<vmem>>)
      tpu.yield
    }) : () -> ()
    "tpu.region"() ({
      %run_scoped3A = tpu.sem_alloc : memref<!tpu.dma_semaphore, #tpu.memory_space<semaphore_mem>>
      %dma_start3A_497 = tpu.memref_slice %arg4[%mul3A_2] : memref<320000xi32, #tpu.memory_space<hbm>> -> memref<128xi32, #tpu.memory_space<hbm>>
      %dma_start3A_498 = tpu.memref_slice %arg4[%mul3A_2] : memref<320000xi32, #tpu.memory_space<hbm>> -> memref<128xi32, #tpu.memory_space<hbm>>
      tpu.enqueue_dma source(%dma_start3A_498 : memref<128xi32, #tpu.memory_space<hbm>>) target(%arg11 : memref<128xi32, #tpu.memory_space<vmem>>) target_semaphore(%run_scoped3A : memref<!tpu.dma_semaphore, #tpu.memory_space<semaphore_mem>>)
      %dma_wait3A_499 = tpu.memref_slice %arg4[%mul3A_2] : memref<320000xi32, #tpu.memory_space<hbm>> -> memref<128xi32, #tpu.memory_space<hbm>>
      %dma_wait3A_500 = tpu.memref_slice %arg4[%mul3A_2] : memref<320000xi32, #tpu.memory_space<hbm>> -> memref<128xi32, #tpu.memory_space<hbm>>
      tpu.wait_dma2 semaphore(%run_scoped3A : memref<!tpu.dma_semaphore, #tpu.memory_space<semaphore_mem>>) src(%dma_wait3A_500 : memref<128xi32, #tpu.memory_space<hbm>>) dst(%arg11 : memref<128xi32, #tpu.memory_space<vmem>>)
      tpu.yield
    }) : () -> ()
    %dma_start3A_18 = arith.constant 0 : i32
    %dma_start3A_19 = arith.constant 0 : i32
    %dma_start3A_20 = tpu.memref_slice %arg2[%dma_start3A_18, %dma_start3A_19] : memref<10000x128xf32, #tpu.memory_space<hbm>> -> memref<10000x128xf32, #tpu.memory_space<hbm>>
    tpu.enqueue_indirect_dma source(%dma_start3A_20 : memref<10000x128xf32, #tpu.memory_space<hbm>>) target(%arg13 : memref<128x128xf32, #tpu.memory_space<vmem>>) offsets(%arg9 : memref<128xi32, #tpu.memory_space<vmem>>) semaphore(%arg20 : memref<!tpu.dma_semaphore, #tpu.memory_space<semaphore_mem>>)
    %mul3A_21 = arith.constant 640 : i32
    %mul3A_22 = arith.muli %arg1, %mul3A_21 : i32
    %dma_wait3A = arith.constant 0 : i32
    %dma_wait3A_23 = tpu.memref_slice %arg19[%mul3A_22, %dma_wait3A] : memref<10240x128xf32, #tpu.memory_space<vmem_shared>> -> memref<640x128xf32, #tpu.memory_space<vmem_shared>>
    %dma_wait3A_24 = arith.constant 0 : i32
    %dma_wait3A_25 = arith.constant 0 : i32
    %dma_wait3A_26 = tpu.memref_slice %arg5[%dma_wait3A_24, %dma_wait3A_25] : memref<10240x128xf32, #tpu.memory_space<hbm>> -> memref<640x128xf32, #tpu.memory_space<hbm>>
    tpu.wait_dma2 semaphore(%arg21 : memref<!tpu.dma_semaphore, #tpu.memory_space<semaphore_mem>>) src(%dma_wait3A_26 : memref<640x128xf32, #tpu.memory_space<hbm>>) dst(%dma_wait3A_23 : memref<640x128xf32, #tpu.memory_space<vmem_shared>>)
    %barrier3A = arith.constant 0 : index
    tpu.barrier barrier_id(%barrier3A)
    %add3A_27 = arith.constant 128 : i32
    %add3A_28 = arith.addi %mul3A_2, %add3A_27 : i32
    %dma_start3A_29 = tpu.memref_slice %arg3[%add3A_28] : memref<320000xi32, #tpu.memory_space<hbm>> -> memref<128xi32, #tpu.memory_space<hbm>>
    %dma_start3A_30 = tpu.memref_slice %arg3[%add3A_28] : memref<320000xi32, #tpu.memory_space<hbm>> -> memref<128xi32, #tpu.memory_space<hbm>>
    tpu.enqueue_dma source(%dma_start3A_30 : memref<128xi32, #tpu.memory_space<hbm>>) target(%arg10 : memref<128xi32, #tpu.memory_space<vmem>>) target_semaphore(%arg25 : memref<!tpu.dma_semaphore, #tpu.memory_space<semaphore_mem>>)
    %add3A_31 = arith.constant 128 : i32
    %add3A_32 = arith.addi %mul3A_2, %add3A_31 : i32
    %dma_start3A_33 = tpu.memref_slice %arg4[%add3A_32] : memref<320000xi32, #tpu.memory_space<hbm>> -> memref<128xi32, #tpu.memory_space<hbm>>
    %dma_start3A_34 = tpu.memref_slice %arg4[%add3A_32] : memref<320000xi32, #tpu.memory_space<hbm>> -> memref<128xi32, #tpu.memory_space<hbm>>
    tpu.enqueue_dma source(%dma_start3A_34 : memref<128xi32, #tpu.memory_space<hbm>>) target(%arg12 : memref<128xi32, #tpu.memory_space<vmem>>) target_semaphore(%arg25 : memref<!tpu.dma_semaphore, #tpu.memory_space<semaphore_mem>>)
    %dma_wait3A_35 = arith.constant 0 : i32
    %dma_wait3A_36 = arith.constant 0 : i32
    %dma_wait3A_37 = tpu.memref_slice %arg2[%dma_wait3A_35, %dma_wait3A_36] : memref<10000x128xf32, #tpu.memory_space<hbm>> -> memref<10000x128xf32, #tpu.memory_space<hbm>>
    tpu.wait_indirect_dma semaphore(%arg20 : memref<!tpu.dma_semaphore, #tpu.memory_space<semaphore_mem>>) src(%dma_wait3A_37 : memref<10000x128xf32, #tpu.memory_space<hbm>>) dst(%arg13 : memref<128x128xf32, #tpu.memory_space<vmem>>)
    %dma_wait3A_38 = arith.constant 0 : i32
    %dma_wait3A_39 = tpu.memref_slice %arg3[%dma_wait3A_38] : memref<320000xi32, #tpu.memory_space<hbm>> -> memref<128xi32, #tpu.memory_space<hbm>>
    %dma_wait3A_40 = arith.constant 0 : i32
    %dma_wait3A_41 = tpu.memref_slice %arg3[%dma_wait3A_40] : memref<320000xi32, #tpu.memory_space<hbm>> -> memref<128xi32, #tpu.memory_space<hbm>>
    tpu.wait_dma2 semaphore(%arg25 : memref<!tpu.dma_semaphore, #tpu.memory_space<semaphore_mem>>) src(%dma_wait3A_41 : memref<128xi32, #tpu.memory_space<hbm>>) dst(%arg10 : memref<128xi32, #tpu.memory_space<vmem>>)
    %dma_wait3A_42 = arith.constant 0 : i32
    %dma_wait3A_43 = tpu.memref_slice %arg4[%dma_wait3A_42] : memref<320000xi32, #tpu.memory_space<hbm>> -> memref<128xi32, #tpu.memory_space<hbm>>
    %dma_wait3A_44 = arith.constant 0 : i32
    %dma_wait3A_45 = tpu.memref_slice %arg4[%dma_wait3A_44] : memref<320000xi32, #tpu.memory_space<hbm>> -> memref<128xi32, #tpu.memory_space<hbm>>
    tpu.wait_dma2 semaphore(%arg25 : memref<!tpu.dma_semaphore, #tpu.memory_space<semaphore_mem>>) src(%dma_wait3A_45 : memref<128xi32, #tpu.memory_space<hbm>>) dst(%arg12 : memref<128xi32, #tpu.memory_space<vmem>>)
    %dma_start3A_46 = arith.constant 0 : i32
    %dma_start3A_47 = arith.constant 0 : i32
    %dma_start3A_48 = tpu.memref_slice %arg2[%dma_start3A_46, %dma_start3A_47] : memref<10000x128xf32, #tpu.memory_space<hbm>> -> memref<10000x128xf32, #tpu.memory_space<hbm>>
    tpu.enqueue_indirect_dma source(%dma_start3A_48 : memref<10000x128xf32, #tpu.memory_space<hbm>>) target(%arg14 : memref<128x128xf32, #tpu.memory_space<vmem>>) offsets(%arg10 : memref<128xi32, #tpu.memory_space<vmem>>) semaphore(%arg21 : memref<!tpu.dma_semaphore, #tpu.memory_space<semaphore_mem>>)
    %get3A = arith.constant 0 : index
    %get3A_49 = tpu.vector_load %arg11[%get3A] {strides = array<i32>} : memref<128xi32, #tpu.memory_space<vmem>>, vector<16xi32>,
    tpu.vector_store_idx %arg15[%get3A_49], %broadcast_in_dim3A_17 {add = true} : memref<10240xf32, #tpu.memory_space<vmem>>[vector<16xi32>], vector<16xf32>,
    %get3A_50 = arith.constant 16 : index
    %get3A_51 = tpu.vector_load %arg11[%get3A_50] {strides = array<i32>} : memref<128xi32, #tpu.memory_space<vmem>>, vector<16xi32>,
    tpu.vector_store_idx %arg15[%get3A_51], %broadcast_in_dim3A_17 {add = true} : memref<10240xf32, #tpu.memory_space<vmem>>[vector<16xi32>], vector<16xf32>,
    %get3A_52 = arith.constant 32 : index
    %get3A_53 = tpu.vector_load %arg11[%get3A_52] {strides = array<i32>} : memref<128xi32, #tpu.memory_space<vmem>>, vector<16xi32>,
    tpu.vector_store_idx %arg15[%get3A_53], %broadcast_in_dim3A_17 {add = true} : memref<10240xf32, #tpu.memory_space<vmem>>[vector<16xi32>], vector<16xf32>,
    %get3A_54 = arith.constant 48 : index
    %get3A_55 = tpu.vector_load %arg11[%get3A_54] {strides = array<i32>} : memref<128xi32, #tpu.memory_space<vmem>>, vector<16xi32>,
    tpu.vector_store_idx %arg15[%get3A_55], %broadcast_in_dim3A_17 {add = true} : memref<10240xf32, #tpu.memory_space<vmem>>[vector<16xi32>], vector<16xf32>,
    %get3A_56 = arith.constant 64 : index
    %get3A_57 = tpu.vector_load %arg11[%get3A_56] {strides = array<i32>} : memref<128xi32, #tpu.memory_space<vmem>>, vector<16xi32>,
    tpu.vector_store_idx %arg15[%get3A_57], %broadcast_in_dim3A_17 {add = true} : memref<10240xf32, #tpu.memory_space<vmem>>[vector<16xi32>], vector<16xf32>,
    %get3A_58 = arith.constant 80 : index
    %get3A_59 = tpu.vector_load %arg11[%get3A_58] {strides = array<i32>} : memref<128xi32, #tpu.memory_space<vmem>>, vector<16xi32>,
    tpu.vector_store_idx %arg15[%get3A_59], %broadcast_in_dim3A_17 {add = true} : memref<10240xf32, #tpu.memory_space<vmem>>[vector<16xi32>], vector<16xf32>,
    %get3A_60 = arith.constant 96 : index
    %get3A_61 = tpu.vector_load %arg11[%get3A_60] {strides = array<i32>} : memref<128xi32, #tpu.memory_space<vmem>>, vector<16xi32>,
    tpu.vector_store_idx %arg15[%get3A_61], %broadcast_in_dim3A_17 {add = true} : memref<10240xf32, #tpu.memory_space<vmem>>[vector<16xi32>], vector<16xf32>,
    %get3A_62 = arith.constant 112 : index
    %get3A_63 = tpu.vector_load %arg11[%get3A_62] {strides = array<i32>} : memref<128xi32, #tpu.memory_space<vmem>>, vector<16xi32>,
    tpu.vector_store_idx %arg15[%get3A_63], %broadcast_in_dim3A_17 {add = true} : memref<10240xf32, #tpu.memory_space<vmem>>[vector<16xi32>], vector<16xf32>,
    %dma_start3A_64 = arith.constant 0 : i32
    %dma_start3A_65 = arith.constant 0 : i32
    %dma_start3A_66 = tpu.memref_slice %arg19[%dma_start3A_64, %dma_start3A_65] : memref<10240x128xf32, #tpu.memory_space<vmem_shared>> -> memref<10240x128xf32, #tpu.memory_space<vmem_shared>>
    tpu.enqueue_indirect_dma source(%arg13 : memref<128x128xf32, #tpu.memory_space<vmem>>) target(%dma_start3A_66 : memref<10240x128xf32, #tpu.memory_space<vmem_shared>>) offsets(%arg11 : memref<128xi32, #tpu.memory_space<vmem>>) semaphore(%arg22 : memref<!tpu.dma_semaphore, #tpu.memory_space<semaphore_mem>>) {add = true}
    %sub3A = arith.constant 3 : i32
    %sub3A_67 = arith.subi %select_n3A, %sub3A : i32
    %jit3A_68 = arith.constant 2 : i32
    %div3A = arith.divsi %sub3A_67, %jit3A_68 : i32
    %sign3A = arith.constant 0 : i32
    %sign3A_69 = arith.cmpi sgt, %sub3A_67, %sign3A : i32
    %sign3A_70 = arith.extui %sign3A_69 : i1 to i32
    %sign3A_71 = arith.constant 0 : i32
    %sign3A_72 = arith.cmpi slt, %sub3A_67, %sign3A_71 : i32
    %sign3A_73 = arith.extui %sign3A_72 : i1 to i32
    %sign3A_74 = arith.subi %sign3A_70, %sign3A_73 : i32
    %sign3A_75 = arith.constant 0 : i32
    %sign3A_76 = arith.cmpi sgt, %jit3A_68, %sign3A_75 : i32
    %sign3A_77 = arith.extui %sign3A_76 : i1 to i32
    %sign3A_78 = arith.constant 0 : i32
    %sign3A_79 = arith.cmpi slt, %jit3A_68, %sign3A_78 : i32
    %sign3A_80 = arith.extui %sign3A_79 : i1 to i32
    %sign3A_81 = arith.subi %sign3A_77, %sign3A_80 : i32
    %ne3A = arith.cmpi ne, %sign3A_74, %sign3A_81 : i32
    %rem3A = arith.remsi %sub3A_67, %jit3A_68 : i32
    %ne3A_82 = arith.constant 0 : i32
    %ne3A_83 = arith.cmpi ne, %rem3A, %ne3A_82 : i32
    %and3A = arith.andi %ne3A, %ne3A_83 : i1
    %sub3A_84 = arith.constant 1 : i32
    %sub3A_85 = arith.subi %div3A, %sub3A_84 : i32
    %select_n3A_86 = arith.select %and3A, %sub3A_85, %div3A : i32
    %while3A = arith.constant 0 : i32
    %while3A_87 = arith.constant 0 : i32
    %while3A_88 = arith.subi %select_n3A_86, %while3A_87 : i32
    %while3A_89 = arith.addi %while3A_87, %while3A_88 : i32
    %while3A_90 = arith.constant 1 : i32
    %while3A_91 = arith.divsi %while3A_88, %while3A_90 : i32
    %while3A_92 = arith.muli %while3A_91, %while3A_90 : i32
    %while3A_93 = arith.addi %while3A_87, %while3A_92 : i32
    %while3A_94 = arith.constant 1 : i32
    scf.for %while3A_497 = %while3A_87 to %while3A_93 step %while3A_94  : i32 {
      %mul3A_498 = arith.constant 2 : i32
      %mul3A_499 = arith.muli %mul3A_498, %while3A_497 : i32
      %add3A_500 = arith.constant 1 : i32
      %add3A_501 = arith.addi %mul3A_499, %add3A_500 : i32
      %dma_wait3A_502 = arith.constant 0 : i32
      %dma_wait3A_503 = arith.constant 0 : i32
      %dma_wait3A_504 = tpu.memref_slice %arg19[%dma_wait3A_502, %dma_wait3A_503] : memref<10240x128xf32, #tpu.memory_space<vmem_shared>> -> memref<10240x128xf32, #tpu.memory_space<vmem_shared>>
      tpu.wait_indirect_dma semaphore(%arg22 : memref<!tpu.dma_semaphore, #tpu.memory_space<semaphore_mem>>) src(%arg13 : memref<128x128xf32, #tpu.memory_space<vmem>>) dst(%dma_wait3A_504 : memref<10240x128xf32, #tpu.memory_space<vmem_shared>>)
      %add3A_505 = arith.constant 1 : i32
      %add3A_506 = arith.addi %add3A_501, %add3A_505 : i32
      %mul3A_507 = arith.constant 128 : i32
      %mul3A_508 = arith.muli %add3A_506, %mul3A_507 : i32
      %add3A_509 = arith.addi %mul3A_2, %mul3A_508 : i32
      %dma_start3A_510 = tpu.memref_slice %arg3[%add3A_509] : memref<320000xi32, #tpu.memory_space<hbm>> -> memref<128xi32, #tpu.memory_space<hbm>>
      %dma_start3A_511 = tpu.memref_slice %arg3[%add3A_509] : memref<320000xi32, #tpu.memory_space<hbm>> -> memref<128xi32, #tpu.memory_space<hbm>>
      tpu.enqueue_dma source(%dma_start3A_511 : memref<128xi32, #tpu.memory_space<hbm>>) target(%arg9 : memref<128xi32, #tpu.memory_space<vmem>>) target_semaphore(%arg24 : memref<!tpu.dma_semaphore, #tpu.memory_space<semaphore_mem>>)
      %mul3A_512 = arith.constant 128 : i32
      %mul3A_513 = arith.muli %add3A_506, %mul3A_512 : i32
      %add3A_514 = arith.addi %mul3A_2, %mul3A_513 : i32
      %dma_start3A_515 = tpu.memref_slice %arg4[%add3A_514] : memref<320000xi32, #tpu.memory_space<hbm>> -> memref<128xi32, #tpu.memory_space<hbm>>
      %dma_start3A_516 = tpu.memref_slice %arg4[%add3A_514] : memref<320000xi32, #tpu.memory_space<hbm>> -> memref<128xi32, #tpu.memory_space<hbm>>
      tpu.enqueue_dma source(%dma_start3A_516 : memref<128xi32, #tpu.memory_space<hbm>>) target(%arg11 : memref<128xi32, #tpu.memory_space<vmem>>) target_semaphore(%arg24 : memref<!tpu.dma_semaphore, #tpu.memory_space<semaphore_mem>>)
      %dma_wait3A_517 = arith.constant 0 : i32
      %dma_wait3A_518 = arith.constant 0 : i32
      %dma_wait3A_519 = tpu.memref_slice %arg2[%dma_wait3A_517, %dma_wait3A_518] : memref<10000x128xf32, #tpu.memory_space<hbm>> -> memref<10000x128xf32, #tpu.memory_space<hbm>>
      tpu.wait_indirect_dma semaphore(%arg21 : memref<!tpu.dma_semaphore, #tpu.memory_space<semaphore_mem>>) src(%dma_wait3A_519 : memref<10000x128xf32, #tpu.memory_space<hbm>>) dst(%arg14 : memref<128x128xf32, #tpu.memory_space<vmem>>)
      %dma_wait3A_520 = arith.constant 0 : i32
      %dma_wait3A_521 = tpu.memref_slice %arg3[%dma_wait3A_520] : memref<320000xi32, #tpu.memory_space<hbm>> -> memref<128xi32, #tpu.memory_space<hbm>>
      %dma_wait3A_522 = arith.constant 0 : i32
      %dma_wait3A_523 = tpu.memref_slice %arg3[%dma_wait3A_522] : memref<320000xi32, #tpu.memory_space<hbm>> -> memref<128xi32, #tpu.memory_space<hbm>>
      tpu.wait_dma2 semaphore(%arg24 : memref<!tpu.dma_semaphore, #tpu.memory_space<semaphore_mem>>) src(%dma_wait3A_523 : memref<128xi32, #tpu.memory_space<hbm>>) dst(%arg9 : memref<128xi32, #tpu.memory_space<vmem>>)
      %dma_wait3A_524 = arith.constant 0 : i32
      %dma_wait3A_525 = tpu.memref_slice %arg4[%dma_wait3A_524] : memref<320000xi32, #tpu.memory_space<hbm>> -> memref<128xi32, #tpu.memory_space<hbm>>
      %dma_wait3A_526 = arith.constant 0 : i32
      %dma_wait3A_527 = tpu.memref_slice %arg4[%dma_wait3A_526] : memref<320000xi32, #tpu.memory_space<hbm>> -> memref<128xi32, #tpu.memory_space<hbm>>
      tpu.wait_dma2 semaphore(%arg24 : memref<!tpu.dma_semaphore, #tpu.memory_space<semaphore_mem>>) src(%dma_wait3A_527 : memref<128xi32, #tpu.memory_space<hbm>>) dst(%arg11 : memref<128xi32, #tpu.memory_space<vmem>>)
      %add3A_528 = arith.constant 1 : i32
      %add3A_529 = arith.addi %add3A_501, %add3A_528 : i32
      %dma_start3A_530 = arith.constant 0 : i32
      %dma_start3A_531 = arith.constant 0 : i32
      %dma_start3A_532 = tpu.memref_slice %arg2[%dma_start3A_530, %dma_start3A_531] : memref<10000x128xf32, #tpu.memory_space<hbm>> -> memref<10000x128xf32, #tpu.memory_space<hbm>>
      tpu.enqueue_indirect_dma source(%dma_start3A_532 : memref<10000x128xf32, #tpu.memory_space<hbm>>) target(%arg13 : memref<128x128xf32, #tpu.memory_space<vmem>>) offsets(%arg9 : memref<128xi32, #tpu.memory_space<vmem>>) semaphore(%arg20 : memref<!tpu.dma_semaphore, #tpu.memory_space<semaphore_mem>>)
      %get3A_533 = arith.constant 0 : index
      %get3A_534 = tpu.vector_load %arg12[%get3A_533] {strides = array<i32>} : memref<128xi32, #tpu.memory_space<vmem>>, vector<16xi32>,
      tpu.vector_store_idx %arg15[%get3A_534], %broadcast_in_dim3A_17 {add = true} : memref<10240xf32, #tpu.memory_space<vmem>>[vector<16xi32>], vector<16xf32>,
      %get3A_535 = arith.constant 16 : index
      %get3A_536 = tpu.vector_load %arg12[%get3A_535] {strides = array<i32>} : memref<128xi32, #tpu.memory_space<vmem>>, vector<16xi32>,
      tpu.vector_store_idx %arg15[%get3A_536], %broadcast_in_dim3A_17 {add = true} : memref<10240xf32, #tpu.memory_space<vmem>>[vector<16xi32>], vector<16xf32>,
      %get3A_537 = arith.constant 32 : index
      %get3A_538 = tpu.vector_load %arg12[%get3A_537] {strides = array<i32>} : memref<128xi32, #tpu.memory_space<vmem>>, vector<16xi32>,
      tpu.vector_store_idx %arg15[%get3A_538], %broadcast_in_dim3A_17 {add = true} : memref<10240xf32, #tpu.memory_space<vmem>>[vector<16xi32>], vector<16xf32>,
      %get3A_539 = arith.constant 48 : index
      %get3A_540 = tpu.vector_load %arg12[%get3A_539] {strides = array<i32>} : memref<128xi32, #tpu.memory_space<vmem>>, vector<16xi32>,
      tpu.vector_store_idx %arg15[%get3A_540], %broadcast_in_dim3A_17 {add = true} : memref<10240xf32, #tpu.memory_space<vmem>>[vector<16xi32>], vector<16xf32>,
      %get3A_541 = arith.constant 64 : index
      %get3A_542 = tpu.vector_load %arg12[%get3A_541] {strides = array<i32>} : memref<128xi32, #tpu.memory_space<vmem>>, vector<16xi32>,
      tpu.vector_store_idx %arg15[%get3A_542], %broadcast_in_dim3A_17 {add = true} : memref<10240xf32, #tpu.memory_space<vmem>>[vector<16xi32>], vector<16xf32>,
      %get3A_543 = arith.constant 80 : index
      %get3A_544 = tpu.vector_load %arg12[%get3A_543] {strides = array<i32>} : memref<128xi32, #tpu.memory_space<vmem>>, vector<16xi32>,
      tpu.vector_store_idx %arg15[%get3A_544], %broadcast_in_dim3A_17 {add = true} : memref<10240xf32, #tpu.memory_space<vmem>>[vector<16xi32>], vector<16xf32>,
      %get3A_545 = arith.constant 96 : index
      %get3A_546 = tpu.vector_load %arg12[%get3A_545] {strides = array<i32>} : memref<128xi32, #tpu.memory_space<vmem>>, vector<16xi32>,
      tpu.vector_store_idx %arg15[%get3A_546], %broadcast_in_dim3A_17 {add = true} : memref<10240xf32, #tpu.memory_space<vmem>>[vector<16xi32>], vector<16xf32>,
      %get3A_547 = arith.constant 112 : index
      %get3A_548 = tpu.vector_load %arg12[%get3A_547] {strides = array<i32>} : memref<128xi32, #tpu.memory_space<vmem>>, vector<16xi32>,
      tpu.vector_store_idx %arg15[%get3A_548], %broadcast_in_dim3A_17 {add = true} : memref<10240xf32, #tpu.memory_space<vmem>>[vector<16xi32>], vector<16xf32>,
      %dma_start3A_549 = arith.constant 0 : i32
      %dma_start3A_550 = arith.constant 0 : i32
      %dma_start3A_551 = tpu.memref_slice %arg19[%dma_start3A_549, %dma_start3A_550] : memref<10240x128xf32, #tpu.memory_space<vmem_shared>> -> memref<10240x128xf32, #tpu.memory_space<vmem_shared>>
      tpu.enqueue_indirect_dma source(%arg14 : memref<128x128xf32, #tpu.memory_space<vmem>>) target(%dma_start3A_551 : memref<10240x128xf32, #tpu.memory_space<vmem_shared>>) offsets(%arg12 : memref<128xi32, #tpu.memory_space<vmem>>) semaphore(%arg23 : memref<!tpu.dma_semaphore, #tpu.memory_space<semaphore_mem>>) {add = true}
      %add3A_552 = arith.constant 1 : i32
      %add3A_553 = arith.addi %add3A_501, %add3A_552 : i32
      %dma_wait3A_554 = arith.constant 0 : i32
      %dma_wait3A_555 = arith.constant 0 : i32
      %dma_wait3A_556 = tpu.memref_slice %arg19[%dma_wait3A_554, %dma_wait3A_555] : memref<10240x128xf32, #tpu.memory_space<vmem_shared>> -> memref<10240x128xf32, #tpu.memory_space<vmem_shared>>
      tpu.wait_indirect_dma semaphore(%arg23 : memref<!tpu.dma_semaphore, #tpu.memory_space<semaphore_mem>>) src(%arg14 : memref<128x128xf32, #tpu.memory_space<vmem>>) dst(%dma_wait3A_556 : memref<10240x128xf32, #tpu.memory_space<vmem_shared>>)
      %add3A_557 = arith.constant 1 : i32
      %add3A_558 = arith.addi %add3A_553, %add3A_557 : i32
      %mul3A_559 = arith.constant 128 : i32
      %mul3A_560 = arith.muli %add3A_558, %mul3A_559 : i32
      %add3A_561 = arith.addi %mul3A_2, %mul3A_560 : i32
      %dma_start3A_562 = tpu.memref_slice %arg3[%add3A_561] : memref<320000xi32, #tpu.memory_space<hbm>> -> memref<128xi32, #tpu.memory_space<hbm>>
      %dma_start3A_563 = tpu.memref_slice %arg3[%add3A_561] : memref<320000xi32, #tpu.memory_space<hbm>> -> memref<128xi32, #tpu.memory_space<hbm>>
      tpu.enqueue_dma source(%dma_start3A_563 : memref<128xi32, #tpu.memory_space<hbm>>) target(%arg10 : memref<128xi32, #tpu.memory_space<vmem>>) target_semaphore(%arg25 : memref<!tpu.dma_semaphore, #tpu.memory_space<semaphore_mem>>)
      %mul3A_564 = arith.constant 128 : i32
      %mul3A_565 = arith.muli %add3A_558, %mul3A_564 : i32
      %add3A_566 = arith.addi %mul3A_2, %mul3A_565 : i32
      %dma_start3A_567 = tpu.memref_slice %arg4[%add3A_566] : memref<320000xi32, #tpu.memory_space<hbm>> -> memref<128xi32, #tpu.memory_space<hbm>>
      %dma_start3A_568 = tpu.memref_slice %arg4[%add3A_566] : memref<320000xi32, #tpu.memory_space<hbm>> -> memref<128xi32, #tpu.memory_space<hbm>>
      tpu.enqueue_dma source(%dma_start3A_568 : memref<128xi32, #tpu.memory_space<hbm>>) target(%arg12 : memref<128xi32, #tpu.memory_space<vmem>>) target_semaphore(%arg25 : memref<!tpu.dma_semaphore, #tpu.memory_space<semaphore_mem>>)
      %dma_wait3A_569 = arith.constant 0 : i32
      %dma_wait3A_570 = arith.constant 0 : i32
      %dma_wait3A_571 = tpu.memref_slice %arg2[%dma_wait3A_569, %dma_wait3A_570] : memref<10000x128xf32, #tpu.memory_space<hbm>> -> memref<10000x128xf32, #tpu.memory_space<hbm>>
      tpu.wait_indirect_dma semaphore(%arg20 : memref<!tpu.dma_semaphore, #tpu.memory_space<semaphore_mem>>) src(%dma_wait3A_571 : memref<10000x128xf32, #tpu.memory_space<hbm>>) dst(%arg13 : memref<128x128xf32, #tpu.memory_space<vmem>>)
      %dma_wait3A_572 = arith.constant 0 : i32
      %dma_wait3A_573 = tpu.memref_slice %arg3[%dma_wait3A_572] : memref<320000xi32, #tpu.memory_space<hbm>> -> memref<128xi32, #tpu.memory_space<hbm>>
      %dma_wait3A_574 = arith.constant 0 : i32
      %dma_wait3A_575 = tpu.memref_slice %arg3[%dma_wait3A_574] : memref<320000xi32, #tpu.memory_space<hbm>> -> memref<128xi32, #tpu.memory_space<hbm>>
      tpu.wait_dma2 semaphore(%arg25 : memref<!tpu.dma_semaphore, #tpu.memory_space<semaphore_mem>>) src(%dma_wait3A_575 : memref<128xi32, #tpu.memory_space<hbm>>) dst(%arg10 : memref<128xi32, #tpu.memory_space<vmem>>)
      %dma_wait3A_576 = arith.constant 0 : i32
      %dma_wait3A_577 = tpu.memref_slice %arg4[%dma_wait3A_576] : memref<320000xi32, #tpu.memory_space<hbm>> -> memref<128xi32, #tpu.memory_space<hbm>>
      %dma_wait3A_578 = arith.constant 0 : i32
      %dma_wait3A_579 = tpu.memref_slice %arg4[%dma_wait3A_578] : memref<320000xi32, #tpu.memory_space<hbm>> -> memref<128xi32, #tpu.memory_space<hbm>>
      tpu.wait_dma2 semaphore(%arg25 : memref<!tpu.dma_semaphore, #tpu.memory_space<semaphore_mem>>) src(%dma_wait3A_579 : memref<128xi32, #tpu.memory_space<hbm>>) dst(%arg12 : memref<128xi32, #tpu.memory_space<vmem>>)
      %add3A_580 = arith.constant 1 : i32
      %add3A_581 = arith.addi %add3A_553, %add3A_580 : i32
      %dma_start3A_582 = arith.constant 0 : i32
      %dma_start3A_583 = arith.constant 0 : i32
      %dma_start3A_584 = tpu.memref_slice %arg2[%dma_start3A_582, %dma_start3A_583] : memref<10000x128xf32, #tpu.memory_space<hbm>> -> memref<10000x128xf32, #tpu.memory_space<hbm>>
      tpu.enqueue_indirect_dma source(%dma_start3A_584 : memref<10000x128xf32, #tpu.memory_space<hbm>>) target(%arg14 : memref<128x128xf32, #tpu.memory_space<vmem>>) offsets(%arg10 : memref<128xi32, #tpu.memory_space<vmem>>) semaphore(%arg21 : memref<!tpu.dma_semaphore, #tpu.memory_space<semaphore_mem>>)
      %get3A_585 = arith.constant 0 : index
      %get3A_586 = tpu.vector_load %arg11[%get3A_585] {strides = array<i32>} : memref<128xi32, #tpu.memory_space<vmem>>, vector<16xi32>,
      tpu.vector_store_idx %arg15[%get3A_586], %broadcast_in_dim3A_17 {add = true} : memref<10240xf32, #tpu.memory_space<vmem>>[vector<16xi32>], vector<16xf32>,
      %get3A_587 = arith.constant 16 : index
      %get3A_588 = tpu.vector_load %arg11[%get3A_587] {strides = array<i32>} : memref<128xi32, #tpu.memory_space<vmem>>, vector<16xi32>,
      tpu.vector_store_idx %arg15[%get3A_588], %broadcast_in_dim3A_17 {add = true} : memref<10240xf32, #tpu.memory_space<vmem>>[vector<16xi32>], vector<16xf32>,
      %get3A_589 = arith.constant 32 : index
      %get3A_590 = tpu.vector_load %arg11[%get3A_589] {strides = array<i32>} : memref<128xi32, #tpu.memory_space<vmem>>, vector<16xi32>,
      tpu.vector_store_idx %arg15[%get3A_590], %broadcast_in_dim3A_17 {add = true} : memref<10240xf32, #tpu.memory_space<vmem>>[vector<16xi32>], vector<16xf32>,
      %get3A_591 = arith.constant 48 : index
      %get3A_592 = tpu.vector_load %arg11[%get3A_591] {strides = array<i32>} : memref<128xi32, #tpu.memory_space<vmem>>, vector<16xi32>,
      tpu.vector_store_idx %arg15[%get3A_592], %broadcast_in_dim3A_17 {add = true} : memref<10240xf32, #tpu.memory_space<vmem>>[vector<16xi32>], vector<16xf32>,
      %get3A_593 = arith.constant 64 : index
      %get3A_594 = tpu.vector_load %arg11[%get3A_593] {strides = array<i32>} : memref<128xi32, #tpu.memory_space<vmem>>, vector<16xi32>,
      tpu.vector_store_idx %arg15[%get3A_594], %broadcast_in_dim3A_17 {add = true} : memref<10240xf32, #tpu.memory_space<vmem>>[vector<16xi32>], vector<16xf32>,
      %get3A_595 = arith.constant 80 : index
      %get3A_596 = tpu.vector_load %arg11[%get3A_595] {strides = array<i32>} : memref<128xi32, #tpu.memory_space<vmem>>, vector<16xi32>,
      tpu.vector_store_idx %arg15[%get3A_596], %broadcast_in_dim3A_17 {add = true} : memref<10240xf32, #tpu.memory_space<vmem>>[vector<16xi32>], vector<16xf32>,
      %get3A_597 = arith.constant 96 : index
      %get3A_598 = tpu.vector_load %arg11[%get3A_597] {strides = array<i32>} : memref<128xi32, #tpu.memory_space<vmem>>, vector<16xi32>,
      tpu.vector_store_idx %arg15[%get3A_598], %broadcast_in_dim3A_17 {add = true} : memref<10240xf32, #tpu.memory_space<vmem>>[vector<16xi32>], vector<16xf32>,
      %get3A_599 = arith.constant 112 : index
      %get3A_600 = tpu.vector_load %arg11[%get3A_599] {strides = array<i32>} : memref<128xi32, #tpu.memory_space<vmem>>, vector<16xi32>,
      tpu.vector_store_idx %arg15[%get3A_600], %broadcast_in_dim3A_17 {add = true} : memref<10240xf32, #tpu.memory_space<vmem>>[vector<16xi32>], vector<16xf32>,
      %dma_start3A_601 = arith.constant 0 : i32
      %dma_start3A_602 = arith.constant 0 : i32
      %dma_start3A_603 = tpu.memref_slice %arg19[%dma_start3A_601, %dma_start3A_602] : memref<10240x128xf32, #tpu.memory_space<vmem_shared>> -> memref<10240x128xf32, #tpu.memory_space<vmem_shared>>
      tpu.enqueue_indirect_dma source(%arg13 : memref<128x128xf32, #tpu.memory_space<vmem>>) target(%dma_start3A_603 : memref<10240x128xf32, #tpu.memory_space<vmem_shared>>) offsets(%arg11 : memref<128xi32, #tpu.memory_space<vmem>>) semaphore(%arg22 : memref<!tpu.dma_semaphore, #tpu.memory_space<semaphore_mem>>) {add = true}
    }
    %while3A_95 = arith.constant 1 : i32
    scf.for %while3A_497 = %while3A_93 to %while3A_89 step %while3A_95  : i32 {
      %mul3A_498 = arith.constant 2 : i32
      %mul3A_499 = arith.muli %mul3A_498, %while3A_497 : i32
      %add3A_500 = arith.constant 1 : i32
      %add3A_501 = arith.addi %mul3A_499, %add3A_500 : i32
      %dma_wait3A_502 = arith.constant 0 : i32
      %dma_wait3A_503 = arith.constant 0 : i32
      %dma_wait3A_504 = tpu.memref_slice %arg19[%dma_wait3A_502, %dma_wait3A_503] : memref<10240x128xf32, #tpu.memory_space<vmem_shared>> -> memref<10240x128xf32, #tpu.memory_space<vmem_shared>>
      tpu.wait_indirect_dma semaphore(%arg22 : memref<!tpu.dma_semaphore, #tpu.memory_space<semaphore_mem>>) src(%arg13 : memref<128x128xf32, #tpu.memory_space<vmem>>) dst(%dma_wait3A_504 : memref<10240x128xf32, #tpu.memory_space<vmem_shared>>)
      %add3A_505 = arith.constant 1 : i32
      %add3A_506 = arith.addi %add3A_501, %add3A_505 : i32
      %mul3A_507 = arith.constant 128 : i32
      %mul3A_508 = arith.muli %add3A_506, %mul3A_507 : i32
      %add3A_509 = arith.addi %mul3A_2, %mul3A_508 : i32
      %dma_start3A_510 = tpu.memref_slice %arg3[%add3A_509] : memref<320000xi32, #tpu.memory_space<hbm>> -> memref<128xi32, #tpu.memory_space<hbm>>
      %dma_start3A_511 = tpu.memref_slice %arg3[%add3A_509] : memref<320000xi32, #tpu.memory_space<hbm>> -> memref<128xi32, #tpu.memory_space<hbm>>
      tpu.enqueue_dma source(%dma_start3A_511 : memref<128xi32, #tpu.memory_space<hbm>>) target(%arg9 : memref<128xi32, #tpu.memory_space<vmem>>) target_semaphore(%arg24 : memref<!tpu.dma_semaphore, #tpu.memory_space<semaphore_mem>>)
      %mul3A_512 = arith.constant 128 : i32
      %mul3A_513 = arith.muli %add3A_506, %mul3A_512 : i32
      %add3A_514 = arith.addi %mul3A_2, %mul3A_513 : i32
      %dma_start3A_515 = tpu.memref_slice %arg4[%add3A_514] : memref<320000xi32, #tpu.memory_space<hbm>> -> memref<128xi32, #tpu.memory_space<hbm>>
      %dma_start3A_516 = tpu.memref_slice %arg4[%add3A_514] : memref<320000xi32, #tpu.memory_space<hbm>> -> memref<128xi32, #tpu.memory_space<hbm>>
      tpu.enqueue_dma source(%dma_start3A_516 : memref<128xi32, #tpu.memory_space<hbm>>) target(%arg11 : memref<128xi32, #tpu.memory_space<vmem>>) target_semaphore(%arg24 : memref<!tpu.dma_semaphore, #tpu.memory_space<semaphore_mem>>)
      %dma_wait3A_517 = arith.constant 0 : i32
      %dma_wait3A_518 = arith.constant 0 : i32
      %dma_wait3A_519 = tpu.memref_slice %arg2[%dma_wait3A_517, %dma_wait3A_518] : memref<10000x128xf32, #tpu.memory_space<hbm>> -> memref<10000x128xf32, #tpu.memory_space<hbm>>
      tpu.wait_indirect_dma semaphore(%arg21 : memref<!tpu.dma_semaphore, #tpu.memory_space<semaphore_mem>>) src(%dma_wait3A_519 : memref<10000x128xf32, #tpu.memory_space<hbm>>) dst(%arg14 : memref<128x128xf32, #tpu.memory_space<vmem>>)
      %dma_wait3A_520 = arith.constant 0 : i32
      %dma_wait3A_521 = tpu.memref_slice %arg3[%dma_wait3A_520] : memref<320000xi32, #tpu.memory_space<hbm>> -> memref<128xi32, #tpu.memory_space<hbm>>
      %dma_wait3A_522 = arith.constant 0 : i32
      %dma_wait3A_523 = tpu.memref_slice %arg3[%dma_wait3A_522] : memref<320000xi32, #tpu.memory_space<hbm>> -> memref<128xi32, #tpu.memory_space<hbm>>
      tpu.wait_dma2 semaphore(%arg24 : memref<!tpu.dma_semaphore, #tpu.memory_space<semaphore_mem>>) src(%dma_wait3A_523 : memref<128xi32, #tpu.memory_space<hbm>>) dst(%arg9 : memref<128xi32, #tpu.memory_space<vmem>>)
      %dma_wait3A_524 = arith.constant 0 : i32
      %dma_wait3A_525 = tpu.memref_slice %arg4[%dma_wait3A_524] : memref<320000xi32, #tpu.memory_space<hbm>> -> memref<128xi32, #tpu.memory_space<hbm>>
      %dma_wait3A_526 = arith.constant 0 : i32
      %dma_wait3A_527 = tpu.memref_slice %arg4[%dma_wait3A_526] : memref<320000xi32, #tpu.memory_space<hbm>> -> memref<128xi32, #tpu.memory_space<hbm>>
      tpu.wait_dma2 semaphore(%arg24 : memref<!tpu.dma_semaphore, #tpu.memory_space<semaphore_mem>>) src(%dma_wait3A_527 : memref<128xi32, #tpu.memory_space<hbm>>) dst(%arg11 : memref<128xi32, #tpu.memory_space<vmem>>)
      %add3A_528 = arith.constant 1 : i32
      %add3A_529 = arith.addi %add3A_501, %add3A_528 : i32
      %dma_start3A_530 = arith.constant 0 : i32
      %dma_start3A_531 = arith.constant 0 : i32
      %dma_start3A_532 = tpu.memref_slice %arg2[%dma_start3A_530, %dma_start3A_531] : memref<10000x128xf32, #tpu.memory_space<hbm>> -> memref<10000x128xf32, #tpu.memory_space<hbm>>
      tpu.enqueue_indirect_dma source(%dma_start3A_532 : memref<10000x128xf32, #tpu.memory_space<hbm>>) target(%arg13 : memref<128x128xf32, #tpu.memory_space<vmem>>) offsets(%arg9 : memref<128xi32, #tpu.memory_space<vmem>>) semaphore(%arg20 : memref<!tpu.dma_semaphore, #tpu.memory_space<semaphore_mem>>)
      %get3A_533 = arith.constant 0 : index
      %get3A_534 = tpu.vector_load %arg12[%get3A_533] {strides = array<i32>} : memref<128xi32, #tpu.memory_space<vmem>>, vector<16xi32>,
      tpu.vector_store_idx %arg15[%get3A_534], %broadcast_in_dim3A_17 {add = true} : memref<10240xf32, #tpu.memory_space<vmem>>[vector<16xi32>], vector<16xf32>,
      %get3A_535 = arith.constant 16 : index
      %get3A_536 = tpu.vector_load %arg12[%get3A_535] {strides = array<i32>} : memref<128xi32, #tpu.memory_space<vmem>>, vector<16xi32>,
      tpu.vector_store_idx %arg15[%get3A_536], %broadcast_in_dim3A_17 {add = true} : memref<10240xf32, #tpu.memory_space<vmem>>[vector<16xi32>], vector<16xf32>,
      %get3A_537 = arith.constant 32 : index
      %get3A_538 = tpu.vector_load %arg12[%get3A_537] {strides = array<i32>} : memref<128xi32, #tpu.memory_space<vmem>>, vector<16xi32>,
      tpu.vector_store_idx %arg15[%get3A_538], %broadcast_in_dim3A_17 {add = true} : memref<10240xf32, #tpu.memory_space<vmem>>[vector<16xi32>], vector<16xf32>,
      %get3A_539 = arith.constant 48 : index
      %get3A_540 = tpu.vector_load %arg12[%get3A_539] {strides = array<i32>} : memref<128xi32, #tpu.memory_space<vmem>>, vector<16xi32>,
      tpu.vector_store_idx %arg15[%get3A_540], %broadcast_in_dim3A_17 {add = true} : memref<10240xf32, #tpu.memory_space<vmem>>[vector<16xi32>], vector<16xf32>,
      %get3A_541 = arith.constant 64 : index
      %get3A_542 = tpu.vector_load %arg12[%get3A_541] {strides = array<i32>} : memref<128xi32, #tpu.memory_space<vmem>>, vector<16xi32>,
      tpu.vector_store_idx %arg15[%get3A_542], %broadcast_in_dim3A_17 {add = true} : memref<10240xf32, #tpu.memory_space<vmem>>[vector<16xi32>], vector<16xf32>,
      %get3A_543 = arith.constant 80 : index
      %get3A_544 = tpu.vector_load %arg12[%get3A_543] {strides = array<i32>} : memref<128xi32, #tpu.memory_space<vmem>>, vector<16xi32>,
      tpu.vector_store_idx %arg15[%get3A_544], %broadcast_in_dim3A_17 {add = true} : memref<10240xf32, #tpu.memory_space<vmem>>[vector<16xi32>], vector<16xf32>,
      %get3A_545 = arith.constant 96 : index
      %get3A_546 = tpu.vector_load %arg12[%get3A_545] {strides = array<i32>} : memref<128xi32, #tpu.memory_space<vmem>>, vector<16xi32>,
      tpu.vector_store_idx %arg15[%get3A_546], %broadcast_in_dim3A_17 {add = true} : memref<10240xf32, #tpu.memory_space<vmem>>[vector<16xi32>], vector<16xf32>,
      %get3A_547 = arith.constant 112 : index
      %get3A_548 = tpu.vector_load %arg12[%get3A_547] {strides = array<i32>} : memref<128xi32, #tpu.memory_space<vmem>>, vector<16xi32>,
      tpu.vector_store_idx %arg15[%get3A_548], %broadcast_in_dim3A_17 {add = true} : memref<10240xf32, #tpu.memory_space<vmem>>[vector<16xi32>], vector<16xf32>,
      %dma_start3A_549 = arith.constant 0 : i32
      %dma_start3A_550 = arith.constant 0 : i32
      %dma_start3A_551 = tpu.memref_slice %arg19[%dma_start3A_549, %dma_start3A_550] : memref<10240x128xf32, #tpu.memory_space<vmem_shared>> -> memref<10240x128xf32, #tpu.memory_space<vmem_shared>>
      tpu.enqueue_indirect_dma source(%arg14 : memref<128x128xf32, #tpu.memory_space<vmem>>) target(%dma_start3A_551 : memref<10240x128xf32, #tpu.memory_space<vmem_shared>>) offsets(%arg12 : memref<128xi32, #tpu.memory_space<vmem>>) semaphore(%arg23 : memref<!tpu.dma_semaphore, #tpu.memory_space<semaphore_mem>>) {add = true}
      %add3A_552 = arith.constant 1 : i32
      %add3A_553 = arith.addi %add3A_501, %add3A_552 : i32
      %dma_wait3A_554 = arith.constant 0 : i32
      %dma_wait3A_555 = arith.constant 0 : i32
      %dma_wait3A_556 = tpu.memref_slice %arg19[%dma_wait3A_554, %dma_wait3A_555] : memref<10240x128xf32, #tpu.memory_space<vmem_shared>> -> memref<10240x128xf32, #tpu.memory_space<vmem_shared>>
      tpu.wait_indirect_dma semaphore(%arg23 : memref<!tpu.dma_semaphore, #tpu.memory_space<semaphore_mem>>) src(%arg14 : memref<128x128xf32, #tpu.memory_space<vmem>>) dst(%dma_wait3A_556 : memref<10240x128xf32, #tpu.memory_space<vmem_shared>>)
      %add3A_557 = arith.constant 1 : i32
      %add3A_558 = arith.addi %add3A_553, %add3A_557 : i32
      %mul3A_559 = arith.constant 128 : i32
      %mul3A_560 = arith.muli %add3A_558, %mul3A_559 : i32
      %add3A_561 = arith.addi %mul3A_2, %mul3A_560 : i32
      %dma_start3A_562 = tpu.memref_slice %arg3[%add3A_561] : memref<320000xi32, #tpu.memory_space<hbm>> -> memref<128xi32, #tpu.memory_space<hbm>>
      %dma_start3A_563 = tpu.memref_slice %arg3[%add3A_561] : memref<320000xi32, #tpu.memory_space<hbm>> -> memref<128xi32, #tpu.memory_space<hbm>>
      tpu.enqueue_dma source(%dma_start3A_563 : memref<128xi32, #tpu.memory_space<hbm>>) target(%arg10 : memref<128xi32, #tpu.memory_space<vmem>>) target_semaphore(%arg25 : memref<!tpu.dma_semaphore, #tpu.memory_space<semaphore_mem>>)
      %mul3A_564 = arith.constant 128 : i32
      %mul3A_565 = arith.muli %add3A_558, %mul3A_564 : i32
      %add3A_566 = arith.addi %mul3A_2, %mul3A_565 : i32
      %dma_start3A_567 = tpu.memref_slice %arg4[%add3A_566] : memref<320000xi32, #tpu.memory_space<hbm>> -> memref<128xi32, #tpu.memory_space<hbm>>
      %dma_start3A_568 = tpu.memref_slice %arg4[%add3A_566] : memref<320000xi32, #tpu.memory_space<hbm>> -> memref<128xi32, #tpu.memory_space<hbm>>
      tpu.enqueue_dma source(%dma_start3A_568 : memref<128xi32, #tpu.memory_space<hbm>>) target(%arg12 : memref<128xi32, #tpu.memory_space<vmem>>) target_semaphore(%arg25 : memref<!tpu.dma_semaphore, #tpu.memory_space<semaphore_mem>>)
      %dma_wait3A_569 = arith.constant 0 : i32
      %dma_wait3A_570 = arith.constant 0 : i32
      %dma_wait3A_571 = tpu.memref_slice %arg2[%dma_wait3A_569, %dma_wait3A_570] : memref<10000x128xf32, #tpu.memory_space<hbm>> -> memref<10000x128xf32, #tpu.memory_space<hbm>>
      tpu.wait_indirect_dma semaphore(%arg20 : memref<!tpu.dma_semaphore, #tpu.memory_space<semaphore_mem>>) src(%dma_wait3A_571 : memref<10000x128xf32, #tpu.memory_space<hbm>>) dst(%arg13 : memref<128x128xf32, #tpu.memory_space<vmem>>)
      %dma_wait3A_572 = arith.constant 0 : i32
      %dma_wait3A_573 = tpu.memref_slice %arg3[%dma_wait3A_572] : memref<320000xi32, #tpu.memory_space<hbm>> -> memref<128xi32, #tpu.memory_space<hbm>>
      %dma_wait3A_574 = arith.constant 0 : i32
      %dma_wait3A_575 = tpu.memref_slice %arg3[%dma_wait3A_574] : memref<320000xi32, #tpu.memory_space<hbm>> -> memref<128xi32, #tpu.memory_space<hbm>>
      tpu.wait_dma2 semaphore(%arg25 : memref<!tpu.dma_semaphore, #tpu.memory_space<semaphore_mem>>) src(%dma_wait3A_575 : memref<128xi32, #tpu.memory_space<hbm>>) dst(%arg10 : memref<128xi32, #tpu.memory_space<vmem>>)
      %dma_wait3A_576 = arith.constant 0 : i32
      %dma_wait3A_577 = tpu.memref_slice %arg4[%dma_wait3A_576] : memref<320000xi32, #tpu.memory_space<hbm>> -> memref<128xi32, #tpu.memory_space<hbm>>
      %dma_wait3A_578 = arith.constant 0 : i32
      %dma_wait3A_579 = tpu.memref_slice %arg4[%dma_wait3A_578] : memref<320000xi32, #tpu.memory_space<hbm>> -> memref<128xi32, #tpu.memory_space<hbm>>
      tpu.wait_dma2 semaphore(%arg25 : memref<!tpu.dma_semaphore, #tpu.memory_space<semaphore_mem>>) src(%dma_wait3A_579 : memref<128xi32, #tpu.memory_space<hbm>>) dst(%arg12 : memref<128xi32, #tpu.memory_space<vmem>>)
      %add3A_580 = arith.constant 1 : i32
      %add3A_581 = arith.addi %add3A_553, %add3A_580 : i32
      %dma_start3A_582 = arith.constant 0 : i32
      %dma_start3A_583 = arith.constant 0 : i32
      %dma_start3A_584 = tpu.memref_slice %arg2[%dma_start3A_582, %dma_start3A_583] : memref<10000x128xf32, #tpu.memory_space<hbm>> -> memref<10000x128xf32, #tpu.memory_space<hbm>>
      tpu.enqueue_indirect_dma source(%dma_start3A_584 : memref<10000x128xf32, #tpu.memory_space<hbm>>) target(%arg14 : memref<128x128xf32, #tpu.memory_space<vmem>>) offsets(%arg10 : memref<128xi32, #tpu.memory_space<vmem>>) semaphore(%arg21 : memref<!tpu.dma_semaphore, #tpu.memory_space<semaphore_mem>>)
      %get3A_585 = arith.constant 0 : index
      %get3A_586 = tpu.vector_load %arg11[%get3A_585] {strides = array<i32>} : memref<128xi32, #tpu.memory_space<vmem>>, vector<16xi32>,
      tpu.vector_store_idx %arg15[%get3A_586], %broadcast_in_dim3A_17 {add = true} : memref<10240xf32, #tpu.memory_space<vmem>>[vector<16xi32>], vector<16xf32>,
      %get3A_587 = arith.constant 16 : index
      %get3A_588 = tpu.vector_load %arg11[%get3A_587] {strides = array<i32>} : memref<128xi32, #tpu.memory_space<vmem>>, vector<16xi32>,
      tpu.vector_store_idx %arg15[%get3A_588], %broadcast_in_dim3A_17 {add = true} : memref<10240xf32, #tpu.memory_space<vmem>>[vector<16xi32>], vector<16xf32>,
      %get3A_589 = arith.constant 32 : index
      %get3A_590 = tpu.vector_load %arg11[%get3A_589] {strides = array<i32>} : memref<128xi32, #tpu.memory_space<vmem>>, vector<16xi32>,
      tpu.vector_store_idx %arg15[%get3A_590], %broadcast_in_dim3A_17 {add = true} : memref<10240xf32, #tpu.memory_space<vmem>>[vector<16xi32>], vector<16xf32>,
      %get3A_591 = arith.constant 48 : index
      %get3A_592 = tpu.vector_load %arg11[%get3A_591] {strides = array<i32>} : memref<128xi32, #tpu.memory_space<vmem>>, vector<16xi32>,
      tpu.vector_store_idx %arg15[%get3A_592], %broadcast_in_dim3A_17 {add = true} : memref<10240xf32, #tpu.memory_space<vmem>>[vector<16xi32>], vector<16xf32>,
      %get3A_593 = arith.constant 64 : index
      %get3A_594 = tpu.vector_load %arg11[%get3A_593] {strides = array<i32>} : memref<128xi32, #tpu.memory_space<vmem>>, vector<16xi32>,
      tpu.vector_store_idx %arg15[%get3A_594], %broadcast_in_dim3A_17 {add = true} : memref<10240xf32, #tpu.memory_space<vmem>>[vector<16xi32>], vector<16xf32>,
      %get3A_595 = arith.constant 80 : index
      %get3A_596 = tpu.vector_load %arg11[%get3A_595] {strides = array<i32>} : memref<128xi32, #tpu.memory_space<vmem>>, vector<16xi32>,
      tpu.vector_store_idx %arg15[%get3A_596], %broadcast_in_dim3A_17 {add = true} : memref<10240xf32, #tpu.memory_space<vmem>>[vector<16xi32>], vector<16xf32>,
      %get3A_597 = arith.constant 96 : index
      %get3A_598 = tpu.vector_load %arg11[%get3A_597] {strides = array<i32>} : memref<128xi32, #tpu.memory_space<vmem>>, vector<16xi32>,
      tpu.vector_store_idx %arg15[%get3A_598], %broadcast_in_dim3A_17 {add = true} : memref<10240xf32, #tpu.memory_space<vmem>>[vector<16xi32>], vector<16xf32>,
      %get3A_599 = arith.constant 112 : index
      %get3A_600 = tpu.vector_load %arg11[%get3A_599] {strides = array<i32>} : memref<128xi32, #tpu.memory_space<vmem>>, vector<16xi32>,
      tpu.vector_store_idx %arg15[%get3A_600], %broadcast_in_dim3A_17 {add = true} : memref<10240xf32, #tpu.memory_space<vmem>>[vector<16xi32>], vector<16xf32>,
      %dma_start3A_601 = arith.constant 0 : i32
      %dma_start3A_602 = arith.constant 0 : i32
      %dma_start3A_603 = tpu.memref_slice %arg19[%dma_start3A_601, %dma_start3A_602] : memref<10240x128xf32, #tpu.memory_space<vmem_shared>> -> memref<10240x128xf32, #tpu.memory_space<vmem_shared>>
      tpu.enqueue_indirect_dma source(%arg13 : memref<128x128xf32, #tpu.memory_space<vmem>>) target(%dma_start3A_603 : memref<10240x128xf32, #tpu.memory_space<vmem_shared>>) offsets(%arg11 : memref<128xi32, #tpu.memory_space<vmem>>) semaphore(%arg22 : memref<!tpu.dma_semaphore, #tpu.memory_space<semaphore_mem>>) {add = true}
    }
    %dma_wait3A_96 = arith.constant 0 : i32
    %dma_wait3A_97 = arith.constant 0 : i32
    %dma_wait3A_98 = tpu.memref_slice %arg19[%dma_wait3A_96, %dma_wait3A_97] : memref<10240x128xf32, #tpu.memory_space<vmem_shared>> -> memref<10240x128xf32, #tpu.memory_space<vmem_shared>>
    tpu.wait_indirect_dma semaphore(%arg22 : memref<!tpu.dma_semaphore, #tpu.memory_space<semaphore_mem>>) src(%arg13 : memref<128x128xf32, #tpu.memory_space<vmem>>) dst(%dma_wait3A_98 : memref<10240x128xf32, #tpu.memory_space<vmem_shared>>)
    %sub3A_99 = arith.constant 1 : i32
    %sub3A_100 = arith.subi %select_n3A, %sub3A_99 : i32
    %mul3A_101 = arith.constant 128 : i32
    %mul3A_102 = arith.muli %sub3A_100, %mul3A_101 : i32
    %add3A_103 = arith.addi %mul3A_2, %mul3A_102 : i32
    %dma_start3A_104 = tpu.memref_slice %arg3[%add3A_103] : memref<320000xi32, #tpu.memory_space<hbm>> -> memref<128xi32, #tpu.memory_space<hbm>>
    %dma_start3A_105 = tpu.memref_slice %arg3[%add3A_103] : memref<320000xi32, #tpu.memory_space<hbm>> -> memref<128xi32, #tpu.memory_space<hbm>>
    tpu.enqueue_dma source(%dma_start3A_105 : memref<128xi32, #tpu.memory_space<hbm>>) target(%arg9 : memref<128xi32, #tpu.memory_space<vmem>>) target_semaphore(%arg24 : memref<!tpu.dma_semaphore, #tpu.memory_space<semaphore_mem>>)
    %mul3A_106 = arith.constant 128 : i32
    %mul3A_107 = arith.muli %sub3A_100, %mul3A_106 : i32
    %add3A_108 = arith.addi %mul3A_2, %mul3A_107 : i32
    %dma_start3A_109 = tpu.memref_slice %arg4[%add3A_108] : memref<320000xi32, #tpu.memory_space<hbm>> -> memref<128xi32, #tpu.memory_space<hbm>>
    %dma_start3A_110 = tpu.memref_slice %arg4[%add3A_108] : memref<320000xi32, #tpu.memory_space<hbm>> -> memref<128xi32, #tpu.memory_space<hbm>>
    tpu.enqueue_dma source(%dma_start3A_110 : memref<128xi32, #tpu.memory_space<hbm>>) target(%arg11 : memref<128xi32, #tpu.memory_space<vmem>>) target_semaphore(%arg24 : memref<!tpu.dma_semaphore, #tpu.memory_space<semaphore_mem>>)
    %dma_wait3A_111 = arith.constant 0 : i32
    %dma_wait3A_112 = arith.constant 0 : i32
    %dma_wait3A_113 = tpu.memref_slice %arg2[%dma_wait3A_111, %dma_wait3A_112] : memref<10000x128xf32, #tpu.memory_space<hbm>> -> memref<10000x128xf32, #tpu.memory_space<hbm>>
    tpu.wait_indirect_dma semaphore(%arg21 : memref<!tpu.dma_semaphore, #tpu.memory_space<semaphore_mem>>) src(%dma_wait3A_113 : memref<10000x128xf32, #tpu.memory_space<hbm>>) dst(%arg14 : memref<128x128xf32, #tpu.memory_space<vmem>>)
    %dma_wait3A_114 = arith.constant 0 : i32
    %dma_wait3A_115 = tpu.memref_slice %arg3[%dma_wait3A_114] : memref<320000xi32, #tpu.memory_space<hbm>> -> memref<128xi32, #tpu.memory_space<hbm>>
    %dma_wait3A_116 = arith.constant 0 : i32
    %dma_wait3A_117 = tpu.memref_slice %arg3[%dma_wait3A_116] : memref<320000xi32, #tpu.memory_space<hbm>> -> memref<128xi32, #tpu.memory_space<hbm>>
    tpu.wait_dma2 semaphore(%arg24 : memref<!tpu.dma_semaphore, #tpu.memory_space<semaphore_mem>>) src(%dma_wait3A_117 : memref<128xi32, #tpu.memory_space<hbm>>) dst(%arg9 : memref<128xi32, #tpu.memory_space<vmem>>)
    %dma_wait3A_118 = arith.constant 0 : i32
    %dma_wait3A_119 = tpu.memref_slice %arg4[%dma_wait3A_118] : memref<320000xi32, #tpu.memory_space<hbm>> -> memref<128xi32, #tpu.memory_space<hbm>>
    %dma_wait3A_120 = arith.constant 0 : i32
    %dma_wait3A_121 = tpu.memref_slice %arg4[%dma_wait3A_120] : memref<320000xi32, #tpu.memory_space<hbm>> -> memref<128xi32, #tpu.memory_space<hbm>>
    tpu.wait_dma2 semaphore(%arg24 : memref<!tpu.dma_semaphore, #tpu.memory_space<semaphore_mem>>) src(%dma_wait3A_121 : memref<128xi32, #tpu.memory_space<hbm>>) dst(%arg11 : memref<128xi32, #tpu.memory_space<vmem>>)
    %sub3A_122 = arith.constant 1 : i32
    %sub3A_123 = arith.subi %select_n3A, %sub3A_122 : i32
    %dma_start3A_124 = arith.constant 0 : i32
    %dma_start3A_125 = arith.constant 0 : i32
    %dma_start3A_126 = tpu.memref_slice %arg2[%dma_start3A_124, %dma_start3A_125] : memref<10000x128xf32, #tpu.memory_space<hbm>> -> memref<10000x128xf32, #tpu.memory_space<hbm>>
    tpu.enqueue_indirect_dma source(%dma_start3A_126 : memref<10000x128xf32, #tpu.memory_space<hbm>>) target(%arg13 : memref<128x128xf32, #tpu.memory_space<vmem>>) offsets(%arg9 : memref<128xi32, #tpu.memory_space<vmem>>) semaphore(%arg20 : memref<!tpu.dma_semaphore, #tpu.memory_space<semaphore_mem>>)
    %get3A_127 = arith.constant 0 : index
    %get3A_128 = tpu.vector_load %arg12[%get3A_127] {strides = array<i32>} : memref<128xi32, #tpu.memory_space<vmem>>, vector<16xi32>,
    tpu.vector_store_idx %arg15[%get3A_128], %broadcast_in_dim3A_17 {add = true} : memref<10240xf32, #tpu.memory_space<vmem>>[vector<16xi32>], vector<16xf32>,
    %get3A_129 = arith.constant 16 : index
    %get3A_130 = tpu.vector_load %arg12[%get3A_129] {strides = array<i32>} : memref<128xi32, #tpu.memory_space<vmem>>, vector<16xi32>,
    tpu.vector_store_idx %arg15[%get3A_130], %broadcast_in_dim3A_17 {add = true} : memref<10240xf32, #tpu.memory_space<vmem>>[vector<16xi32>], vector<16xf32>,
    %get3A_131 = arith.constant 32 : index
    %get3A_132 = tpu.vector_load %arg12[%get3A_131] {strides = array<i32>} : memref<128xi32, #tpu.memory_space<vmem>>, vector<16xi32>,
    tpu.vector_store_idx %arg15[%get3A_132], %broadcast_in_dim3A_17 {add = true} : memref<10240xf32, #tpu.memory_space<vmem>>[vector<16xi32>], vector<16xf32>,
    %get3A_133 = arith.constant 48 : index
    %get3A_134 = tpu.vector_load %arg12[%get3A_133] {strides = array<i32>} : memref<128xi32, #tpu.memory_space<vmem>>, vector<16xi32>,
    tpu.vector_store_idx %arg15[%get3A_134], %broadcast_in_dim3A_17 {add = true} : memref<10240xf32, #tpu.memory_space<vmem>>[vector<16xi32>], vector<16xf32>,
    %get3A_135 = arith.constant 64 : index
    %get3A_136 = tpu.vector_load %arg12[%get3A_135] {strides = array<i32>} : memref<128xi32, #tpu.memory_space<vmem>>, vector<16xi32>,
    tpu.vector_store_idx %arg15[%get3A_136], %broadcast_in_dim3A_17 {add = true} : memref<10240xf32, #tpu.memory_space<vmem>>[vector<16xi32>], vector<16xf32>,
    %get3A_137 = arith.constant 80 : index
    %get3A_138 = tpu.vector_load %arg12[%get3A_137] {strides = array<i32>} : memref<128xi32, #tpu.memory_space<vmem>>, vector<16xi32>,
    tpu.vector_store_idx %arg15[%get3A_138], %broadcast_in_dim3A_17 {add = true} : memref<10240xf32, #tpu.memory_space<vmem>>[vector<16xi32>], vector<16xf32>,
    %get3A_139 = arith.constant 96 : index
    %get3A_140 = tpu.vector_load %arg12[%get3A_139] {strides = array<i32>} : memref<128xi32, #tpu.memory_space<vmem>>, vector<16xi32>,
    tpu.vector_store_idx %arg15[%get3A_140], %broadcast_in_dim3A_17 {add = true} : memref<10240xf32, #tpu.memory_space<vmem>>[vector<16xi32>], vector<16xf32>,
    %get3A_141 = arith.constant 112 : index
    %get3A_142 = tpu.vector_load %arg12[%get3A_141] {strides = array<i32>} : memref<128xi32, #tpu.memory_space<vmem>>, vector<16xi32>,
    tpu.vector_store_idx %arg15[%get3A_142], %broadcast_in_dim3A_17 {add = true} : memref<10240xf32, #tpu.memory_space<vmem>>[vector<16xi32>], vector<16xf32>,
    %sub3A_143 = arith.constant 2 : i32
    %sub3A_144 = arith.subi %select_n3A, %sub3A_143 : i32
    %dma_start3A_145 = arith.constant 0 : i32
    %dma_start3A_146 = arith.constant 0 : i32
    %dma_start3A_147 = tpu.memref_slice %arg19[%dma_start3A_145, %dma_start3A_146] : memref<10240x128xf32, #tpu.memory_space<vmem_shared>> -> memref<10240x128xf32, #tpu.memory_space<vmem_shared>>
    tpu.enqueue_indirect_dma source(%arg14 : memref<128x128xf32, #tpu.memory_space<vmem>>) target(%dma_start3A_147 : memref<10240x128xf32, #tpu.memory_space<vmem_shared>>) offsets(%arg12 : memref<128xi32, #tpu.memory_space<vmem>>) semaphore(%arg23 : memref<!tpu.dma_semaphore, #tpu.memory_space<semaphore_mem>>) {add = true}
    %dma_wait3A_148 = arith.constant 0 : i32
    %dma_wait3A_149 = arith.constant 0 : i32
    %dma_wait3A_150 = tpu.memref_slice %arg19[%dma_wait3A_148, %dma_wait3A_149] : memref<10240x128xf32, #tpu.memory_space<vmem_shared>> -> memref<10240x128xf32, #tpu.memory_space<vmem_shared>>
    tpu.wait_indirect_dma semaphore(%arg23 : memref<!tpu.dma_semaphore, #tpu.memory_space<semaphore_mem>>) src(%arg14 : memref<128x128xf32, #tpu.memory_space<vmem>>) dst(%dma_wait3A_150 : memref<10240x128xf32, #tpu.memory_space<vmem_shared>>)
    %dma_wait3A_151 = arith.constant 0 : i32
    %dma_wait3A_152 = arith.constant 0 : i32
    %dma_wait3A_153 = tpu.memref_slice %arg2[%dma_wait3A_151, %dma_wait3A_152] : memref<10000x128xf32, #tpu.memory_space<hbm>> -> memref<10000x128xf32, #tpu.memory_space<hbm>>
    tpu.wait_indirect_dma semaphore(%arg20 : memref<!tpu.dma_semaphore, #tpu.memory_space<semaphore_mem>>) src(%dma_wait3A_153 : memref<10000x128xf32, #tpu.memory_space<hbm>>) dst(%arg13 : memref<128x128xf32, #tpu.memory_space<vmem>>)
    %get3A_154 = arith.constant 0 : index
    %get3A_155 = tpu.vector_load %arg11[%get3A_154] {strides = array<i32>} : memref<128xi32, #tpu.memory_space<vmem>>, vector<16xi32>,
    tpu.vector_store_idx %arg15[%get3A_155], %broadcast_in_dim3A_17 {add = true} : memref<10240xf32, #tpu.memory_space<vmem>>[vector<16xi32>], vector<16xf32>,
    %get3A_156 = arith.constant 16 : index
    %get3A_157 = tpu.vector_load %arg11[%get3A_156] {strides = array<i32>} : memref<128xi32, #tpu.memory_space<vmem>>, vector<16xi32>,
    tpu.vector_store_idx %arg15[%get3A_157], %broadcast_in_dim3A_17 {add = true} : memref<10240xf32, #tpu.memory_space<vmem>>[vector<16xi32>], vector<16xf32>,
    %get3A_158 = arith.constant 32 : index
    %get3A_159 = tpu.vector_load %arg11[%get3A_158] {strides = array<i32>} : memref<128xi32, #tpu.memory_space<vmem>>, vector<16xi32>,
    tpu.vector_store_idx %arg15[%get3A_159], %broadcast_in_dim3A_17 {add = true} : memref<10240xf32, #tpu.memory_space<vmem>>[vector<16xi32>], vector<16xf32>,
    %get3A_160 = arith.constant 48 : index
    %get3A_161 = tpu.vector_load %arg11[%get3A_160] {strides = array<i32>} : memref<128xi32, #tpu.memory_space<vmem>>, vector<16xi32>,
    tpu.vector_store_idx %arg15[%get3A_161], %broadcast_in_dim3A_17 {add = true} : memref<10240xf32, #tpu.memory_space<vmem>>[vector<16xi32>], vector<16xf32>,
    %get3A_162 = arith.constant 64 : index
    %get3A_163 = tpu.vector_load %arg11[%get3A_162] {strides = array<i32>} : memref<128xi32, #tpu.memory_space<vmem>>, vector<16xi32>,
    tpu.vector_store_idx %arg15[%get3A_163], %broadcast_in_dim3A_17 {add = true} : memref<10240xf32, #tpu.memory_space<vmem>>[vector<16xi32>], vector<16xf32>,
    %get3A_164 = arith.constant 80 : index
    %get3A_165 = tpu.vector_load %arg11[%get3A_164] {strides = array<i32>} : memref<128xi32, #tpu.memory_space<vmem>>, vector<16xi32>,
    tpu.vector_store_idx %arg15[%get3A_165], %broadcast_in_dim3A_17 {add = true} : memref<10240xf32, #tpu.memory_space<vmem>>[vector<16xi32>], vector<16xf32>,
    %get3A_166 = arith.constant 96 : index
    %get3A_167 = tpu.vector_load %arg11[%get3A_166] {strides = array<i32>} : memref<128xi32, #tpu.memory_space<vmem>>, vector<16xi32>,
    tpu.vector_store_idx %arg15[%get3A_167], %broadcast_in_dim3A_17 {add = true} : memref<10240xf32, #tpu.memory_space<vmem>>[vector<16xi32>], vector<16xf32>,
    %get3A_168 = arith.constant 112 : index
    %get3A_169 = tpu.vector_load %arg11[%get3A_168] {strides = array<i32>} : memref<128xi32, #tpu.memory_space<vmem>>, vector<16xi32>,
    tpu.vector_store_idx %arg15[%get3A_169], %broadcast_in_dim3A_17 {add = true} : memref<10240xf32, #tpu.memory_space<vmem>>[vector<16xi32>], vector<16xf32>,
    %sub3A_170 = arith.constant 1 : i32
    %sub3A_171 = arith.subi %select_n3A, %sub3A_170 : i32
    %dma_start3A_172 = arith.constant 0 : i32
    %dma_start3A_173 = arith.constant 0 : i32
    %dma_start3A_174 = tpu.memref_slice %arg19[%dma_start3A_172, %dma_start3A_173] : memref<10240x128xf32, #tpu.memory_space<vmem_shared>> -> memref<10240x128xf32, #tpu.memory_space<vmem_shared>>
    tpu.enqueue_indirect_dma source(%arg13 : memref<128x128xf32, #tpu.memory_space<vmem>>) target(%dma_start3A_174 : memref<10240x128xf32, #tpu.memory_space<vmem_shared>>) offsets(%arg11 : memref<128xi32, #tpu.memory_space<vmem>>) semaphore(%arg22 : memref<!tpu.dma_semaphore, #tpu.memory_space<semaphore_mem>>) {add = true}
    %dma_wait3A_175 = arith.constant 0 : i32
    %dma_wait3A_176 = arith.constant 0 : i32
    %dma_wait3A_177 = tpu.memref_slice %arg19[%dma_wait3A_175, %dma_wait3A_176] : memref<10240x128xf32, #tpu.memory_space<vmem_shared>> -> memref<10240x128xf32, #tpu.memory_space<vmem_shared>>
    tpu.wait_indirect_dma semaphore(%arg22 : memref<!tpu.dma_semaphore, #tpu.memory_space<semaphore_mem>>) src(%arg13 : memref<128x128xf32, #tpu.memory_space<vmem>>) dst(%dma_wait3A_177 : memref<10240x128xf32, #tpu.memory_space<vmem_shared>>)
    %mul3A_178 = arith.constant 16 : i32
    %mul3A_179 = arith.muli %arg0, %mul3A_178 : i32
    %add3A_180 = arith.addi %mul3A_179, %arg1 : i32
    %mul3A_181 = arith.constant 10240 : i32
    %mul3A_182 = arith.muli %add3A_180, %mul3A_181 : i32
    "tpu.region"() ({
      %run_scoped3A = tpu.sem_alloc : memref<!tpu.dma_semaphore, #tpu.memory_space<semaphore_mem>>
      %dma_start3A_497 = tpu.memref_slice %arg8[%mul3A_182] : memref<327680xf32, #tpu.memory_space<hbm>> -> memref<10240xf32, #tpu.memory_space<hbm>>
      %dma_start3A_498 = tpu.memref_slice %arg8[%mul3A_182] : memref<327680xf32, #tpu.memory_space<hbm>> -> memref<10240xf32, #tpu.memory_space<hbm>>
      tpu.enqueue_dma source(%arg15 : memref<10240xf32, #tpu.memory_space<vmem>>) target(%dma_start3A_498 : memref<10240xf32, #tpu.memory_space<hbm>>) target_semaphore(%run_scoped3A : memref<!tpu.dma_semaphore, #tpu.memory_space<semaphore_mem>>)
      %dma_wait3A_499 = tpu.memref_slice %arg8[%mul3A_182] : memref<327680xf32, #tpu.memory_space<hbm>> -> memref<10240xf32, #tpu.memory_space<hbm>>
      %dma_wait3A_500 = tpu.memref_slice %arg8[%mul3A_182] : memref<327680xf32, #tpu.memory_space<hbm>> -> memref<10240xf32, #tpu.memory_space<hbm>>
      tpu.wait_dma2 semaphore(%run_scoped3A : memref<!tpu.dma_semaphore, #tpu.memory_space<semaphore_mem>>) src(%arg15 : memref<10240xf32, #tpu.memory_space<vmem>>) dst(%dma_wait3A_500 : memref<10240xf32, #tpu.memory_space<hbm>>)
      tpu.yield
    }) : () -> ()
    %barrier3A_183 = arith.constant 0 : index
    tpu.barrier barrier_id(%barrier3A_183)
    %mul3A_184 = arith.constant 16 : i32
    %mul3A_185 = arith.muli %arg0, %mul3A_184 : i32
    %mul3A_186 = arith.constant 10240 : i32
    %mul3A_187 = arith.muli %mul3A_185, %mul3A_186 : i32
    %mul3A_188 = arith.constant 640 : i32
    %mul3A_189 = arith.muli %arg1, %mul3A_188 : i32
    %add3A_190 = arith.addi %mul3A_187, %mul3A_189 : i32
    "tpu.region"() ({
      %run_scoped3A = tpu.sem_alloc : memref<!tpu.dma_semaphore, #tpu.memory_space<semaphore_mem>>
      %dma_start3A_497 = tpu.memref_slice %arg8[%add3A_190] : memref<327680xf32, #tpu.memory_space<hbm>> -> memref<640xf32, #tpu.memory_space<hbm>>
      %dma_start3A_498 = tpu.memref_slice %arg8[%add3A_190] : memref<327680xf32, #tpu.memory_space<hbm>> -> memref<640xf32, #tpu.memory_space<hbm>>
      tpu.enqueue_dma source(%dma_start3A_498 : memref<640xf32, #tpu.memory_space<hbm>>) target(%arg18 : memref<640xf32, #tpu.memory_space<vmem>>) target_semaphore(%run_scoped3A : memref<!tpu.dma_semaphore, #tpu.memory_space<semaphore_mem>>)
      %dma_wait3A_499 = tpu.memref_slice %arg8[%add3A_190] : memref<327680xf32, #tpu.memory_space<hbm>> -> memref<640xf32, #tpu.memory_space<hbm>>
      %dma_wait3A_500 = tpu.memref_slice %arg8[%add3A_190] : memref<327680xf32, #tpu.memory_space<hbm>> -> memref<640xf32, #tpu.memory_space<hbm>>
      tpu.wait_dma2 semaphore(%run_scoped3A : memref<!tpu.dma_semaphore, #tpu.memory_space<semaphore_mem>>) src(%dma_wait3A_500 : memref<640xf32, #tpu.memory_space<hbm>>) dst(%arg18 : memref<640xf32, #tpu.memory_space<vmem>>)
      tpu.yield
    }) : () -> ()
    %mul3A_191 = arith.constant 16 : i32
    %mul3A_192 = arith.muli %arg0, %mul3A_191 : i32
    %add3A_193 = arith.constant 1 : i32
    %add3A_194 = arith.addi %mul3A_192, %add3A_193 : i32
    %mul3A_195 = arith.constant 10240 : i32
    %mul3A_196 = arith.muli %add3A_194, %mul3A_195 : i32
    %mul3A_197 = arith.constant 640 : i32
    %mul3A_198 = arith.muli %arg1, %mul3A_197 : i32
    %add3A_199 = arith.addi %mul3A_196, %mul3A_198 : i32
    %dma_start3A_200 = tpu.memref_slice %arg8[%add3A_199] : memref<327680xf32, #tpu.memory_space<hbm>> -> memref<640xf32, #tpu.memory_space<hbm>>
    %dma_start3A_201 = tpu.memref_slice %arg8[%add3A_199] : memref<327680xf32, #tpu.memory_space<hbm>> -> memref<640xf32, #tpu.memory_space<hbm>>
    tpu.enqueue_dma source(%dma_start3A_201 : memref<640xf32, #tpu.memory_space<hbm>>) target(%arg17 : memref<640xf32, #tpu.memory_space<vmem>>) target_semaphore(%arg25 : memref<!tpu.dma_semaphore, #tpu.memory_space<semaphore_mem>>)
    %scan3A_202 = arith.constant 0 : i32
    %scan3A_203 = arith.constant 0 : i32
    %scan3A_204 = arith.constant 7 : i32
    %scan3A_205 = arith.addi %scan3A_203, %scan3A_204 : i32
    %scan3A_206 = arith.constant 1 : i32
    scf.for %scan3A_497 = %scan3A_203 to %scan3A_205 step %scan3A_206  : i32 {
      %mul3A_498 = arith.constant 2 : i32
      %mul3A_499 = arith.muli %mul3A_498, %scan3A_497 : i32
      %add3A_500 = arith.constant 1 : i32
      %add3A_501 = arith.addi %mul3A_499, %add3A_500 : i32
      %add3A_502 = arith.constant 1 : i32
      %add3A_503 = arith.addi %add3A_501, %add3A_502 : i32
      %mul3A_504 = arith.constant 16 : i32
      %mul3A_505 = arith.muli %arg0, %mul3A_504 : i32
      %add3A_506 = arith.addi %mul3A_505, %add3A_503 : i32
      %mul3A_507 = arith.constant 10240 : i32
      %mul3A_508 = arith.muli %add3A_506, %mul3A_507 : i32
      %mul3A_509 = arith.constant 640 : i32
      %mul3A_510 = arith.muli %arg1, %mul3A_509 : i32
      %add3A_511 = arith.addi %mul3A_508, %mul3A_510 : i32
      %dma_start3A_512 = tpu.memref_slice %arg8[%add3A_511] : memref<327680xf32, #tpu.memory_space<hbm>> -> memref<640xf32, #tpu.memory_space<hbm>>
      %dma_start3A_513 = tpu.memref_slice %arg8[%add3A_511] : memref<327680xf32, #tpu.memory_space<hbm>> -> memref<640xf32, #tpu.memory_space<hbm>>
      tpu.enqueue_dma source(%dma_start3A_513 : memref<640xf32, #tpu.memory_space<hbm>>) target(%arg16 : memref<640xf32, #tpu.memory_space<vmem>>) target_semaphore(%arg24 : memref<!tpu.dma_semaphore, #tpu.memory_space<semaphore_mem>>)
      %dma_wait3A_514 = arith.constant 0 : i32
      %dma_wait3A_515 = tpu.memref_slice %arg8[%dma_wait3A_514] : memref<327680xf32, #tpu.memory_space<hbm>> -> memref<640xf32, #tpu.memory_space<hbm>>
      %dma_wait3A_516 = arith.constant 0 : i32
      %dma_wait3A_517 = tpu.memref_slice %arg8[%dma_wait3A_516] : memref<327680xf32, #tpu.memory_space<hbm>> -> memref<640xf32, #tpu.memory_space<hbm>>
      tpu.wait_dma2 semaphore(%arg25 : memref<!tpu.dma_semaphore, #tpu.memory_space<semaphore_mem>>) src(%dma_wait3A_517 : memref<640xf32, #tpu.memory_space<hbm>>) dst(%arg17 : memref<640xf32, #tpu.memory_space<vmem>>)
      %get3A_518 = arith.constant 0 : index
      %get3A_519 = tpu.vector_load %arg18[%get3A_518] {strides = array<i32>} : memref<640xf32, #tpu.memory_space<vmem>>, vector<16xf32>,
      %get3A_520 = arith.constant 0 : index
      %get3A_521 = tpu.vector_load %arg17[%get3A_520] {strides = array<i32>} : memref<640xf32, #tpu.memory_space<vmem>>, vector<16xf32>,
      %add3A_522 = arith.addf %get3A_519, %get3A_521 : vector<16xf32>
      %swap3A_523 = arith.constant 0 : index
      %swap3A_524 = tpu.vector_load %arg18[%swap3A_523] {strides = array<i32>} : memref<640xf32, #tpu.memory_space<vmem>>, vector<16xf32>,
      tpu.vector_store %arg18[%swap3A_523], %add3A_522 {strides = array<i32>} : memref<640xf32, #tpu.memory_space<vmem>>, vector<16xf32>,
      %get3A_525 = arith.constant 16 : index
      %get3A_526 = tpu.vector_load %arg18[%get3A_525] {strides = array<i32>} : memref<640xf32, #tpu.memory_space<vmem>>, vector<16xf32>,
      %get3A_527 = arith.constant 16 : index
      %get3A_528 = tpu.vector_load %arg17[%get3A_527] {strides = array<i32>} : memref<640xf32, #tpu.memory_space<vmem>>, vector<16xf32>,
      %add3A_529 = arith.addf %get3A_526, %get3A_528 : vector<16xf32>
      %swap3A_530 = arith.constant 16 : index
      %swap3A_531 = tpu.vector_load %arg18[%swap3A_530] {strides = array<i32>} : memref<640xf32, #tpu.memory_space<vmem>>, vector<16xf32>,
      tpu.vector_store %arg18[%swap3A_530], %add3A_529 {strides = array<i32>} : memref<640xf32, #tpu.memory_space<vmem>>, vector<16xf32>,
      %get3A_532 = arith.constant 32 : index
      %get3A_533 = tpu.vector_load %arg18[%get3A_532] {strides = array<i32>} : memref<640xf32, #tpu.memory_space<vmem>>, vector<16xf32>,
      %get3A_534 = arith.constant 32 : index
      %get3A_535 = tpu.vector_load %arg17[%get3A_534] {strides = array<i32>} : memref<640xf32, #tpu.memory_space<vmem>>, vector<16xf32>,
      %add3A_536 = arith.addf %get3A_533, %get3A_535 : vector<16xf32>
      %swap3A_537 = arith.constant 32 : index
      %swap3A_538 = tpu.vector_load %arg18[%swap3A_537] {strides = array<i32>} : memref<640xf32, #tpu.memory_space<vmem>>, vector<16xf32>,
      tpu.vector_store %arg18[%swap3A_537], %add3A_536 {strides = array<i32>} : memref<640xf32, #tpu.memory_space<vmem>>, vector<16xf32>,
      %get3A_539 = arith.constant 48 : index
      %get3A_540 = tpu.vector_load %arg18[%get3A_539] {strides = array<i32>} : memref<640xf32, #tpu.memory_space<vmem>>, vector<16xf32>,
      %get3A_541 = arith.constant 48 : index
      %get3A_542 = tpu.vector_load %arg17[%get3A_541] {strides = array<i32>} : memref<640xf32, #tpu.memory_space<vmem>>, vector<16xf32>,
      %add3A_543 = arith.addf %get3A_540, %get3A_542 : vector<16xf32>
      %swap3A_544 = arith.constant 48 : index
      %swap3A_545 = tpu.vector_load %arg18[%swap3A_544] {strides = array<i32>} : memref<640xf32, #tpu.memory_space<vmem>>, vector<16xf32>,
      tpu.vector_store %arg18[%swap3A_544], %add3A_543 {strides = array<i32>} : memref<640xf32, #tpu.memory_space<vmem>>, vector<16xf32>,
      %get3A_546 = arith.constant 64 : index
      %get3A_547 = tpu.vector_load %arg18[%get3A_546] {strides = array<i32>} : memref<640xf32, #tpu.memory_space<vmem>>, vector<16xf32>,
      %get3A_548 = arith.constant 64 : index
      %get3A_549 = tpu.vector_load %arg17[%get3A_548] {strides = array<i32>} : memref<640xf32, #tpu.memory_space<vmem>>, vector<16xf32>,
      %add3A_550 = arith.addf %get3A_547, %get3A_549 : vector<16xf32>
      %swap3A_551 = arith.constant 64 : index
      %swap3A_552 = tpu.vector_load %arg18[%swap3A_551] {strides = array<i32>} : memref<640xf32, #tpu.memory_space<vmem>>, vector<16xf32>,
      tpu.vector_store %arg18[%swap3A_551], %add3A_550 {strides = array<i32>} : memref<640xf32, #tpu.memory_space<vmem>>, vector<16xf32>,
      %get3A_553 = arith.constant 80 : index
      %get3A_554 = tpu.vector_load %arg18[%get3A_553] {strides = array<i32>} : memref<640xf32, #tpu.memory_space<vmem>>, vector<16xf32>,
      %get3A_555 = arith.constant 80 : index
      %get3A_556 = tpu.vector_load %arg17[%get3A_555] {strides = array<i32>} : memref<640xf32, #tpu.memory_space<vmem>>, vector<16xf32>,
      %add3A_557 = arith.addf %get3A_554, %get3A_556 : vector<16xf32>
      %swap3A_558 = arith.constant 80 : index
      %swap3A_559 = tpu.vector_load %arg18[%swap3A_558] {strides = array<i32>} : memref<640xf32, #tpu.memory_space<vmem>>, vector<16xf32>,
      tpu.vector_store %arg18[%swap3A_558], %add3A_557 {strides = array<i32>} : memref<640xf32, #tpu.memory_space<vmem>>, vector<16xf32>,
      %get3A_560 = arith.constant 96 : index
      %get3A_561 = tpu.vector_load %arg18[%get3A_560] {strides = array<i32>} : memref<640xf32, #tpu.memory_space<vmem>>, vector<16xf32>,
      %get3A_562 = arith.constant 96 : index
      %get3A_563 = tpu.vector_load %arg17[%get3A_562] {strides = array<i32>} : memref<640xf32, #tpu.memory_space<vmem>>, vector<16xf32>,
      %add3A_564 = arith.addf %get3A_561, %get3A_563 : vector<16xf32>
      %swap3A_565 = arith.constant 96 : index
      %swap3A_566 = tpu.vector_load %arg18[%swap3A_565] {strides = array<i32>} : memref<640xf32, #tpu.memory_space<vmem>>, vector<16xf32>,
      tpu.vector_store %arg18[%swap3A_565], %add3A_564 {strides = array<i32>} : memref<640xf32, #tpu.memory_space<vmem>>, vector<16xf32>,
      %get3A_567 = arith.constant 112 : index
      %get3A_568 = tpu.vector_load %arg18[%get3A_567] {strides = array<i32>} : memref<640xf32, #tpu.memory_space<vmem>>, vector<16xf32>,
      %get3A_569 = arith.constant 112 : index
      %get3A_570 = tpu.vector_load %arg17[%get3A_569] {strides = array<i32>} : memref<640xf32, #tpu.memory_space<vmem>>, vector<16xf32>,
      %add3A_571 = arith.addf %get3A_568, %get3A_570 : vector<16xf32>
      %swap3A_572 = arith.constant 112 : index
      %swap3A_573 = tpu.vector_load %arg18[%swap3A_572] {strides = array<i32>} : memref<640xf32, #tpu.memory_space<vmem>>, vector<16xf32>,
      tpu.vector_store %arg18[%swap3A_572], %add3A_571 {strides = array<i32>} : memref<640xf32, #tpu.memory_space<vmem>>, vector<16xf32>,
      %get3A_574 = arith.constant 128 : index
      %get3A_575 = tpu.vector_load %arg18[%get3A_574] {strides = array<i32>} : memref<640xf32, #tpu.memory_space<vmem>>, vector<16xf32>,
      %get3A_576 = arith.constant 128 : index
      %get3A_577 = tpu.vector_load %arg17[%get3A_576] {strides = array<i32>} : memref<640xf32, #tpu.memory_space<vmem>>, vector<16xf32>,
      %add3A_578 = arith.addf %get3A_575, %get3A_577 : vector<16xf32>
      %swap3A_579 = arith.constant 128 : index
      %swap3A_580 = tpu.vector_load %arg18[%swap3A_579] {strides = array<i32>} : memref<640xf32, #tpu.memory_space<vmem>>, vector<16xf32>,
      tpu.vector_store %arg18[%swap3A_579], %add3A_578 {strides = array<i32>} : memref<640xf32, #tpu.memory_space<vmem>>, vector<16xf32>,
      %get3A_581 = arith.constant 144 : index
      %get3A_582 = tpu.vector_load %arg18[%get3A_581] {strides = array<i32>} : memref<640xf32, #tpu.memory_space<vmem>>, vector<16xf32>,
      %get3A_583 = arith.constant 144 : index
      %get3A_584 = tpu.vector_load %arg17[%get3A_583] {strides = array<i32>} : memref<640xf32, #tpu.memory_space<vmem>>, vector<16xf32>,
      %add3A_585 = arith.addf %get3A_582, %get3A_584 : vector<16xf32>
      %swap3A_586 = arith.constant 144 : index
      %swap3A_587 = tpu.vector_load %arg18[%swap3A_586] {strides = array<i32>} : memref<640xf32, #tpu.memory_space<vmem>>, vector<16xf32>,
      tpu.vector_store %arg18[%swap3A_586], %add3A_585 {strides = array<i32>} : memref<640xf32, #tpu.memory_space<vmem>>, vector<16xf32>,
      %get3A_588 = arith.constant 160 : index
      %get3A_589 = tpu.vector_load %arg18[%get3A_588] {strides = array<i32>} : memref<640xf32, #tpu.memory_space<vmem>>, vector<16xf32>,
      %get3A_590 = arith.constant 160 : index
      %get3A_591 = tpu.vector_load %arg17[%get3A_590] {strides = array<i32>} : memref<640xf32, #tpu.memory_space<vmem>>, vector<16xf32>,
      %add3A_592 = arith.addf %get3A_589, %get3A_591 : vector<16xf32>
      %swap3A_593 = arith.constant 160 : index
      %swap3A_594 = tpu.vector_load %arg18[%swap3A_593] {strides = array<i32>} : memref<640xf32, #tpu.memory_space<vmem>>, vector<16xf32>,
      tpu.vector_store %arg18[%swap3A_593], %add3A_592 {strides = array<i32>} : memref<640xf32, #tpu.memory_space<vmem>>, vector<16xf32>,
      %get3A_595 = arith.constant 176 : index
      %get3A_596 = tpu.vector_load %arg18[%get3A_595] {strides = array<i32>} : memref<640xf32, #tpu.memory_space<vmem>>, vector<16xf32>,
      %get3A_597 = arith.constant 176 : index
      %get3A_598 = tpu.vector_load %arg17[%get3A_597] {strides = array<i32>} : memref<640xf32, #tpu.memory_space<vmem>>, vector<16xf32>,
      %add3A_599 = arith.addf %get3A_596, %get3A_598 : vector<16xf32>
      %swap3A_600 = arith.constant 176 : index
      %swap3A_601 = tpu.vector_load %arg18[%swap3A_600] {strides = array<i32>} : memref<640xf32, #tpu.memory_space<vmem>>, vector<16xf32>,
      tpu.vector_store %arg18[%swap3A_600], %add3A_599 {strides = array<i32>} : memref<640xf32, #tpu.memory_space<vmem>>, vector<16xf32>,
      %get3A_602 = arith.constant 192 : index
      %get3A_603 = tpu.vector_load %arg18[%get3A_602] {strides = array<i32>} : memref<640xf32, #tpu.memory_space<vmem>>, vector<16xf32>,
      %get3A_604 = arith.constant 192 : index
      %get3A_605 = tpu.vector_load %arg17[%get3A_604] {strides = array<i32>} : memref<640xf32, #tpu.memory_space<vmem>>, vector<16xf32>,
      %add3A_606 = arith.addf %get3A_603, %get3A_605 : vector<16xf32>
      %swap3A_607 = arith.constant 192 : index
      %swap3A_608 = tpu.vector_load %arg18[%swap3A_607] {strides = array<i32>} : memref<640xf32, #tpu.memory_space<vmem>>, vector<16xf32>,
      tpu.vector_store %arg18[%swap3A_607], %add3A_606 {strides = array<i32>} : memref<640xf32, #tpu.memory_space<vmem>>, vector<16xf32>,
      %get3A_609 = arith.constant 208 : index
      %get3A_610 = tpu.vector_load %arg18[%get3A_609] {strides = array<i32>} : memref<640xf32, #tpu.memory_space<vmem>>, vector<16xf32>,
      %get3A_611 = arith.constant 208 : index
      %get3A_612 = tpu.vector_load %arg17[%get3A_611] {strides = array<i32>} : memref<640xf32, #tpu.memory_space<vmem>>, vector<16xf32>,
      %add3A_613 = arith.addf %get3A_610, %get3A_612 : vector<16xf32>
      %swap3A_614 = arith.constant 208 : index
      %swap3A_615 = tpu.vector_load %arg18[%swap3A_614] {strides = array<i32>} : memref<640xf32, #tpu.memory_space<vmem>>, vector<16xf32>,
      tpu.vector_store %arg18[%swap3A_614], %add3A_613 {strides = array<i32>} : memref<640xf32, #tpu.memory_space<vmem>>, vector<16xf32>,
      %get3A_616 = arith.constant 224 : index
      %get3A_617 = tpu.vector_load %arg18[%get3A_616] {strides = array<i32>} : memref<640xf32, #tpu.memory_space<vmem>>, vector<16xf32>,
      %get3A_618 = arith.constant 224 : index
      %get3A_619 = tpu.vector_load %arg17[%get3A_618] {strides = array<i32>} : memref<640xf32, #tpu.memory_space<vmem>>, vector<16xf32>,
      %add3A_620 = arith.addf %get3A_617, %get3A_619 : vector<16xf32>
      %swap3A_621 = arith.constant 224 : index
      %swap3A_622 = tpu.vector_load %arg18[%swap3A_621] {strides = array<i32>} : memref<640xf32, #tpu.memory_space<vmem>>, vector<16xf32>,
      tpu.vector_store %arg18[%swap3A_621], %add3A_620 {strides = array<i32>} : memref<640xf32, #tpu.memory_space<vmem>>, vector<16xf32>,
      %get3A_623 = arith.constant 240 : index
      %get3A_624 = tpu.vector_load %arg18[%get3A_623] {strides = array<i32>} : memref<640xf32, #tpu.memory_space<vmem>>, vector<16xf32>,
      %get3A_625 = arith.constant 240 : index
      %get3A_626 = tpu.vector_load %arg17[%get3A_625] {strides = array<i32>} : memref<640xf32, #tpu.memory_space<vmem>>, vector<16xf32>,
      %add3A_627 = arith.addf %get3A_624, %get3A_626 : vector<16xf32>
      %swap3A_628 = arith.constant 240 : index
      %swap3A_629 = tpu.vector_load %arg18[%swap3A_628] {strides = array<i32>} : memref<640xf32, #tpu.memory_space<vmem>>, vector<16xf32>,
      tpu.vector_store %arg18[%swap3A_628], %add3A_627 {strides = array<i32>} : memref<640xf32, #tpu.memory_space<vmem>>, vector<16xf32>,
      %get3A_630 = arith.constant 256 : index
      %get3A_631 = tpu.vector_load %arg18[%get3A_630] {strides = array<i32>} : memref<640xf32, #tpu.memory_space<vmem>>, vector<16xf32>,
      %get3A_632 = arith.constant 256 : index
      %get3A_633 = tpu.vector_load %arg17[%get3A_632] {strides = array<i32>} : memref<640xf32, #tpu.memory_space<vmem>>, vector<16xf32>,
      %add3A_634 = arith.addf %get3A_631, %get3A_633 : vector<16xf32>
      %swap3A_635 = arith.constant 256 : index
      %swap3A_636 = tpu.vector_load %arg18[%swap3A_635] {strides = array<i32>} : memref<640xf32, #tpu.memory_space<vmem>>, vector<16xf32>,
      tpu.vector_store %arg18[%swap3A_635], %add3A_634 {strides = array<i32>} : memref<640xf32, #tpu.memory_space<vmem>>, vector<16xf32>,
      %get3A_637 = arith.constant 272 : index
      %get3A_638 = tpu.vector_load %arg18[%get3A_637] {strides = array<i32>} : memref<640xf32, #tpu.memory_space<vmem>>, vector<16xf32>,
      %get3A_639 = arith.constant 272 : index
      %get3A_640 = tpu.vector_load %arg17[%get3A_639] {strides = array<i32>} : memref<640xf32, #tpu.memory_space<vmem>>, vector<16xf32>,
      %add3A_641 = arith.addf %get3A_638, %get3A_640 : vector<16xf32>
      %swap3A_642 = arith.constant 272 : index
      %swap3A_643 = tpu.vector_load %arg18[%swap3A_642] {strides = array<i32>} : memref<640xf32, #tpu.memory_space<vmem>>, vector<16xf32>,
      tpu.vector_store %arg18[%swap3A_642], %add3A_641 {strides = array<i32>} : memref<640xf32, #tpu.memory_space<vmem>>, vector<16xf32>,
      %get3A_644 = arith.constant 288 : index
      %get3A_645 = tpu.vector_load %arg18[%get3A_644] {strides = array<i32>} : memref<640xf32, #tpu.memory_space<vmem>>, vector<16xf32>,
      %get3A_646 = arith.constant 288 : index
      %get3A_647 = tpu.vector_load %arg17[%get3A_646] {strides = array<i32>} : memref<640xf32, #tpu.memory_space<vmem>>, vector<16xf32>,
      %add3A_648 = arith.addf %get3A_645, %get3A_647 : vector<16xf32>
      %swap3A_649 = arith.constant 288 : index
      %swap3A_650 = tpu.vector_load %arg18[%swap3A_649] {strides = array<i32>} : memref<640xf32, #tpu.memory_space<vmem>>, vector<16xf32>,
      tpu.vector_store %arg18[%swap3A_649], %add3A_648 {strides = array<i32>} : memref<640xf32, #tpu.memory_space<vmem>>, vector<16xf32>,
      %get3A_651 = arith.constant 304 : index
      %get3A_652 = tpu.vector_load %arg18[%get3A_651] {strides = array<i32>} : memref<640xf32, #tpu.memory_space<vmem>>, vector<16xf32>,
      %get3A_653 = arith.constant 304 : index
      %get3A_654 = tpu.vector_load %arg17[%get3A_653] {strides = array<i32>} : memref<640xf32, #tpu.memory_space<vmem>>, vector<16xf32>,
      %add3A_655 = arith.addf %get3A_652, %get3A_654 : vector<16xf32>
      %swap3A_656 = arith.constant 304 : index
      %swap3A_657 = tpu.vector_load %arg18[%swap3A_656] {strides = array<i32>} : memref<640xf32, #tpu.memory_space<vmem>>, vector<16xf32>,
      tpu.vector_store %arg18[%swap3A_656], %add3A_655 {strides = array<i32>} : memref<640xf32, #tpu.memory_space<vmem>>, vector<16xf32>,
      %get3A_658 = arith.constant 320 : index
      %get3A_659 = tpu.vector_load %arg18[%get3A_658] {strides = array<i32>} : memref<640xf32, #tpu.memory_space<vmem>>, vector<16xf32>,
      %get3A_660 = arith.constant 320 : index
      %get3A_661 = tpu.vector_load %arg17[%get3A_660] {strides = array<i32>} : memref<640xf32, #tpu.memory_space<vmem>>, vector<16xf32>,
      %add3A_662 = arith.addf %get3A_659, %get3A_661 : vector<16xf32>
      %swap3A_663 = arith.constant 320 : index
      %swap3A_664 = tpu.vector_load %arg18[%swap3A_663] {strides = array<i32>} : memref<640xf32, #tpu.memory_space<vmem>>, vector<16xf32>,
      tpu.vector_store %arg18[%swap3A_663], %add3A_662 {strides = array<i32>} : memref<640xf32, #tpu.memory_space<vmem>>, vector<16xf32>,
      %get3A_665 = arith.constant 336 : index
      %get3A_666 = tpu.vector_load %arg18[%get3A_665] {strides = array<i32>} : memref<640xf32, #tpu.memory_space<vmem>>, vector<16xf32>,
      %get3A_667 = arith.constant 336 : index
      %get3A_668 = tpu.vector_load %arg17[%get3A_667] {strides = array<i32>} : memref<640xf32, #tpu.memory_space<vmem>>, vector<16xf32>,
      %add3A_669 = arith.addf %get3A_666, %get3A_668 : vector<16xf32>
      %swap3A_670 = arith.constant 336 : index
      %swap3A_671 = tpu.vector_load %arg18[%swap3A_670] {strides = array<i32>} : memref<640xf32, #tpu.memory_space<vmem>>, vector<16xf32>,
      tpu.vector_store %arg18[%swap3A_670], %add3A_669 {strides = array<i32>} : memref<640xf32, #tpu.memory_space<vmem>>, vector<16xf32>,
      %get3A_672 = arith.constant 352 : index
      %get3A_673 = tpu.vector_load %arg18[%get3A_672] {strides = array<i32>} : memref<640xf32, #tpu.memory_space<vmem>>, vector<16xf32>,
      %get3A_674 = arith.constant 352 : index
      %get3A_675 = tpu.vector_load %arg17[%get3A_674] {strides = array<i32>} : memref<640xf32, #tpu.memory_space<vmem>>, vector<16xf32>,
      %add3A_676 = arith.addf %get3A_673, %get3A_675 : vector<16xf32>
      %swap3A_677 = arith.constant 352 : index
      %swap3A_678 = tpu.vector_load %arg18[%swap3A_677] {strides = array<i32>} : memref<640xf32, #tpu.memory_space<vmem>>, vector<16xf32>,
      tpu.vector_store %arg18[%swap3A_677], %add3A_676 {strides = array<i32>} : memref<640xf32, #tpu.memory_space<vmem>>, vector<16xf32>,
      %get3A_679 = arith.constant 368 : index
      %get3A_680 = tpu.vector_load %arg18[%get3A_679] {strides = array<i32>} : memref<640xf32, #tpu.memory_space<vmem>>, vector<16xf32>,
      %get3A_681 = arith.constant 368 : index
      %get3A_682 = tpu.vector_load %arg17[%get3A_681] {strides = array<i32>} : memref<640xf32, #tpu.memory_space<vmem>>, vector<16xf32>,
      %add3A_683 = arith.addf %get3A_680, %get3A_682 : vector<16xf32>
      %swap3A_684 = arith.constant 368 : index
      %swap3A_685 = tpu.vector_load %arg18[%swap3A_684] {strides = array<i32>} : memref<640xf32, #tpu.memory_space<vmem>>, vector<16xf32>,
      tpu.vector_store %arg18[%swap3A_684], %add3A_683 {strides = array<i32>} : memref<640xf32, #tpu.memory_space<vmem>>, vector<16xf32>,
      %get3A_686 = arith.constant 384 : index
      %get3A_687 = tpu.vector_load %arg18[%get3A_686] {strides = array<i32>} : memref<640xf32, #tpu.memory_space<vmem>>, vector<16xf32>,
      %get3A_688 = arith.constant 384 : index
      %get3A_689 = tpu.vector_load %arg17[%get3A_688] {strides = array<i32>} : memref<640xf32, #tpu.memory_space<vmem>>, vector<16xf32>,
      %add3A_690 = arith.addf %get3A_687, %get3A_689 : vector<16xf32>
      %swap3A_691 = arith.constant 384 : index
      %swap3A_692 = tpu.vector_load %arg18[%swap3A_691] {strides = array<i32>} : memref<640xf32, #tpu.memory_space<vmem>>, vector<16xf32>,
      tpu.vector_store %arg18[%swap3A_691], %add3A_690 {strides = array<i32>} : memref<640xf32, #tpu.memory_space<vmem>>, vector<16xf32>,
      %get3A_693 = arith.constant 400 : index
      %get3A_694 = tpu.vector_load %arg18[%get3A_693] {strides = array<i32>} : memref<640xf32, #tpu.memory_space<vmem>>, vector<16xf32>,
      %get3A_695 = arith.constant 400 : index
      %get3A_696 = tpu.vector_load %arg17[%get3A_695] {strides = array<i32>} : memref<640xf32, #tpu.memory_space<vmem>>, vector<16xf32>,
      %add3A_697 = arith.addf %get3A_694, %get3A_696 : vector<16xf32>
      %swap3A_698 = arith.constant 400 : index
      %swap3A_699 = tpu.vector_load %arg18[%swap3A_698] {strides = array<i32>} : memref<640xf32, #tpu.memory_space<vmem>>, vector<16xf32>,
      tpu.vector_store %arg18[%swap3A_698], %add3A_697 {strides = array<i32>} : memref<640xf32, #tpu.memory_space<vmem>>, vector<16xf32>,
      %get3A_700 = arith.constant 416 : index
      %get3A_701 = tpu.vector_load %arg18[%get3A_700] {strides = array<i32>} : memref<640xf32, #tpu.memory_space<vmem>>, vector<16xf32>,
      %get3A_702 = arith.constant 416 : index
      %get3A_703 = tpu.vector_load %arg17[%get3A_702] {strides = array<i32>} : memref<640xf32, #tpu.memory_space<vmem>>, vector<16xf32>,
      %add3A_704 = arith.addf %get3A_701, %get3A_703 : vector<16xf32>
      %swap3A_705 = arith.constant 416 : index
      %swap3A_706 = tpu.vector_load %arg18[%swap3A_705] {strides = array<i32>} : memref<640xf32, #tpu.memory_space<vmem>>, vector<16xf32>,
      tpu.vector_store %arg18[%swap3A_705], %add3A_704 {strides = array<i32>} : memref<640xf32, #tpu.memory_space<vmem>>, vector<16xf32>,
      %get3A_707 = arith.constant 432 : index
      %get3A_708 = tpu.vector_load %arg18[%get3A_707] {strides = array<i32>} : memref<640xf32, #tpu.memory_space<vmem>>, vector<16xf32>,
      %get3A_709 = arith.constant 432 : index
      %get3A_710 = tpu.vector_load %arg17[%get3A_709] {strides = array<i32>} : memref<640xf32, #tpu.memory_space<vmem>>, vector<16xf32>,
      %add3A_711 = arith.addf %get3A_708, %get3A_710 : vector<16xf32>
      %swap3A_712 = arith.constant 432 : index
      %swap3A_713 = tpu.vector_load %arg18[%swap3A_712] {strides = array<i32>} : memref<640xf32, #tpu.memory_space<vmem>>, vector<16xf32>,
      tpu.vector_store %arg18[%swap3A_712], %add3A_711 {strides = array<i32>} : memref<640xf32, #tpu.memory_space<vmem>>, vector<16xf32>,
      %get3A_714 = arith.constant 448 : index
      %get3A_715 = tpu.vector_load %arg18[%get3A_714] {strides = array<i32>} : memref<640xf32, #tpu.memory_space<vmem>>, vector<16xf32>,
      %get3A_716 = arith.constant 448 : index
      %get3A_717 = tpu.vector_load %arg17[%get3A_716] {strides = array<i32>} : memref<640xf32, #tpu.memory_space<vmem>>, vector<16xf32>,
      %add3A_718 = arith.addf %get3A_715, %get3A_717 : vector<16xf32>
      %swap3A_719 = arith.constant 448 : index
      %swap3A_720 = tpu.vector_load %arg18[%swap3A_719] {strides = array<i32>} : memref<640xf32, #tpu.memory_space<vmem>>, vector<16xf32>,
      tpu.vector_store %arg18[%swap3A_719], %add3A_718 {strides = array<i32>} : memref<640xf32, #tpu.memory_space<vmem>>, vector<16xf32>,
      %get3A_721 = arith.constant 464 : index
      %get3A_722 = tpu.vector_load %arg18[%get3A_721] {strides = array<i32>} : memref<640xf32, #tpu.memory_space<vmem>>, vector<16xf32>,
      %get3A_723 = arith.constant 464 : index
      %get3A_724 = tpu.vector_load %arg17[%get3A_723] {strides = array<i32>} : memref<640xf32, #tpu.memory_space<vmem>>, vector<16xf32>,
      %add3A_725 = arith.addf %get3A_722, %get3A_724 : vector<16xf32>
      %swap3A_726 = arith.constant 464 : index
      %swap3A_727 = tpu.vector_load %arg18[%swap3A_726] {strides = array<i32>} : memref<640xf32, #tpu.memory_space<vmem>>, vector<16xf32>,
      tpu.vector_store %arg18[%swap3A_726], %add3A_725 {strides = array<i32>} : memref<640xf32, #tpu.memory_space<vmem>>, vector<16xf32>,
      %get3A_728 = arith.constant 480 : index
      %get3A_729 = tpu.vector_load %arg18[%get3A_728] {strides = array<i32>} : memref<640xf32, #tpu.memory_space<vmem>>, vector<16xf32>,
      %get3A_730 = arith.constant 480 : index
      %get3A_731 = tpu.vector_load %arg17[%get3A_730] {strides = array<i32>} : memref<640xf32, #tpu.memory_space<vmem>>, vector<16xf32>,
      %add3A_732 = arith.addf %get3A_729, %get3A_731 : vector<16xf32>
      %swap3A_733 = arith.constant 480 : index
      %swap3A_734 = tpu.vector_load %arg18[%swap3A_733] {strides = array<i32>} : memref<640xf32, #tpu.memory_space<vmem>>, vector<16xf32>,
      tpu.vector_store %arg18[%swap3A_733], %add3A_732 {strides = array<i32>} : memref<640xf32, #tpu.memory_space<vmem>>, vector<16xf32>,
      %get3A_735 = arith.constant 496 : index
      %get3A_736 = tpu.vector_load %arg18[%get3A_735] {strides = array<i32>} : memref<640xf32, #tpu.memory_space<vmem>>, vector<16xf32>,
      %get3A_737 = arith.constant 496 : index
      %get3A_738 = tpu.vector_load %arg17[%get3A_737] {strides = array<i32>} : memref<640xf32, #tpu.memory_space<vmem>>, vector<16xf32>,
      %add3A_739 = arith.addf %get3A_736, %get3A_738 : vector<16xf32>
      %swap3A_740 = arith.constant 496 : index
      %swap3A_741 = tpu.vector_load %arg18[%swap3A_740] {strides = array<i32>} : memref<640xf32, #tpu.memory_space<vmem>>, vector<16xf32>,
      tpu.vector_store %arg18[%swap3A_740], %add3A_739 {strides = array<i32>} : memref<640xf32, #tpu.memory_space<vmem>>, vector<16xf32>,
      %get3A_742 = arith.constant 512 : index
      %get3A_743 = tpu.vector_load %arg18[%get3A_742] {strides = array<i32>} : memref<640xf32, #tpu.memory_space<vmem>>, vector<16xf32>,
      %get3A_744 = arith.constant 512 : index
      %get3A_745 = tpu.vector_load %arg17[%get3A_744] {strides = array<i32>} : memref<640xf32, #tpu.memory_space<vmem>>, vector<16xf32>,
      %add3A_746 = arith.addf %get3A_743, %get3A_745 : vector<16xf32>
      %swap3A_747 = arith.constant 512 : index
      %swap3A_748 = tpu.vector_load %arg18[%swap3A_747] {strides = array<i32>} : memref<640xf32, #tpu.memory_space<vmem>>, vector<16xf32>,
      tpu.vector_store %arg18[%swap3A_747], %add3A_746 {strides = array<i32>} : memref<640xf32, #tpu.memory_space<vmem>>, vector<16xf32>,
      %get3A_749 = arith.constant 528 : index
      %get3A_750 = tpu.vector_load %arg18[%get3A_749] {strides = array<i32>} : memref<640xf32, #tpu.memory_space<vmem>>, vector<16xf32>,
      %get3A_751 = arith.constant 528 : index
      %get3A_752 = tpu.vector_load %arg17[%get3A_751] {strides = array<i32>} : memref<640xf32, #tpu.memory_space<vmem>>, vector<16xf32>,
      %add3A_753 = arith.addf %get3A_750, %get3A_752 : vector<16xf32>
      %swap3A_754 = arith.constant 528 : index
      %swap3A_755 = tpu.vector_load %arg18[%swap3A_754] {strides = array<i32>} : memref<640xf32, #tpu.memory_space<vmem>>, vector<16xf32>,
      tpu.vector_store %arg18[%swap3A_754], %add3A_753 {strides = array<i32>} : memref<640xf32, #tpu.memory_space<vmem>>, vector<16xf32>,
      %get3A_756 = arith.constant 544 : index
      %get3A_757 = tpu.vector_load %arg18[%get3A_756] {strides = array<i32>} : memref<640xf32, #tpu.memory_space<vmem>>, vector<16xf32>,
      %get3A_758 = arith.constant 544 : index
      %get3A_759 = tpu.vector_load %arg17[%get3A_758] {strides = array<i32>} : memref<640xf32, #tpu.memory_space<vmem>>, vector<16xf32>,
      %add3A_760 = arith.addf %get3A_757, %get3A_759 : vector<16xf32>
      %swap3A_761 = arith.constant 544 : index
      %swap3A_762 = tpu.vector_load %arg18[%swap3A_761] {strides = array<i32>} : memref<640xf32, #tpu.memory_space<vmem>>, vector<16xf32>,
      tpu.vector_store %arg18[%swap3A_761], %add3A_760 {strides = array<i32>} : memref<640xf32, #tpu.memory_space<vmem>>, vector<16xf32>,
      %get3A_763 = arith.constant 560 : index
      %get3A_764 = tpu.vector_load %arg18[%get3A_763] {strides = array<i32>} : memref<640xf32, #tpu.memory_space<vmem>>, vector<16xf32>,
      %get3A_765 = arith.constant 560 : index
      %get3A_766 = tpu.vector_load %arg17[%get3A_765] {strides = array<i32>} : memref<640xf32, #tpu.memory_space<vmem>>, vector<16xf32>,
      %add3A_767 = arith.addf %get3A_764, %get3A_766 : vector<16xf32>
      %swap3A_768 = arith.constant 560 : index
      %swap3A_769 = tpu.vector_load %arg18[%swap3A_768] {strides = array<i32>} : memref<640xf32, #tpu.memory_space<vmem>>, vector<16xf32>,
      tpu.vector_store %arg18[%swap3A_768], %add3A_767 {strides = array<i32>} : memref<640xf32, #tpu.memory_space<vmem>>, vector<16xf32>,
      %get3A_770 = arith.constant 576 : index
      %get3A_771 = tpu.vector_load %arg18[%get3A_770] {strides = array<i32>} : memref<640xf32, #tpu.memory_space<vmem>>, vector<16xf32>,
      %get3A_772 = arith.constant 576 : index
      %get3A_773 = tpu.vector_load %arg17[%get3A_772] {strides = array<i32>} : memref<640xf32, #tpu.memory_space<vmem>>, vector<16xf32>,
      %add3A_774 = arith.addf %get3A_771, %get3A_773 : vector<16xf32>
      %swap3A_775 = arith.constant 576 : index
      %swap3A_776 = tpu.vector_load %arg18[%swap3A_775] {strides = array<i32>} : memref<640xf32, #tpu.memory_space<vmem>>, vector<16xf32>,
      tpu.vector_store %arg18[%swap3A_775], %add3A_774 {strides = array<i32>} : memref<640xf32, #tpu.memory_space<vmem>>, vector<16xf32>,
      %get3A_777 = arith.constant 592 : index
      %get3A_778 = tpu.vector_load %arg18[%get3A_777] {strides = array<i32>} : memref<640xf32, #tpu.memory_space<vmem>>, vector<16xf32>,
      %get3A_779 = arith.constant 592 : index
      %get3A_780 = tpu.vector_load %arg17[%get3A_779] {strides = array<i32>} : memref<640xf32, #tpu.memory_space<vmem>>, vector<16xf32>,
      %add3A_781 = arith.addf %get3A_778, %get3A_780 : vector<16xf32>
      %swap3A_782 = arith.constant 592 : index
      %swap3A_783 = tpu.vector_load %arg18[%swap3A_782] {strides = array<i32>} : memref<640xf32, #tpu.memory_space<vmem>>, vector<16xf32>,
      tpu.vector_store %arg18[%swap3A_782], %add3A_781 {strides = array<i32>} : memref<640xf32, #tpu.memory_space<vmem>>, vector<16xf32>,
      %get3A_784 = arith.constant 608 : index
      %get3A_785 = tpu.vector_load %arg18[%get3A_784] {strides = array<i32>} : memref<640xf32, #tpu.memory_space<vmem>>, vector<16xf32>,
      %get3A_786 = arith.constant 608 : index
      %get3A_787 = tpu.vector_load %arg17[%get3A_786] {strides = array<i32>} : memref<640xf32, #tpu.memory_space<vmem>>, vector<16xf32>,
      %add3A_788 = arith.addf %get3A_785, %get3A_787 : vector<16xf32>
      %swap3A_789 = arith.constant 608 : index
      %swap3A_790 = tpu.vector_load %arg18[%swap3A_789] {strides = array<i32>} : memref<640xf32, #tpu.memory_space<vmem>>, vector<16xf32>,
      tpu.vector_store %arg18[%swap3A_789], %add3A_788 {strides = array<i32>} : memref<640xf32, #tpu.memory_space<vmem>>, vector<16xf32>,
      %get3A_791 = arith.constant 624 : index
      %get3A_792 = tpu.vector_load %arg18[%get3A_791] {strides = array<i32>} : memref<640xf32, #tpu.memory_space<vmem>>, vector<16xf32>,
      %get3A_793 = arith.constant 624 : index
      %get3A_794 = tpu.vector_load %arg17[%get3A_793] {strides = array<i32>} : memref<640xf32, #tpu.memory_space<vmem>>, vector<16xf32>,
      %add3A_795 = arith.addf %get3A_792, %get3A_794 : vector<16xf32>
      %swap3A_796 = arith.constant 624 : index
      %swap3A_797 = tpu.vector_load %arg18[%swap3A_796] {strides = array<i32>} : memref<640xf32, #tpu.memory_space<vmem>>, vector<16xf32>,
      tpu.vector_store %arg18[%swap3A_796], %add3A_795 {strides = array<i32>} : memref<640xf32, #tpu.memory_space<vmem>>, vector<16xf32>,
      %add3A_798 = arith.constant 2 : i32
      %add3A_799 = arith.addi %add3A_501, %add3A_798 : i32
      %mul3A_800 = arith.constant 16 : i32
      %mul3A_801 = arith.muli %arg0, %mul3A_800 : i32
      %add3A_802 = arith.addi %mul3A_801, %add3A_799 : i32
      %mul3A_803 = arith.constant 10240 : i32
      %mul3A_804 = arith.muli %add3A_802, %mul3A_803 : i32
      %mul3A_805 = arith.constant 640 : i32
      %mul3A_806 = arith.muli %arg1, %mul3A_805 : i32
      %add3A_807 = arith.addi %mul3A_804, %mul3A_806 : i32
      %dma_start3A_808 = tpu.memref_slice %arg8[%add3A_807] : memref<327680xf32, #tpu.memory_space<hbm>> -> memref<640xf32, #tpu.memory_space<hbm>>
      %dma_start3A_809 = tpu.memref_slice %arg8[%add3A_807] : memref<327680xf32, #tpu.memory_space<hbm>> -> memref<640xf32, #tpu.memory_space<hbm>>
      tpu.enqueue_dma source(%dma_start3A_809 : memref<640xf32, #tpu.memory_space<hbm>>) target(%arg17 : memref<640xf32, #tpu.memory_space<vmem>>) target_semaphore(%arg25 : memref<!tpu.dma_semaphore, #tpu.memory_space<semaphore_mem>>)
      %dma_wait3A_810 = arith.constant 0 : i32
      %dma_wait3A_811 = tpu.memref_slice %arg8[%dma_wait3A_810] : memref<327680xf32, #tpu.memory_space<hbm>> -> memref<640xf32, #tpu.memory_space<hbm>>
      %dma_wait3A_812 = arith.constant 0 : i32
      %dma_wait3A_813 = tpu.memref_slice %arg8[%dma_wait3A_812] : memref<327680xf32, #tpu.memory_space<hbm>> -> memref<640xf32, #tpu.memory_space<hbm>>
      tpu.wait_dma2 semaphore(%arg24 : memref<!tpu.dma_semaphore, #tpu.memory_space<semaphore_mem>>) src(%dma_wait3A_813 : memref<640xf32, #tpu.memory_space<hbm>>) dst(%arg16 : memref<640xf32, #tpu.memory_space<vmem>>)
      %get3A_814 = arith.constant 0 : index
      %get3A_815 = tpu.vector_load %arg18[%get3A_814] {strides = array<i32>} : memref<640xf32, #tpu.memory_space<vmem>>, vector<16xf32>,
      %get3A_816 = arith.constant 0 : index
      %get3A_817 = tpu.vector_load %arg16[%get3A_816] {strides = array<i32>} : memref<640xf32, #tpu.memory_space<vmem>>, vector<16xf32>,
      %add3A_818 = arith.addf %get3A_815, %get3A_817 : vector<16xf32>
      %swap3A_819 = arith.constant 0 : index
      %swap3A_820 = tpu.vector_load %arg18[%swap3A_819] {strides = array<i32>} : memref<640xf32, #tpu.memory_space<vmem>>, vector<16xf32>,
      tpu.vector_store %arg18[%swap3A_819], %add3A_818 {strides = array<i32>} : memref<640xf32, #tpu.memory_space<vmem>>, vector<16xf32>,
      %get3A_821 = arith.constant 16 : index
      %get3A_822 = tpu.vector_load %arg18[%get3A_821] {strides = array<i32>} : memref<640xf32, #tpu.memory_space<vmem>>, vector<16xf32>,
      %get3A_823 = arith.constant 16 : index
      %get3A_824 = tpu.vector_load %arg16[%get3A_823] {strides = array<i32>} : memref<640xf32, #tpu.memory_space<vmem>>, vector<16xf32>,
      %add3A_825 = arith.addf %get3A_822, %get3A_824 : vector<16xf32>
      %swap3A_826 = arith.constant 16 : index
      %swap3A_827 = tpu.vector_load %arg18[%swap3A_826] {strides = array<i32>} : memref<640xf32, #tpu.memory_space<vmem>>, vector<16xf32>,
      tpu.vector_store %arg18[%swap3A_826], %add3A_825 {strides = array<i32>} : memref<640xf32, #tpu.memory_space<vmem>>, vector<16xf32>,
      %get3A_828 = arith.constant 32 : index
      %get3A_829 = tpu.vector_load %arg18[%get3A_828] {strides = array<i32>} : memref<640xf32, #tpu.memory_space<vmem>>, vector<16xf32>,
      %get3A_830 = arith.constant 32 : index
      %get3A_831 = tpu.vector_load %arg16[%get3A_830] {strides = array<i32>} : memref<640xf32, #tpu.memory_space<vmem>>, vector<16xf32>,
      %add3A_832 = arith.addf %get3A_829, %get3A_831 : vector<16xf32>
      %swap3A_833 = arith.constant 32 : index
      %swap3A_834 = tpu.vector_load %arg18[%swap3A_833] {strides = array<i32>} : memref<640xf32, #tpu.memory_space<vmem>>, vector<16xf32>,
      tpu.vector_store %arg18[%swap3A_833], %add3A_832 {strides = array<i32>} : memref<640xf32, #tpu.memory_space<vmem>>, vector<16xf32>,
      %get3A_835 = arith.constant 48 : index
      %get3A_836 = tpu.vector_load %arg18[%get3A_835] {strides = array<i32>} : memref<640xf32, #tpu.memory_space<vmem>>, vector<16xf32>,
      %get3A_837 = arith.constant 48 : index
      %get3A_838 = tpu.vector_load %arg16[%get3A_837] {strides = array<i32>} : memref<640xf32, #tpu.memory_space<vmem>>, vector<16xf32>,
      %add3A_839 = arith.addf %get3A_836, %get3A_838 : vector<16xf32>
      %swap3A_840 = arith.constant 48 : index
      %swap3A_841 = tpu.vector_load %arg18[%swap3A_840] {strides = array<i32>} : memref<640xf32, #tpu.memory_space<vmem>>, vector<16xf32>,
      tpu.vector_store %arg18[%swap3A_840], %add3A_839 {strides = array<i32>} : memref<640xf32, #tpu.memory_space<vmem>>, vector<16xf32>,
      %get3A_842 = arith.constant 64 : index
      %get3A_843 = tpu.vector_load %arg18[%get3A_842] {strides = array<i32>} : memref<640xf32, #tpu.memory_space<vmem>>, vector<16xf32>,
      %get3A_844 = arith.constant 64 : index
      %get3A_845 = tpu.vector_load %arg16[%get3A_844] {strides = array<i32>} : memref<640xf32, #tpu.memory_space<vmem>>, vector<16xf32>,
      %add3A_846 = arith.addf %get3A_843, %get3A_845 : vector<16xf32>
      %swap3A_847 = arith.constant 64 : index
      %swap3A_848 = tpu.vector_load %arg18[%swap3A_847] {strides = array<i32>} : memref<640xf32, #tpu.memory_space<vmem>>, vector<16xf32>,
      tpu.vector_store %arg18[%swap3A_847], %add3A_846 {strides = array<i32>} : memref<640xf32, #tpu.memory_space<vmem>>, vector<16xf32>,
      %get3A_849 = arith.constant 80 : index
      %get3A_850 = tpu.vector_load %arg18[%get3A_849] {strides = array<i32>} : memref<640xf32, #tpu.memory_space<vmem>>, vector<16xf32>,
      %get3A_851 = arith.constant 80 : index
      %get3A_852 = tpu.vector_load %arg16[%get3A_851] {strides = array<i32>} : memref<640xf32, #tpu.memory_space<vmem>>, vector<16xf32>,
      %add3A_853 = arith.addf %get3A_850, %get3A_852 : vector<16xf32>
      %swap3A_854 = arith.constant 80 : index
      %swap3A_855 = tpu.vector_load %arg18[%swap3A_854] {strides = array<i32>} : memref<640xf32, #tpu.memory_space<vmem>>, vector<16xf32>,
      tpu.vector_store %arg18[%swap3A_854], %add3A_853 {strides = array<i32>} : memref<640xf32, #tpu.memory_space<vmem>>, vector<16xf32>,
      %get3A_856 = arith.constant 96 : index
      %get3A_857 = tpu.vector_load %arg18[%get3A_856] {strides = array<i32>} : memref<640xf32, #tpu.memory_space<vmem>>, vector<16xf32>,
      %get3A_858 = arith.constant 96 : index
      %get3A_859 = tpu.vector_load %arg16[%get3A_858] {strides = array<i32>} : memref<640xf32, #tpu.memory_space<vmem>>, vector<16xf32>,
      %add3A_860 = arith.addf %get3A_857, %get3A_859 : vector<16xf32>
      %swap3A_861 = arith.constant 96 : index
      %swap3A_862 = tpu.vector_load %arg18[%swap3A_861] {strides = array<i32>} : memref<640xf32, #tpu.memory_space<vmem>>, vector<16xf32>,
      tpu.vector_store %arg18[%swap3A_861], %add3A_860 {strides = array<i32>} : memref<640xf32, #tpu.memory_space<vmem>>, vector<16xf32>,
      %get3A_863 = arith.constant 112 : index
      %get3A_864 = tpu.vector_load %arg18[%get3A_863] {strides = array<i32>} : memref<640xf32, #tpu.memory_space<vmem>>, vector<16xf32>,
      %get3A_865 = arith.constant 112 : index
      %get3A_866 = tpu.vector_load %arg16[%get3A_865] {strides = array<i32>} : memref<640xf32, #tpu.memory_space<vmem>>, vector<16xf32>,
      %add3A_867 = arith.addf %get3A_864, %get3A_866 : vector<16xf32>
      %swap3A_868 = arith.constant 112 : index
      %swap3A_869 = tpu.vector_load %arg18[%swap3A_868] {strides = array<i32>} : memref<640xf32, #tpu.memory_space<vmem>>, vector<16xf32>,
      tpu.vector_store %arg18[%swap3A_868], %add3A_867 {strides = array<i32>} : memref<640xf32, #tpu.memory_space<vmem>>, vector<16xf32>,
      %get3A_870 = arith.constant 128 : index
      %get3A_871 = tpu.vector_load %arg18[%get3A_870] {strides = array<i32>} : memref<640xf32, #tpu.memory_space<vmem>>, vector<16xf32>,
      %get3A_872 = arith.constant 128 : index
      %get3A_873 = tpu.vector_load %arg16[%get3A_872] {strides = array<i32>} : memref<640xf32, #tpu.memory_space<vmem>>, vector<16xf32>,
      %add3A_874 = arith.addf %get3A_871, %get3A_873 : vector<16xf32>
      %swap3A_875 = arith.constant 128 : index
      %swap3A_876 = tpu.vector_load %arg18[%swap3A_875] {strides = array<i32>} : memref<640xf32, #tpu.memory_space<vmem>>, vector<16xf32>,
      tpu.vector_store %arg18[%swap3A_875], %add3A_874 {strides = array<i32>} : memref<640xf32, #tpu.memory_space<vmem>>, vector<16xf32>,
      %get3A_877 = arith.constant 144 : index
      %get3A_878 = tpu.vector_load %arg18[%get3A_877] {strides = array<i32>} : memref<640xf32, #tpu.memory_space<vmem>>, vector<16xf32>,
      %get3A_879 = arith.constant 144 : index
      %get3A_880 = tpu.vector_load %arg16[%get3A_879] {strides = array<i32>} : memref<640xf32, #tpu.memory_space<vmem>>, vector<16xf32>,
      %add3A_881 = arith.addf %get3A_878, %get3A_880 : vector<16xf32>
      %swap3A_882 = arith.constant 144 : index
      %swap3A_883 = tpu.vector_load %arg18[%swap3A_882] {strides = array<i32>} : memref<640xf32, #tpu.memory_space<vmem>>, vector<16xf32>,
      tpu.vector_store %arg18[%swap3A_882], %add3A_881 {strides = array<i32>} : memref<640xf32, #tpu.memory_space<vmem>>, vector<16xf32>,
      %get3A_884 = arith.constant 160 : index
      %get3A_885 = tpu.vector_load %arg18[%get3A_884] {strides = array<i32>} : memref<640xf32, #tpu.memory_space<vmem>>, vector<16xf32>,
      %get3A_886 = arith.constant 160 : index
      %get3A_887 = tpu.vector_load %arg16[%get3A_886] {strides = array<i32>} : memref<640xf32, #tpu.memory_space<vmem>>, vector<16xf32>,
      %add3A_888 = arith.addf %get3A_885, %get3A_887 : vector<16xf32>
      %swap3A_889 = arith.constant 160 : index
      %swap3A_890 = tpu.vector_load %arg18[%swap3A_889] {strides = array<i32>} : memref<640xf32, #tpu.memory_space<vmem>>, vector<16xf32>,
      tpu.vector_store %arg18[%swap3A_889], %add3A_888 {strides = array<i32>} : memref<640xf32, #tpu.memory_space<vmem>>, vector<16xf32>,
      %get3A_891 = arith.constant 176 : index
      %get3A_892 = tpu.vector_load %arg18[%get3A_891] {strides = array<i32>} : memref<640xf32, #tpu.memory_space<vmem>>, vector<16xf32>,
      %get3A_893 = arith.constant 176 : index
      %get3A_894 = tpu.vector_load %arg16[%get3A_893] {strides = array<i32>} : memref<640xf32, #tpu.memory_space<vmem>>, vector<16xf32>,
      %add3A_895 = arith.addf %get3A_892, %get3A_894 : vector<16xf32>
      %swap3A_896 = arith.constant 176 : index
      %swap3A_897 = tpu.vector_load %arg18[%swap3A_896] {strides = array<i32>} : memref<640xf32, #tpu.memory_space<vmem>>, vector<16xf32>,
      tpu.vector_store %arg18[%swap3A_896], %add3A_895 {strides = array<i32>} : memref<640xf32, #tpu.memory_space<vmem>>, vector<16xf32>,
      %get3A_898 = arith.constant 192 : index
      %get3A_899 = tpu.vector_load %arg18[%get3A_898] {strides = array<i32>} : memref<640xf32, #tpu.memory_space<vmem>>, vector<16xf32>,
      %get3A_900 = arith.constant 192 : index
      %get3A_901 = tpu.vector_load %arg16[%get3A_900] {strides = array<i32>} : memref<640xf32, #tpu.memory_space<vmem>>, vector<16xf32>,
      %add3A_902 = arith.addf %get3A_899, %get3A_901 : vector<16xf32>
      %swap3A_903 = arith.constant 192 : index
      %swap3A_904 = tpu.vector_load %arg18[%swap3A_903] {strides = array<i32>} : memref<640xf32, #tpu.memory_space<vmem>>, vector<16xf32>,
      tpu.vector_store %arg18[%swap3A_903], %add3A_902 {strides = array<i32>} : memref<640xf32, #tpu.memory_space<vmem>>, vector<16xf32>,
      %get3A_905 = arith.constant 208 : index
      %get3A_906 = tpu.vector_load %arg18[%get3A_905] {strides = array<i32>} : memref<640xf32, #tpu.memory_space<vmem>>, vector<16xf32>,
      %get3A_907 = arith.constant 208 : index
      %get3A_908 = tpu.vector_load %arg16[%get3A_907] {strides = array<i32>} : memref<640xf32, #tpu.memory_space<vmem>>, vector<16xf32>,
      %add3A_909 = arith.addf %get3A_906, %get3A_908 : vector<16xf32>
      %swap3A_910 = arith.constant 208 : index
      %swap3A_911 = tpu.vector_load %arg18[%swap3A_910] {strides = array<i32>} : memref<640xf32, #tpu.memory_space<vmem>>, vector<16xf32>,
      tpu.vector_store %arg18[%swap3A_910], %add3A_909 {strides = array<i32>} : memref<640xf32, #tpu.memory_space<vmem>>, vector<16xf32>,
      %get3A_912 = arith.constant 224 : index
      %get3A_913 = tpu.vector_load %arg18[%get3A_912] {strides = array<i32>} : memref<640xf32, #tpu.memory_space<vmem>>, vector<16xf32>,
      %get3A_914 = arith.constant 224 : index
      %get3A_915 = tpu.vector_load %arg16[%get3A_914] {strides = array<i32>} : memref<640xf32, #tpu.memory_space<vmem>>, vector<16xf32>,
      %add3A_916 = arith.addf %get3A_913, %get3A_915 : vector<16xf32>
      %swap3A_917 = arith.constant 224 : index
      %swap3A_918 = tpu.vector_load %arg18[%swap3A_917] {strides = array<i32>} : memref<640xf32, #tpu.memory_space<vmem>>, vector<16xf32>,
      tpu.vector_store %arg18[%swap3A_917], %add3A_916 {strides = array<i32>} : memref<640xf32, #tpu.memory_space<vmem>>, vector<16xf32>,
      %get3A_919 = arith.constant 240 : index
      %get3A_920 = tpu.vector_load %arg18[%get3A_919] {strides = array<i32>} : memref<640xf32, #tpu.memory_space<vmem>>, vector<16xf32>,
      %get3A_921 = arith.constant 240 : index
      %get3A_922 = tpu.vector_load %arg16[%get3A_921] {strides = array<i32>} : memref<640xf32, #tpu.memory_space<vmem>>, vector<16xf32>,
      %add3A_923 = arith.addf %get3A_920, %get3A_922 : vector<16xf32>
      %swap3A_924 = arith.constant 240 : index
      %swap3A_925 = tpu.vector_load %arg18[%swap3A_924] {strides = array<i32>} : memref<640xf32, #tpu.memory_space<vmem>>, vector<16xf32>,
      tpu.vector_store %arg18[%swap3A_924], %add3A_923 {strides = array<i32>} : memref<640xf32, #tpu.memory_space<vmem>>, vector<16xf32>,
      %get3A_926 = arith.constant 256 : index
      %get3A_927 = tpu.vector_load %arg18[%get3A_926] {strides = array<i32>} : memref<640xf32, #tpu.memory_space<vmem>>, vector<16xf32>,
      %get3A_928 = arith.constant 256 : index
      %get3A_929 = tpu.vector_load %arg16[%get3A_928] {strides = array<i32>} : memref<640xf32, #tpu.memory_space<vmem>>, vector<16xf32>,
      %add3A_930 = arith.addf %get3A_927, %get3A_929 : vector<16xf32>
      %swap3A_931 = arith.constant 256 : index
      %swap3A_932 = tpu.vector_load %arg18[%swap3A_931] {strides = array<i32>} : memref<640xf32, #tpu.memory_space<vmem>>, vector<16xf32>,
      tpu.vector_store %arg18[%swap3A_931], %add3A_930 {strides = array<i32>} : memref<640xf32, #tpu.memory_space<vmem>>, vector<16xf32>,
      %get3A_933 = arith.constant 272 : index
      %get3A_934 = tpu.vector_load %arg18[%get3A_933] {strides = array<i32>} : memref<640xf32, #tpu.memory_space<vmem>>, vector<16xf32>,
      %get3A_935 = arith.constant 272 : index
      %get3A_936 = tpu.vector_load %arg16[%get3A_935] {strides = array<i32>} : memref<640xf32, #tpu.memory_space<vmem>>, vector<16xf32>,
      %add3A_937 = arith.addf %get3A_934, %get3A_936 : vector<16xf32>
      %swap3A_938 = arith.constant 272 : index
      %swap3A_939 = tpu.vector_load %arg18[%swap3A_938] {strides = array<i32>} : memref<640xf32, #tpu.memory_space<vmem>>, vector<16xf32>,
      tpu.vector_store %arg18[%swap3A_938], %add3A_937 {strides = array<i32>} : memref<640xf32, #tpu.memory_space<vmem>>, vector<16xf32>,
      %get3A_940 = arith.constant 288 : index
      %get3A_941 = tpu.vector_load %arg18[%get3A_940] {strides = array<i32>} : memref<640xf32, #tpu.memory_space<vmem>>, vector<16xf32>,
      %get3A_942 = arith.constant 288 : index
      %get3A_943 = tpu.vector_load %arg16[%get3A_942] {strides = array<i32>} : memref<640xf32, #tpu.memory_space<vmem>>, vector<16xf32>,
      %add3A_944 = arith.addf %get3A_941, %get3A_943 : vector<16xf32>
      %swap3A_945 = arith.constant 288 : index
      %swap3A_946 = tpu.vector_load %arg18[%swap3A_945] {strides = array<i32>} : memref<640xf32, #tpu.memory_space<vmem>>, vector<16xf32>,
      tpu.vector_store %arg18[%swap3A_945], %add3A_944 {strides = array<i32>} : memref<640xf32, #tpu.memory_space<vmem>>, vector<16xf32>,
      %get3A_947 = arith.constant 304 : index
      %get3A_948 = tpu.vector_load %arg18[%get3A_947] {strides = array<i32>} : memref<640xf32, #tpu.memory_space<vmem>>, vector<16xf32>,
      %get3A_949 = arith.constant 304 : index
      %get3A_950 = tpu.vector_load %arg16[%get3A_949] {strides = array<i32>} : memref<640xf32, #tpu.memory_space<vmem>>, vector<16xf32>,
      %add3A_951 = arith.addf %get3A_948, %get3A_950 : vector<16xf32>
      %swap3A_952 = arith.constant 304 : index
      %swap3A_953 = tpu.vector_load %arg18[%swap3A_952] {strides = array<i32>} : memref<640xf32, #tpu.memory_space<vmem>>, vector<16xf32>,
      tpu.vector_store %arg18[%swap3A_952], %add3A_951 {strides = array<i32>} : memref<640xf32, #tpu.memory_space<vmem>>, vector<16xf32>,
      %get3A_954 = arith.constant 320 : index
      %get3A_955 = tpu.vector_load %arg18[%get3A_954] {strides = array<i32>} : memref<640xf32, #tpu.memory_space<vmem>>, vector<16xf32>,
      %get3A_956 = arith.constant 320 : index
      %get3A_957 = tpu.vector_load %arg16[%get3A_956] {strides = array<i32>} : memref<640xf32, #tpu.memory_space<vmem>>, vector<16xf32>,
      %add3A_958 = arith.addf %get3A_955, %get3A_957 : vector<16xf32>
      %swap3A_959 = arith.constant 320 : index
      %swap3A_960 = tpu.vector_load %arg18[%swap3A_959] {strides = array<i32>} : memref<640xf32, #tpu.memory_space<vmem>>, vector<16xf32>,
      tpu.vector_store %arg18[%swap3A_959], %add3A_958 {strides = array<i32>} : memref<640xf32, #tpu.memory_space<vmem>>, vector<16xf32>,
      %get3A_961 = arith.constant 336 : index
      %get3A_962 = tpu.vector_load %arg18[%get3A_961] {strides = array<i32>} : memref<640xf32, #tpu.memory_space<vmem>>, vector<16xf32>,
      %get3A_963 = arith.constant 336 : index
      %get3A_964 = tpu.vector_load %arg16[%get3A_963] {strides = array<i32>} : memref<640xf32, #tpu.memory_space<vmem>>, vector<16xf32>,
      %add3A_965 = arith.addf %get3A_962, %get3A_964 : vector<16xf32>
      %swap3A_966 = arith.constant 336 : index
      %swap3A_967 = tpu.vector_load %arg18[%swap3A_966] {strides = array<i32>} : memref<640xf32, #tpu.memory_space<vmem>>, vector<16xf32>,
      tpu.vector_store %arg18[%swap3A_966], %add3A_965 {strides = array<i32>} : memref<640xf32, #tpu.memory_space<vmem>>, vector<16xf32>,
      %get3A_968 = arith.constant 352 : index
      %get3A_969 = tpu.vector_load %arg18[%get3A_968] {strides = array<i32>} : memref<640xf32, #tpu.memory_space<vmem>>, vector<16xf32>,
      %get3A_970 = arith.constant 352 : index
      %get3A_971 = tpu.vector_load %arg16[%get3A_970] {strides = array<i32>} : memref<640xf32, #tpu.memory_space<vmem>>, vector<16xf32>,
      %add3A_972 = arith.addf %get3A_969, %get3A_971 : vector<16xf32>
      %swap3A_973 = arith.constant 352 : index
      %swap3A_974 = tpu.vector_load %arg18[%swap3A_973] {strides = array<i32>} : memref<640xf32, #tpu.memory_space<vmem>>, vector<16xf32>,
      tpu.vector_store %arg18[%swap3A_973], %add3A_972 {strides = array<i32>} : memref<640xf32, #tpu.memory_space<vmem>>, vector<16xf32>,
      %get3A_975 = arith.constant 368 : index
      %get3A_976 = tpu.vector_load %arg18[%get3A_975] {strides = array<i32>} : memref<640xf32, #tpu.memory_space<vmem>>, vector<16xf32>,
      %get3A_977 = arith.constant 368 : index
      %get3A_978 = tpu.vector_load %arg16[%get3A_977] {strides = array<i32>} : memref<640xf32, #tpu.memory_space<vmem>>, vector<16xf32>,
      %add3A_979 = arith.addf %get3A_976, %get3A_978 : vector<16xf32>
      %swap3A_980 = arith.constant 368 : index
      %swap3A_981 = tpu.vector_load %arg18[%swap3A_980] {strides = array<i32>} : memref<640xf32, #tpu.memory_space<vmem>>, vector<16xf32>,
      tpu.vector_store %arg18[%swap3A_980], %add3A_979 {strides = array<i32>} : memref<640xf32, #tpu.memory_space<vmem>>, vector<16xf32>,
      %get3A_982 = arith.constant 384 : index
      %get3A_983 = tpu.vector_load %arg18[%get3A_982] {strides = array<i32>} : memref<640xf32, #tpu.memory_space<vmem>>, vector<16xf32>,
      %get3A_984 = arith.constant 384 : index
      %get3A_985 = tpu.vector_load %arg16[%get3A_984] {strides = array<i32>} : memref<640xf32, #tpu.memory_space<vmem>>, vector<16xf32>,
      %add3A_986 = arith.addf %get3A_983, %get3A_985 : vector<16xf32>
      %swap3A_987 = arith.constant 384 : index
      %swap3A_988 = tpu.vector_load %arg18[%swap3A_987] {strides = array<i32>} : memref<640xf32, #tpu.memory_space<vmem>>, vector<16xf32>,
      tpu.vector_store %arg18[%swap3A_987], %add3A_986 {strides = array<i32>} : memref<640xf32, #tpu.memory_space<vmem>>, vector<16xf32>,
      %get3A_989 = arith.constant 400 : index
      %get3A_990 = tpu.vector_load %arg18[%get3A_989] {strides = array<i32>} : memref<640xf32, #tpu.memory_space<vmem>>, vector<16xf32>,
      %get3A_991 = arith.constant 400 : index
      %get3A_992 = tpu.vector_load %arg16[%get3A_991] {strides = array<i32>} : memref<640xf32, #tpu.memory_space<vmem>>, vector<16xf32>,
      %add3A_993 = arith.addf %get3A_990, %get3A_992 : vector<16xf32>
      %swap3A_994 = arith.constant 400 : index
      %swap3A_995 = tpu.vector_load %arg18[%swap3A_994] {strides = array<i32>} : memref<640xf32, #tpu.memory_space<vmem>>, vector<16xf32>,
      tpu.vector_store %arg18[%swap3A_994], %add3A_993 {strides = array<i32>} : memref<640xf32, #tpu.memory_space<vmem>>, vector<16xf32>,
      %get3A_996 = arith.constant 416 : index
      %get3A_997 = tpu.vector_load %arg18[%get3A_996] {strides = array<i32>} : memref<640xf32, #tpu.memory_space<vmem>>, vector<16xf32>,
      %get3A_998 = arith.constant 416 : index
      %get3A_999 = tpu.vector_load %arg16[%get3A_998] {strides = array<i32>} : memref<640xf32, #tpu.memory_space<vmem>>, vector<16xf32>,
      %add3A_1000 = arith.addf %get3A_997, %get3A_999 : vector<16xf32>
      %swap3A_1001 = arith.constant 416 : index
      %swap3A_1002 = tpu.vector_load %arg18[%swap3A_1001] {strides = array<i32>} : memref<640xf32, #tpu.memory_space<vmem>>, vector<16xf32>,
      tpu.vector_store %arg18[%swap3A_1001], %add3A_1000 {strides = array<i32>} : memref<640xf32, #tpu.memory_space<vmem>>, vector<16xf32>,
      %get3A_1003 = arith.constant 432 : index
      %get3A_1004 = tpu.vector_load %arg18[%get3A_1003] {strides = array<i32>} : memref<640xf32, #tpu.memory_space<vmem>>, vector<16xf32>,
      %get3A_1005 = arith.constant 432 : index
      %get3A_1006 = tpu.vector_load %arg16[%get3A_1005] {strides = array<i32>} : memref<640xf32, #tpu.memory_space<vmem>>, vector<16xf32>,
      %add3A_1007 = arith.addf %get3A_1004, %get3A_1006 : vector<16xf32>
      %swap3A_1008 = arith.constant 432 : index
      %swap3A_1009 = tpu.vector_load %arg18[%swap3A_1008] {strides = array<i32>} : memref<640xf32, #tpu.memory_space<vmem>>, vector<16xf32>,
      tpu.vector_store %arg18[%swap3A_1008], %add3A_1007 {strides = array<i32>} : memref<640xf32, #tpu.memory_space<vmem>>, vector<16xf32>,
      %get3A_1010 = arith.constant 448 : index
      %get3A_1011 = tpu.vector_load %arg18[%get3A_1010] {strides = array<i32>} : memref<640xf32, #tpu.memory_space<vmem>>, vector<16xf32>,
      %get3A_1012 = arith.constant 448 : index
      %get3A_1013 = tpu.vector_load %arg16[%get3A_1012] {strides = array<i32>} : memref<640xf32, #tpu.memory_space<vmem>>, vector<16xf32>,
      %add3A_1014 = arith.addf %get3A_1011, %get3A_1013 : vector<16xf32>
      %swap3A_1015 = arith.constant 448 : index
      %swap3A_1016 = tpu.vector_load %arg18[%swap3A_1015] {strides = array<i32>} : memref<640xf32, #tpu.memory_space<vmem>>, vector<16xf32>,
      tpu.vector_store %arg18[%swap3A_1015], %add3A_1014 {strides = array<i32>} : memref<640xf32, #tpu.memory_space<vmem>>, vector<16xf32>,
      %get3A_1017 = arith.constant 464 : index
      %get3A_1018 = tpu.vector_load %arg18[%get3A_1017] {strides = array<i32>} : memref<640xf32, #tpu.memory_space<vmem>>, vector<16xf32>,
      %get3A_1019 = arith.constant 464 : index
      %get3A_1020 = tpu.vector_load %arg16[%get3A_1019] {strides = array<i32>} : memref<640xf32, #tpu.memory_space<vmem>>, vector<16xf32>,
      %add3A_1021 = arith.addf %get3A_1018, %get3A_1020 : vector<16xf32>
      %swap3A_1022 = arith.constant 464 : index
      %swap3A_1023 = tpu.vector_load %arg18[%swap3A_1022] {strides = array<i32>} : memref<640xf32, #tpu.memory_space<vmem>>, vector<16xf32>,
      tpu.vector_store %arg18[%swap3A_1022], %add3A_1021 {strides = array<i32>} : memref<640xf32, #tpu.memory_space<vmem>>, vector<16xf32>,
      %get3A_1024 = arith.constant 480 : index
      %get3A_1025 = tpu.vector_load %arg18[%get3A_1024] {strides = array<i32>} : memref<640xf32, #tpu.memory_space<vmem>>, vector<16xf32>,
      %get3A_1026 = arith.constant 480 : index
      %get3A_1027 = tpu.vector_load %arg16[%get3A_1026] {strides = array<i32>} : memref<640xf32, #tpu.memory_space<vmem>>, vector<16xf32>,
      %add3A_1028 = arith.addf %get3A_1025, %get3A_1027 : vector<16xf32>
      %swap3A_1029 = arith.constant 480 : index
      %swap3A_1030 = tpu.vector_load %arg18[%swap3A_1029] {strides = array<i32>} : memref<640xf32, #tpu.memory_space<vmem>>, vector<16xf32>,
      tpu.vector_store %arg18[%swap3A_1029], %add3A_1028 {strides = array<i32>} : memref<640xf32, #tpu.memory_space<vmem>>, vector<16xf32>,
      %get3A_1031 = arith.constant 496 : index
      %get3A_1032 = tpu.vector_load %arg18[%get3A_1031] {strides = array<i32>} : memref<640xf32, #tpu.memory_space<vmem>>, vector<16xf32>,
      %get3A_1033 = arith.constant 496 : index
      %get3A_1034 = tpu.vector_load %arg16[%get3A_1033] {strides = array<i32>} : memref<640xf32, #tpu.memory_space<vmem>>, vector<16xf32>,
      %add3A_1035 = arith.addf %get3A_1032, %get3A_1034 : vector<16xf32>
      %swap3A_1036 = arith.constant 496 : index
      %swap3A_1037 = tpu.vector_load %arg18[%swap3A_1036] {strides = array<i32>} : memref<640xf32, #tpu.memory_space<vmem>>, vector<16xf32>,
      tpu.vector_store %arg18[%swap3A_1036], %add3A_1035 {strides = array<i32>} : memref<640xf32, #tpu.memory_space<vmem>>, vector<16xf32>,
      %get3A_1038 = arith.constant 512 : index
      %get3A_1039 = tpu.vector_load %arg18[%get3A_1038] {strides = array<i32>} : memref<640xf32, #tpu.memory_space<vmem>>, vector<16xf32>,
      %get3A_1040 = arith.constant 512 : index
      %get3A_1041 = tpu.vector_load %arg16[%get3A_1040] {strides = array<i32>} : memref<640xf32, #tpu.memory_space<vmem>>, vector<16xf32>,
      %add3A_1042 = arith.addf %get3A_1039, %get3A_1041 : vector<16xf32>
      %swap3A_1043 = arith.constant 512 : index
      %swap3A_1044 = tpu.vector_load %arg18[%swap3A_1043] {strides = array<i32>} : memref<640xf32, #tpu.memory_space<vmem>>, vector<16xf32>,
      tpu.vector_store %arg18[%swap3A_1043], %add3A_1042 {strides = array<i32>} : memref<640xf32, #tpu.memory_space<vmem>>, vector<16xf32>,
      %get3A_1045 = arith.constant 528 : index
      %get3A_1046 = tpu.vector_load %arg18[%get3A_1045] {strides = array<i32>} : memref<640xf32, #tpu.memory_space<vmem>>, vector<16xf32>,
      %get3A_1047 = arith.constant 528 : index
      %get3A_1048 = tpu.vector_load %arg16[%get3A_1047] {strides = array<i32>} : memref<640xf32, #tpu.memory_space<vmem>>, vector<16xf32>,
      %add3A_1049 = arith.addf %get3A_1046, %get3A_1048 : vector<16xf32>
      %swap3A_1050 = arith.constant 528 : index
      %swap3A_1051 = tpu.vector_load %arg18[%swap3A_1050] {strides = array<i32>} : memref<640xf32, #tpu.memory_space<vmem>>, vector<16xf32>,
      tpu.vector_store %arg18[%swap3A_1050], %add3A_1049 {strides = array<i32>} : memref<640xf32, #tpu.memory_space<vmem>>, vector<16xf32>,
      %get3A_1052 = arith.constant 544 : index
      %get3A_1053 = tpu.vector_load %arg18[%get3A_1052] {strides = array<i32>} : memref<640xf32, #tpu.memory_space<vmem>>, vector<16xf32>,
      %get3A_1054 = arith.constant 544 : index
      %get3A_1055 = tpu.vector_load %arg16[%get3A_1054] {strides = array<i32>} : memref<640xf32, #tpu.memory_space<vmem>>, vector<16xf32>,
      %add3A_1056 = arith.addf %get3A_1053, %get3A_1055 : vector<16xf32>
      %swap3A_1057 = arith.constant 544 : index
      %swap3A_1058 = tpu.vector_load %arg18[%swap3A_1057] {strides = array<i32>} : memref<640xf32, #tpu.memory_space<vmem>>, vector<16xf32>,
      tpu.vector_store %arg18[%swap3A_1057], %add3A_1056 {strides = array<i32>} : memref<640xf32, #tpu.memory_space<vmem>>, vector<16xf32>,
      %get3A_1059 = arith.constant 560 : index
      %get3A_1060 = tpu.vector_load %arg18[%get3A_1059] {strides = array<i32>} : memref<640xf32, #tpu.memory_space<vmem>>, vector<16xf32>,
      %get3A_1061 = arith.constant 560 : index
      %get3A_1062 = tpu.vector_load %arg16[%get3A_1061] {strides = array<i32>} : memref<640xf32, #tpu.memory_space<vmem>>, vector<16xf32>,
      %add3A_1063 = arith.addf %get3A_1060, %get3A_1062 : vector<16xf32>
      %swap3A_1064 = arith.constant 560 : index
      %swap3A_1065 = tpu.vector_load %arg18[%swap3A_1064] {strides = array<i32>} : memref<640xf32, #tpu.memory_space<vmem>>, vector<16xf32>,
      tpu.vector_store %arg18[%swap3A_1064], %add3A_1063 {strides = array<i32>} : memref<640xf32, #tpu.memory_space<vmem>>, vector<16xf32>,
      %get3A_1066 = arith.constant 576 : index
      %get3A_1067 = tpu.vector_load %arg18[%get3A_1066] {strides = array<i32>} : memref<640xf32, #tpu.memory_space<vmem>>, vector<16xf32>,
      %get3A_1068 = arith.constant 576 : index
      %get3A_1069 = tpu.vector_load %arg16[%get3A_1068] {strides = array<i32>} : memref<640xf32, #tpu.memory_space<vmem>>, vector<16xf32>,
      %add3A_1070 = arith.addf %get3A_1067, %get3A_1069 : vector<16xf32>
      %swap3A_1071 = arith.constant 576 : index
      %swap3A_1072 = tpu.vector_load %arg18[%swap3A_1071] {strides = array<i32>} : memref<640xf32, #tpu.memory_space<vmem>>, vector<16xf32>,
      tpu.vector_store %arg18[%swap3A_1071], %add3A_1070 {strides = array<i32>} : memref<640xf32, #tpu.memory_space<vmem>>, vector<16xf32>,
      %get3A_1073 = arith.constant 592 : index
      %get3A_1074 = tpu.vector_load %arg18[%get3A_1073] {strides = array<i32>} : memref<640xf32, #tpu.memory_space<vmem>>, vector<16xf32>,
      %get3A_1075 = arith.constant 592 : index
      %get3A_1076 = tpu.vector_load %arg16[%get3A_1075] {strides = array<i32>} : memref<640xf32, #tpu.memory_space<vmem>>, vector<16xf32>,
      %add3A_1077 = arith.addf %get3A_1074, %get3A_1076 : vector<16xf32>
      %swap3A_1078 = arith.constant 592 : index
      %swap3A_1079 = tpu.vector_load %arg18[%swap3A_1078] {strides = array<i32>} : memref<640xf32, #tpu.memory_space<vmem>>, vector<16xf32>,
      tpu.vector_store %arg18[%swap3A_1078], %add3A_1077 {strides = array<i32>} : memref<640xf32, #tpu.memory_space<vmem>>, vector<16xf32>,
      %get3A_1080 = arith.constant 608 : index
      %get3A_1081 = tpu.vector_load %arg18[%get3A_1080] {strides = array<i32>} : memref<640xf32, #tpu.memory_space<vmem>>, vector<16xf32>,
      %get3A_1082 = arith.constant 608 : index
      %get3A_1083 = tpu.vector_load %arg16[%get3A_1082] {strides = array<i32>} : memref<640xf32, #tpu.memory_space<vmem>>, vector<16xf32>,
      %add3A_1084 = arith.addf %get3A_1081, %get3A_1083 : vector<16xf32>
      %swap3A_1085 = arith.constant 608 : index
      %swap3A_1086 = tpu.vector_load %arg18[%swap3A_1085] {strides = array<i32>} : memref<640xf32, #tpu.memory_space<vmem>>, vector<16xf32>,
      tpu.vector_store %arg18[%swap3A_1085], %add3A_1084 {strides = array<i32>} : memref<640xf32, #tpu.memory_space<vmem>>, vector<16xf32>,
      %get3A_1087 = arith.constant 624 : index
      %get3A_1088 = tpu.vector_load %arg18[%get3A_1087] {strides = array<i32>} : memref<640xf32, #tpu.memory_space<vmem>>, vector<16xf32>,
      %get3A_1089 = arith.constant 624 : index
      %get3A_1090 = tpu.vector_load %arg16[%get3A_1089] {strides = array<i32>} : memref<640xf32, #tpu.memory_space<vmem>>, vector<16xf32>,
      %add3A_1091 = arith.addf %get3A_1088, %get3A_1090 : vector<16xf32>
      %swap3A_1092 = arith.constant 624 : index
      %swap3A_1093 = tpu.vector_load %arg18[%swap3A_1092] {strides = array<i32>} : memref<640xf32, #tpu.memory_space<vmem>>, vector<16xf32>,
      tpu.vector_store %arg18[%swap3A_1092], %add3A_1091 {strides = array<i32>} : memref<640xf32, #tpu.memory_space<vmem>>, vector<16xf32>,
    }
    %scan3A_207 = arith.constant 7 : i32
    %dma_wait3A_208 = arith.constant 0 : i32
    %dma_wait3A_209 = tpu.memref_slice %arg8[%dma_wait3A_208] : memref<327680xf32, #tpu.memory_space<hbm>> -> memref<640xf32, #tpu.memory_space<hbm>>
    %dma_wait3A_210 = arith.constant 0 : i32
    %dma_wait3A_211 = tpu.memref_slice %arg8[%dma_wait3A_210] : memref<327680xf32, #tpu.memory_space<hbm>> -> memref<640xf32, #tpu.memory_space<hbm>>
    tpu.wait_dma2 semaphore(%arg25 : memref<!tpu.dma_semaphore, #tpu.memory_space<semaphore_mem>>) src(%dma_wait3A_211 : memref<640xf32, #tpu.memory_space<hbm>>) dst(%arg17 : memref<640xf32, #tpu.memory_space<vmem>>)
    %get3A_212 = arith.constant 0 : index
    %get3A_213 = tpu.vector_load %arg18[%get3A_212] {strides = array<i32>} : memref<640xf32, #tpu.memory_space<vmem>>, vector<16xf32>,
    %get3A_214 = arith.constant 0 : index
    %get3A_215 = tpu.vector_load %arg17[%get3A_214] {strides = array<i32>} : memref<640xf32, #tpu.memory_space<vmem>>, vector<16xf32>,
    %add3A_216 = arith.addf %get3A_213, %get3A_215 : vector<16xf32>
    %swap3A = arith.constant 0 : index
    %swap3A_217 = tpu.vector_load %arg18[%swap3A] {strides = array<i32>} : memref<640xf32, #tpu.memory_space<vmem>>, vector<16xf32>,
    tpu.vector_store %arg18[%swap3A], %add3A_216 {strides = array<i32>} : memref<640xf32, #tpu.memory_space<vmem>>, vector<16xf32>,
    %get3A_218 = arith.constant 16 : index
    %get3A_219 = tpu.vector_load %arg18[%get3A_218] {strides = array<i32>} : memref<640xf32, #tpu.memory_space<vmem>>, vector<16xf32>,
    %get3A_220 = arith.constant 16 : index
    %get3A_221 = tpu.vector_load %arg17[%get3A_220] {strides = array<i32>} : memref<640xf32, #tpu.memory_space<vmem>>, vector<16xf32>,
    %add3A_222 = arith.addf %get3A_219, %get3A_221 : vector<16xf32>
    %swap3A_223 = arith.constant 16 : index
    %swap3A_224 = tpu.vector_load %arg18[%swap3A_223] {strides = array<i32>} : memref<640xf32, #tpu.memory_space<vmem>>, vector<16xf32>,
    tpu.vector_store %arg18[%swap3A_223], %add3A_222 {strides = array<i32>} : memref<640xf32, #tpu.memory_space<vmem>>, vector<16xf32>,
    %get3A_225 = arith.constant 32 : index
    %get3A_226 = tpu.vector_load %arg18[%get3A_225] {strides = array<i32>} : memref<640xf32, #tpu.memory_space<vmem>>, vector<16xf32>,
    %get3A_227 = arith.constant 32 : index
    %get3A_228 = tpu.vector_load %arg17[%get3A_227] {strides = array<i32>} : memref<640xf32, #tpu.memory_space<vmem>>, vector<16xf32>,
    %add3A_229 = arith.addf %get3A_226, %get3A_228 : vector<16xf32>
    %swap3A_230 = arith.constant 32 : index
    %swap3A_231 = tpu.vector_load %arg18[%swap3A_230] {strides = array<i32>} : memref<640xf32, #tpu.memory_space<vmem>>, vector<16xf32>,
    tpu.vector_store %arg18[%swap3A_230], %add3A_229 {strides = array<i32>} : memref<640xf32, #tpu.memory_space<vmem>>, vector<16xf32>,
    %get3A_232 = arith.constant 48 : index
    %get3A_233 = tpu.vector_load %arg18[%get3A_232] {strides = array<i32>} : memref<640xf32, #tpu.memory_space<vmem>>, vector<16xf32>,
    %get3A_234 = arith.constant 48 : index
    %get3A_235 = tpu.vector_load %arg17[%get3A_234] {strides = array<i32>} : memref<640xf32, #tpu.memory_space<vmem>>, vector<16xf32>,
    %add3A_236 = arith.addf %get3A_233, %get3A_235 : vector<16xf32>
    %swap3A_237 = arith.constant 48 : index
    %swap3A_238 = tpu.vector_load %arg18[%swap3A_237] {strides = array<i32>} : memref<640xf32, #tpu.memory_space<vmem>>, vector<16xf32>,
    tpu.vector_store %arg18[%swap3A_237], %add3A_236 {strides = array<i32>} : memref<640xf32, #tpu.memory_space<vmem>>, vector<16xf32>,
    %get3A_239 = arith.constant 64 : index
    %get3A_240 = tpu.vector_load %arg18[%get3A_239] {strides = array<i32>} : memref<640xf32, #tpu.memory_space<vmem>>, vector<16xf32>,
    %get3A_241 = arith.constant 64 : index
    %get3A_242 = tpu.vector_load %arg17[%get3A_241] {strides = array<i32>} : memref<640xf32, #tpu.memory_space<vmem>>, vector<16xf32>,
    %add3A_243 = arith.addf %get3A_240, %get3A_242 : vector<16xf32>
    %swap3A_244 = arith.constant 64 : index
    %swap3A_245 = tpu.vector_load %arg18[%swap3A_244] {strides = array<i32>} : memref<640xf32, #tpu.memory_space<vmem>>, vector<16xf32>,
    tpu.vector_store %arg18[%swap3A_244], %add3A_243 {strides = array<i32>} : memref<640xf32, #tpu.memory_space<vmem>>, vector<16xf32>,
    %get3A_246 = arith.constant 80 : index
    %get3A_247 = tpu.vector_load %arg18[%get3A_246] {strides = array<i32>} : memref<640xf32, #tpu.memory_space<vmem>>, vector<16xf32>,
    %get3A_248 = arith.constant 80 : index
    %get3A_249 = tpu.vector_load %arg17[%get3A_248] {strides = array<i32>} : memref<640xf32, #tpu.memory_space<vmem>>, vector<16xf32>,
    %add3A_250 = arith.addf %get3A_247, %get3A_249 : vector<16xf32>
    %swap3A_251 = arith.constant 80 : index
    %swap3A_252 = tpu.vector_load %arg18[%swap3A_251] {strides = array<i32>} : memref<640xf32, #tpu.memory_space<vmem>>, vector<16xf32>,
    tpu.vector_store %arg18[%swap3A_251], %add3A_250 {strides = array<i32>} : memref<640xf32, #tpu.memory_space<vmem>>, vector<16xf32>,
    %get3A_253 = arith.constant 96 : index
    %get3A_254 = tpu.vector_load %arg18[%get3A_253] {strides = array<i32>} : memref<640xf32, #tpu.memory_space<vmem>>, vector<16xf32>,
    %get3A_255 = arith.constant 96 : index
    %get3A_256 = tpu.vector_load %arg17[%get3A_255] {strides = array<i32>} : memref<640xf32, #tpu.memory_space<vmem>>, vector<16xf32>,
    %add3A_257 = arith.addf %get3A_254, %get3A_256 : vector<16xf32>
    %swap3A_258 = arith.constant 96 : index
    %swap3A_259 = tpu.vector_load %arg18[%swap3A_258] {strides = array<i32>} : memref<640xf32, #tpu.memory_space<vmem>>, vector<16xf32>,
    tpu.vector_store %arg18[%swap3A_258], %add3A_257 {strides = array<i32>} : memref<640xf32, #tpu.memory_space<vmem>>, vector<16xf32>,
    %get3A_260 = arith.constant 112 : index
    %get3A_261 = tpu.vector_load %arg18[%get3A_260] {strides = array<i32>} : memref<640xf32, #tpu.memory_space<vmem>>, vector<16xf32>,
    %get3A_262 = arith.constant 112 : index
    %get3A_263 = tpu.vector_load %arg17[%get3A_262] {strides = array<i32>} : memref<640xf32, #tpu.memory_space<vmem>>, vector<16xf32>,
    %add3A_264 = arith.addf %get3A_261, %get3A_263 : vector<16xf32>
    %swap3A_265 = arith.constant 112 : index
    %swap3A_266 = tpu.vector_load %arg18[%swap3A_265] {strides = array<i32>} : memref<640xf32, #tpu.memory_space<vmem>>, vector<16xf32>,
    tpu.vector_store %arg18[%swap3A_265], %add3A_264 {strides = array<i32>} : memref<640xf32, #tpu.memory_space<vmem>>, vector<16xf32>,
    %get3A_267 = arith.constant 128 : index
    %get3A_268 = tpu.vector_load %arg18[%get3A_267] {strides = array<i32>} : memref<640xf32, #tpu.memory_space<vmem>>, vector<16xf32>,
    %get3A_269 = arith.constant 128 : index
    %get3A_270 = tpu.vector_load %arg17[%get3A_269] {strides = array<i32>} : memref<640xf32, #tpu.memory_space<vmem>>, vector<16xf32>,
    %add3A_271 = arith.addf %get3A_268, %get3A_270 : vector<16xf32>
    %swap3A_272 = arith.constant 128 : index
    %swap3A_273 = tpu.vector_load %arg18[%swap3A_272] {strides = array<i32>} : memref<640xf32, #tpu.memory_space<vmem>>, vector<16xf32>,
    tpu.vector_store %arg18[%swap3A_272], %add3A_271 {strides = array<i32>} : memref<640xf32, #tpu.memory_space<vmem>>, vector<16xf32>,
    %get3A_274 = arith.constant 144 : index
    %get3A_275 = tpu.vector_load %arg18[%get3A_274] {strides = array<i32>} : memref<640xf32, #tpu.memory_space<vmem>>, vector<16xf32>,
    %get3A_276 = arith.constant 144 : index
    %get3A_277 = tpu.vector_load %arg17[%get3A_276] {strides = array<i32>} : memref<640xf32, #tpu.memory_space<vmem>>, vector<16xf32>,
    %add3A_278 = arith.addf %get3A_275, %get3A_277 : vector<16xf32>
    %swap3A_279 = arith.constant 144 : index
    %swap3A_280 = tpu.vector_load %arg18[%swap3A_279] {strides = array<i32>} : memref<640xf32, #tpu.memory_space<vmem>>, vector<16xf32>,
    tpu.vector_store %arg18[%swap3A_279], %add3A_278 {strides = array<i32>} : memref<640xf32, #tpu.memory_space<vmem>>, vector<16xf32>,
    %get3A_281 = arith.constant 160 : index
    %get3A_282 = tpu.vector_load %arg18[%get3A_281] {strides = array<i32>} : memref<640xf32, #tpu.memory_space<vmem>>, vector<16xf32>,
    %get3A_283 = arith.constant 160 : index
    %get3A_284 = tpu.vector_load %arg17[%get3A_283] {strides = array<i32>} : memref<640xf32, #tpu.memory_space<vmem>>, vector<16xf32>,
    %add3A_285 = arith.addf %get3A_282, %get3A_284 : vector<16xf32>
    %swap3A_286 = arith.constant 160 : index
    %swap3A_287 = tpu.vector_load %arg18[%swap3A_286] {strides = array<i32>} : memref<640xf32, #tpu.memory_space<vmem>>, vector<16xf32>,
    tpu.vector_store %arg18[%swap3A_286], %add3A_285 {strides = array<i32>} : memref<640xf32, #tpu.memory_space<vmem>>, vector<16xf32>,
    %get3A_288 = arith.constant 176 : index
    %get3A_289 = tpu.vector_load %arg18[%get3A_288] {strides = array<i32>} : memref<640xf32, #tpu.memory_space<vmem>>, vector<16xf32>,
    %get3A_290 = arith.constant 176 : index
    %get3A_291 = tpu.vector_load %arg17[%get3A_290] {strides = array<i32>} : memref<640xf32, #tpu.memory_space<vmem>>, vector<16xf32>,
    %add3A_292 = arith.addf %get3A_289, %get3A_291 : vector<16xf32>
    %swap3A_293 = arith.constant 176 : index
    %swap3A_294 = tpu.vector_load %arg18[%swap3A_293] {strides = array<i32>} : memref<640xf32, #tpu.memory_space<vmem>>, vector<16xf32>,
    tpu.vector_store %arg18[%swap3A_293], %add3A_292 {strides = array<i32>} : memref<640xf32, #tpu.memory_space<vmem>>, vector<16xf32>,
    %get3A_295 = arith.constant 192 : index
    %get3A_296 = tpu.vector_load %arg18[%get3A_295] {strides = array<i32>} : memref<640xf32, #tpu.memory_space<vmem>>, vector<16xf32>,
    %get3A_297 = arith.constant 192 : index
    %get3A_298 = tpu.vector_load %arg17[%get3A_297] {strides = array<i32>} : memref<640xf32, #tpu.memory_space<vmem>>, vector<16xf32>,
    %add3A_299 = arith.addf %get3A_296, %get3A_298 : vector<16xf32>
    %swap3A_300 = arith.constant 192 : index
    %swap3A_301 = tpu.vector_load %arg18[%swap3A_300] {strides = array<i32>} : memref<640xf32, #tpu.memory_space<vmem>>, vector<16xf32>,
    tpu.vector_store %arg18[%swap3A_300], %add3A_299 {strides = array<i32>} : memref<640xf32, #tpu.memory_space<vmem>>, vector<16xf32>,
    %get3A_302 = arith.constant 208 : index
    %get3A_303 = tpu.vector_load %arg18[%get3A_302] {strides = array<i32>} : memref<640xf32, #tpu.memory_space<vmem>>, vector<16xf32>,
    %get3A_304 = arith.constant 208 : index
    %get3A_305 = tpu.vector_load %arg17[%get3A_304] {strides = array<i32>} : memref<640xf32, #tpu.memory_space<vmem>>, vector<16xf32>,
    %add3A_306 = arith.addf %get3A_303, %get3A_305 : vector<16xf32>
    %swap3A_307 = arith.constant 208 : index
    %swap3A_308 = tpu.vector_load %arg18[%swap3A_307] {strides = array<i32>} : memref<640xf32, #tpu.memory_space<vmem>>, vector<16xf32>,
    tpu.vector_store %arg18[%swap3A_307], %add3A_306 {strides = array<i32>} : memref<640xf32, #tpu.memory_space<vmem>>, vector<16xf32>,
    %get3A_309 = arith.constant 224 : index
    %get3A_310 = tpu.vector_load %arg18[%get3A_309] {strides = array<i32>} : memref<640xf32, #tpu.memory_space<vmem>>, vector<16xf32>,
    %get3A_311 = arith.constant 224 : index
    %get3A_312 = tpu.vector_load %arg17[%get3A_311] {strides = array<i32>} : memref<640xf32, #tpu.memory_space<vmem>>, vector<16xf32>,
    %add3A_313 = arith.addf %get3A_310, %get3A_312 : vector<16xf32>
    %swap3A_314 = arith.constant 224 : index
    %swap3A_315 = tpu.vector_load %arg18[%swap3A_314] {strides = array<i32>} : memref<640xf32, #tpu.memory_space<vmem>>, vector<16xf32>,
    tpu.vector_store %arg18[%swap3A_314], %add3A_313 {strides = array<i32>} : memref<640xf32, #tpu.memory_space<vmem>>, vector<16xf32>,
    %get3A_316 = arith.constant 240 : index
    %get3A_317 = tpu.vector_load %arg18[%get3A_316] {strides = array<i32>} : memref<640xf32, #tpu.memory_space<vmem>>, vector<16xf32>,
    %get3A_318 = arith.constant 240 : index
    %get3A_319 = tpu.vector_load %arg17[%get3A_318] {strides = array<i32>} : memref<640xf32, #tpu.memory_space<vmem>>, vector<16xf32>,
    %add3A_320 = arith.addf %get3A_317, %get3A_319 : vector<16xf32>
    %swap3A_321 = arith.constant 240 : index
    %swap3A_322 = tpu.vector_load %arg18[%swap3A_321] {strides = array<i32>} : memref<640xf32, #tpu.memory_space<vmem>>, vector<16xf32>,
    tpu.vector_store %arg18[%swap3A_321], %add3A_320 {strides = array<i32>} : memref<640xf32, #tpu.memory_space<vmem>>, vector<16xf32>,
    %get3A_323 = arith.constant 256 : index
    %get3A_324 = tpu.vector_load %arg18[%get3A_323] {strides = array<i32>} : memref<640xf32, #tpu.memory_space<vmem>>, vector<16xf32>,
    %get3A_325 = arith.constant 256 : index
    %get3A_326 = tpu.vector_load %arg17[%get3A_325] {strides = array<i32>} : memref<640xf32, #tpu.memory_space<vmem>>, vector<16xf32>,
    %add3A_327 = arith.addf %get3A_324, %get3A_326 : vector<16xf32>
    %swap3A_328 = arith.constant 256 : index
    %swap3A_329 = tpu.vector_load %arg18[%swap3A_328] {strides = array<i32>} : memref<640xf32, #tpu.memory_space<vmem>>, vector<16xf32>,
    tpu.vector_store %arg18[%swap3A_328], %add3A_327 {strides = array<i32>} : memref<640xf32, #tpu.memory_space<vmem>>, vector<16xf32>,
    %get3A_330 = arith.constant 272 : index
    %get3A_331 = tpu.vector_load %arg18[%get3A_330] {strides = array<i32>} : memref<640xf32, #tpu.memory_space<vmem>>, vector<16xf32>,
    %get3A_332 = arith.constant 272 : index
    %get3A_333 = tpu.vector_load %arg17[%get3A_332] {strides = array<i32>} : memref<640xf32, #tpu.memory_space<vmem>>, vector<16xf32>,
    %add3A_334 = arith.addf %get3A_331, %get3A_333 : vector<16xf32>
    %swap3A_335 = arith.constant 272 : index
    %swap3A_336 = tpu.vector_load %arg18[%swap3A_335] {strides = array<i32>} : memref<640xf32, #tpu.memory_space<vmem>>, vector<16xf32>,
    tpu.vector_store %arg18[%swap3A_335], %add3A_334 {strides = array<i32>} : memref<640xf32, #tpu.memory_space<vmem>>, vector<16xf32>,
    %get3A_337 = arith.constant 288 : index
    %get3A_338 = tpu.vector_load %arg18[%get3A_337] {strides = array<i32>} : memref<640xf32, #tpu.memory_space<vmem>>, vector<16xf32>,
    %get3A_339 = arith.constant 288 : index
    %get3A_340 = tpu.vector_load %arg17[%get3A_339] {strides = array<i32>} : memref<640xf32, #tpu.memory_space<vmem>>, vector<16xf32>,
    %add3A_341 = arith.addf %get3A_338, %get3A_340 : vector<16xf32>
    %swap3A_342 = arith.constant 288 : index
    %swap3A_343 = tpu.vector_load %arg18[%swap3A_342] {strides = array<i32>} : memref<640xf32, #tpu.memory_space<vmem>>, vector<16xf32>,
    tpu.vector_store %arg18[%swap3A_342], %add3A_341 {strides = array<i32>} : memref<640xf32, #tpu.memory_space<vmem>>, vector<16xf32>,
    %get3A_344 = arith.constant 304 : index
    %get3A_345 = tpu.vector_load %arg18[%get3A_344] {strides = array<i32>} : memref<640xf32, #tpu.memory_space<vmem>>, vector<16xf32>,
    %get3A_346 = arith.constant 304 : index
    %get3A_347 = tpu.vector_load %arg17[%get3A_346] {strides = array<i32>} : memref<640xf32, #tpu.memory_space<vmem>>, vector<16xf32>,
    %add3A_348 = arith.addf %get3A_345, %get3A_347 : vector<16xf32>
    %swap3A_349 = arith.constant 304 : index
    %swap3A_350 = tpu.vector_load %arg18[%swap3A_349] {strides = array<i32>} : memref<640xf32, #tpu.memory_space<vmem>>, vector<16xf32>,
    tpu.vector_store %arg18[%swap3A_349], %add3A_348 {strides = array<i32>} : memref<640xf32, #tpu.memory_space<vmem>>, vector<16xf32>,
    %get3A_351 = arith.constant 320 : index
    %get3A_352 = tpu.vector_load %arg18[%get3A_351] {strides = array<i32>} : memref<640xf32, #tpu.memory_space<vmem>>, vector<16xf32>,
    %get3A_353 = arith.constant 320 : index
    %get3A_354 = tpu.vector_load %arg17[%get3A_353] {strides = array<i32>} : memref<640xf32, #tpu.memory_space<vmem>>, vector<16xf32>,
    %add3A_355 = arith.addf %get3A_352, %get3A_354 : vector<16xf32>
    %swap3A_356 = arith.constant 320 : index
    %swap3A_357 = tpu.vector_load %arg18[%swap3A_356] {strides = array<i32>} : memref<640xf32, #tpu.memory_space<vmem>>, vector<16xf32>,
    tpu.vector_store %arg18[%swap3A_356], %add3A_355 {strides = array<i32>} : memref<640xf32, #tpu.memory_space<vmem>>, vector<16xf32>,
    %get3A_358 = arith.constant 336 : index
    %get3A_359 = tpu.vector_load %arg18[%get3A_358] {strides = array<i32>} : memref<640xf32, #tpu.memory_space<vmem>>, vector<16xf32>,
    %get3A_360 = arith.constant 336 : index
    %get3A_361 = tpu.vector_load %arg17[%get3A_360] {strides = array<i32>} : memref<640xf32, #tpu.memory_space<vmem>>, vector<16xf32>,
    %add3A_362 = arith.addf %get3A_359, %get3A_361 : vector<16xf32>
    %swap3A_363 = arith.constant 336 : index
    %swap3A_364 = tpu.vector_load %arg18[%swap3A_363] {strides = array<i32>} : memref<640xf32, #tpu.memory_space<vmem>>, vector<16xf32>,
    tpu.vector_store %arg18[%swap3A_363], %add3A_362 {strides = array<i32>} : memref<640xf32, #tpu.memory_space<vmem>>, vector<16xf32>,
    %get3A_365 = arith.constant 352 : index
    %get3A_366 = tpu.vector_load %arg18[%get3A_365] {strides = array<i32>} : memref<640xf32, #tpu.memory_space<vmem>>, vector<16xf32>,
    %get3A_367 = arith.constant 352 : index
    %get3A_368 = tpu.vector_load %arg17[%get3A_367] {strides = array<i32>} : memref<640xf32, #tpu.memory_space<vmem>>, vector<16xf32>,
    %add3A_369 = arith.addf %get3A_366, %get3A_368 : vector<16xf32>
    %swap3A_370 = arith.constant 352 : index
    %swap3A_371 = tpu.vector_load %arg18[%swap3A_370] {strides = array<i32>} : memref<640xf32, #tpu.memory_space<vmem>>, vector<16xf32>,
    tpu.vector_store %arg18[%swap3A_370], %add3A_369 {strides = array<i32>} : memref<640xf32, #tpu.memory_space<vmem>>, vector<16xf32>,
    %get3A_372 = arith.constant 368 : index
    %get3A_373 = tpu.vector_load %arg18[%get3A_372] {strides = array<i32>} : memref<640xf32, #tpu.memory_space<vmem>>, vector<16xf32>,
    %get3A_374 = arith.constant 368 : index
    %get3A_375 = tpu.vector_load %arg17[%get3A_374] {strides = array<i32>} : memref<640xf32, #tpu.memory_space<vmem>>, vector<16xf32>,
    %add3A_376 = arith.addf %get3A_373, %get3A_375 : vector<16xf32>
    %swap3A_377 = arith.constant 368 : index
    %swap3A_378 = tpu.vector_load %arg18[%swap3A_377] {strides = array<i32>} : memref<640xf32, #tpu.memory_space<vmem>>, vector<16xf32>,
    tpu.vector_store %arg18[%swap3A_377], %add3A_376 {strides = array<i32>} : memref<640xf32, #tpu.memory_space<vmem>>, vector<16xf32>,
    %get3A_379 = arith.constant 384 : index
    %get3A_380 = tpu.vector_load %arg18[%get3A_379] {strides = array<i32>} : memref<640xf32, #tpu.memory_space<vmem>>, vector<16xf32>,
    %get3A_381 = arith.constant 384 : index
    %get3A_382 = tpu.vector_load %arg17[%get3A_381] {strides = array<i32>} : memref<640xf32, #tpu.memory_space<vmem>>, vector<16xf32>,
    %add3A_383 = arith.addf %get3A_380, %get3A_382 : vector<16xf32>
    %swap3A_384 = arith.constant 384 : index
    %swap3A_385 = tpu.vector_load %arg18[%swap3A_384] {strides = array<i32>} : memref<640xf32, #tpu.memory_space<vmem>>, vector<16xf32>,
    tpu.vector_store %arg18[%swap3A_384], %add3A_383 {strides = array<i32>} : memref<640xf32, #tpu.memory_space<vmem>>, vector<16xf32>,
    %get3A_386 = arith.constant 400 : index
    %get3A_387 = tpu.vector_load %arg18[%get3A_386] {strides = array<i32>} : memref<640xf32, #tpu.memory_space<vmem>>, vector<16xf32>,
    %get3A_388 = arith.constant 400 : index
    %get3A_389 = tpu.vector_load %arg17[%get3A_388] {strides = array<i32>} : memref<640xf32, #tpu.memory_space<vmem>>, vector<16xf32>,
    %add3A_390 = arith.addf %get3A_387, %get3A_389 : vector<16xf32>
    %swap3A_391 = arith.constant 400 : index
    %swap3A_392 = tpu.vector_load %arg18[%swap3A_391] {strides = array<i32>} : memref<640xf32, #tpu.memory_space<vmem>>, vector<16xf32>,
    tpu.vector_store %arg18[%swap3A_391], %add3A_390 {strides = array<i32>} : memref<640xf32, #tpu.memory_space<vmem>>, vector<16xf32>,
    %get3A_393 = arith.constant 416 : index
    %get3A_394 = tpu.vector_load %arg18[%get3A_393] {strides = array<i32>} : memref<640xf32, #tpu.memory_space<vmem>>, vector<16xf32>,
    %get3A_395 = arith.constant 416 : index
    %get3A_396 = tpu.vector_load %arg17[%get3A_395] {strides = array<i32>} : memref<640xf32, #tpu.memory_space<vmem>>, vector<16xf32>,
    %add3A_397 = arith.addf %get3A_394, %get3A_396 : vector<16xf32>
    %swap3A_398 = arith.constant 416 : index
    %swap3A_399 = tpu.vector_load %arg18[%swap3A_398] {strides = array<i32>} : memref<640xf32, #tpu.memory_space<vmem>>, vector<16xf32>,
    tpu.vector_store %arg18[%swap3A_398], %add3A_397 {strides = array<i32>} : memref<640xf32, #tpu.memory_space<vmem>>, vector<16xf32>,
    %get3A_400 = arith.constant 432 : index
    %get3A_401 = tpu.vector_load %arg18[%get3A_400] {strides = array<i32>} : memref<640xf32, #tpu.memory_space<vmem>>, vector<16xf32>,
    %get3A_402 = arith.constant 432 : index
    %get3A_403 = tpu.vector_load %arg17[%get3A_402] {strides = array<i32>} : memref<640xf32, #tpu.memory_space<vmem>>, vector<16xf32>,
    %add3A_404 = arith.addf %get3A_401, %get3A_403 : vector<16xf32>
    %swap3A_405 = arith.constant 432 : index
    %swap3A_406 = tpu.vector_load %arg18[%swap3A_405] {strides = array<i32>} : memref<640xf32, #tpu.memory_space<vmem>>, vector<16xf32>,
    tpu.vector_store %arg18[%swap3A_405], %add3A_404 {strides = array<i32>} : memref<640xf32, #tpu.memory_space<vmem>>, vector<16xf32>,
    %get3A_407 = arith.constant 448 : index
    %get3A_408 = tpu.vector_load %arg18[%get3A_407] {strides = array<i32>} : memref<640xf32, #tpu.memory_space<vmem>>, vector<16xf32>,
    %get3A_409 = arith.constant 448 : index
    %get3A_410 = tpu.vector_load %arg17[%get3A_409] {strides = array<i32>} : memref<640xf32, #tpu.memory_space<vmem>>, vector<16xf32>,
    %add3A_411 = arith.addf %get3A_408, %get3A_410 : vector<16xf32>
    %swap3A_412 = arith.constant 448 : index
    %swap3A_413 = tpu.vector_load %arg18[%swap3A_412] {strides = array<i32>} : memref<640xf32, #tpu.memory_space<vmem>>, vector<16xf32>,
    tpu.vector_store %arg18[%swap3A_412], %add3A_411 {strides = array<i32>} : memref<640xf32, #tpu.memory_space<vmem>>, vector<16xf32>,
    %get3A_414 = arith.constant 464 : index
    %get3A_415 = tpu.vector_load %arg18[%get3A_414] {strides = array<i32>} : memref<640xf32, #tpu.memory_space<vmem>>, vector<16xf32>,
    %get3A_416 = arith.constant 464 : index
    %get3A_417 = tpu.vector_load %arg17[%get3A_416] {strides = array<i32>} : memref<640xf32, #tpu.memory_space<vmem>>, vector<16xf32>,
    %add3A_418 = arith.addf %get3A_415, %get3A_417 : vector<16xf32>
    %swap3A_419 = arith.constant 464 : index
    %swap3A_420 = tpu.vector_load %arg18[%swap3A_419] {strides = array<i32>} : memref<640xf32, #tpu.memory_space<vmem>>, vector<16xf32>,
    tpu.vector_store %arg18[%swap3A_419], %add3A_418 {strides = array<i32>} : memref<640xf32, #tpu.memory_space<vmem>>, vector<16xf32>,
    %get3A_421 = arith.constant 480 : index
    %get3A_422 = tpu.vector_load %arg18[%get3A_421] {strides = array<i32>} : memref<640xf32, #tpu.memory_space<vmem>>, vector<16xf32>,
    %get3A_423 = arith.constant 480 : index
    %get3A_424 = tpu.vector_load %arg17[%get3A_423] {strides = array<i32>} : memref<640xf32, #tpu.memory_space<vmem>>, vector<16xf32>,
    %add3A_425 = arith.addf %get3A_422, %get3A_424 : vector<16xf32>
    %swap3A_426 = arith.constant 480 : index
    %swap3A_427 = tpu.vector_load %arg18[%swap3A_426] {strides = array<i32>} : memref<640xf32, #tpu.memory_space<vmem>>, vector<16xf32>,
    tpu.vector_store %arg18[%swap3A_426], %add3A_425 {strides = array<i32>} : memref<640xf32, #tpu.memory_space<vmem>>, vector<16xf32>,
    %get3A_428 = arith.constant 496 : index
    %get3A_429 = tpu.vector_load %arg18[%get3A_428] {strides = array<i32>} : memref<640xf32, #tpu.memory_space<vmem>>, vector<16xf32>,
    %get3A_430 = arith.constant 496 : index
    %get3A_431 = tpu.vector_load %arg17[%get3A_430] {strides = array<i32>} : memref<640xf32, #tpu.memory_space<vmem>>, vector<16xf32>,
    %add3A_432 = arith.addf %get3A_429, %get3A_431 : vector<16xf32>
    %swap3A_433 = arith.constant 496 : index
    %swap3A_434 = tpu.vector_load %arg18[%swap3A_433] {strides = array<i32>} : memref<640xf32, #tpu.memory_space<vmem>>, vector<16xf32>,
    tpu.vector_store %arg18[%swap3A_433], %add3A_432 {strides = array<i32>} : memref<640xf32, #tpu.memory_space<vmem>>, vector<16xf32>,
    %get3A_435 = arith.constant 512 : index
    %get3A_436 = tpu.vector_load %arg18[%get3A_435] {strides = array<i32>} : memref<640xf32, #tpu.memory_space<vmem>>, vector<16xf32>,
    %get3A_437 = arith.constant 512 : index
    %get3A_438 = tpu.vector_load %arg17[%get3A_437] {strides = array<i32>} : memref<640xf32, #tpu.memory_space<vmem>>, vector<16xf32>,
    %add3A_439 = arith.addf %get3A_436, %get3A_438 : vector<16xf32>
    %swap3A_440 = arith.constant 512 : index
    %swap3A_441 = tpu.vector_load %arg18[%swap3A_440] {strides = array<i32>} : memref<640xf32, #tpu.memory_space<vmem>>, vector<16xf32>,
    tpu.vector_store %arg18[%swap3A_440], %add3A_439 {strides = array<i32>} : memref<640xf32, #tpu.memory_space<vmem>>, vector<16xf32>,
    %get3A_442 = arith.constant 528 : index
    %get3A_443 = tpu.vector_load %arg18[%get3A_442] {strides = array<i32>} : memref<640xf32, #tpu.memory_space<vmem>>, vector<16xf32>,
    %get3A_444 = arith.constant 528 : index
    %get3A_445 = tpu.vector_load %arg17[%get3A_444] {strides = array<i32>} : memref<640xf32, #tpu.memory_space<vmem>>, vector<16xf32>,
    %add3A_446 = arith.addf %get3A_443, %get3A_445 : vector<16xf32>
    %swap3A_447 = arith.constant 528 : index
    %swap3A_448 = tpu.vector_load %arg18[%swap3A_447] {strides = array<i32>} : memref<640xf32, #tpu.memory_space<vmem>>, vector<16xf32>,
    tpu.vector_store %arg18[%swap3A_447], %add3A_446 {strides = array<i32>} : memref<640xf32, #tpu.memory_space<vmem>>, vector<16xf32>,
    %get3A_449 = arith.constant 544 : index
    %get3A_450 = tpu.vector_load %arg18[%get3A_449] {strides = array<i32>} : memref<640xf32, #tpu.memory_space<vmem>>, vector<16xf32>,
    %get3A_451 = arith.constant 544 : index
    %get3A_452 = tpu.vector_load %arg17[%get3A_451] {strides = array<i32>} : memref<640xf32, #tpu.memory_space<vmem>>, vector<16xf32>,
    %add3A_453 = arith.addf %get3A_450, %get3A_452 : vector<16xf32>
    %swap3A_454 = arith.constant 544 : index
    %swap3A_455 = tpu.vector_load %arg18[%swap3A_454] {strides = array<i32>} : memref<640xf32, #tpu.memory_space<vmem>>, vector<16xf32>,
    tpu.vector_store %arg18[%swap3A_454], %add3A_453 {strides = array<i32>} : memref<640xf32, #tpu.memory_space<vmem>>, vector<16xf32>,
    %get3A_456 = arith.constant 560 : index
    %get3A_457 = tpu.vector_load %arg18[%get3A_456] {strides = array<i32>} : memref<640xf32, #tpu.memory_space<vmem>>, vector<16xf32>,
    %get3A_458 = arith.constant 560 : index
    %get3A_459 = tpu.vector_load %arg17[%get3A_458] {strides = array<i32>} : memref<640xf32, #tpu.memory_space<vmem>>, vector<16xf32>,
    %add3A_460 = arith.addf %get3A_457, %get3A_459 : vector<16xf32>
    %swap3A_461 = arith.constant 560 : index
    %swap3A_462 = tpu.vector_load %arg18[%swap3A_461] {strides = array<i32>} : memref<640xf32, #tpu.memory_space<vmem>>, vector<16xf32>,
    tpu.vector_store %arg18[%swap3A_461], %add3A_460 {strides = array<i32>} : memref<640xf32, #tpu.memory_space<vmem>>, vector<16xf32>,
    %get3A_463 = arith.constant 576 : index
    %get3A_464 = tpu.vector_load %arg18[%get3A_463] {strides = array<i32>} : memref<640xf32, #tpu.memory_space<vmem>>, vector<16xf32>,
    %get3A_465 = arith.constant 576 : index
    %get3A_466 = tpu.vector_load %arg17[%get3A_465] {strides = array<i32>} : memref<640xf32, #tpu.memory_space<vmem>>, vector<16xf32>,
    %add3A_467 = arith.addf %get3A_464, %get3A_466 : vector<16xf32>
    %swap3A_468 = arith.constant 576 : index
    %swap3A_469 = tpu.vector_load %arg18[%swap3A_468] {strides = array<i32>} : memref<640xf32, #tpu.memory_space<vmem>>, vector<16xf32>,
    tpu.vector_store %arg18[%swap3A_468], %add3A_467 {strides = array<i32>} : memref<640xf32, #tpu.memory_space<vmem>>, vector<16xf32>,
    %get3A_470 = arith.constant 592 : index
    %get3A_471 = tpu.vector_load %arg18[%get3A_470] {strides = array<i32>} : memref<640xf32, #tpu.memory_space<vmem>>, vector<16xf32>,
    %get3A_472 = arith.constant 592 : index
    %get3A_473 = tpu.vector_load %arg17[%get3A_472] {strides = array<i32>} : memref<640xf32, #tpu.memory_space<vmem>>, vector<16xf32>,
    %add3A_474 = arith.addf %get3A_471, %get3A_473 : vector<16xf32>
    %swap3A_475 = arith.constant 592 : index
    %swap3A_476 = tpu.vector_load %arg18[%swap3A_475] {strides = array<i32>} : memref<640xf32, #tpu.memory_space<vmem>>, vector<16xf32>,
    tpu.vector_store %arg18[%swap3A_475], %add3A_474 {strides = array<i32>} : memref<640xf32, #tpu.memory_space<vmem>>, vector<16xf32>,
    %get3A_477 = arith.constant 608 : index
    %get3A_478 = tpu.vector_load %arg18[%get3A_477] {strides = array<i32>} : memref<640xf32, #tpu.memory_space<vmem>>, vector<16xf32>,
    %get3A_479 = arith.constant 608 : index
    %get3A_480 = tpu.vector_load %arg17[%get3A_479] {strides = array<i32>} : memref<640xf32, #tpu.memory_space<vmem>>, vector<16xf32>,
    %add3A_481 = arith.addf %get3A_478, %get3A_480 : vector<16xf32>
    %swap3A_482 = arith.constant 608 : index
    %swap3A_483 = tpu.vector_load %arg18[%swap3A_482] {strides = array<i32>} : memref<640xf32, #tpu.memory_space<vmem>>, vector<16xf32>,
    tpu.vector_store %arg18[%swap3A_482], %add3A_481 {strides = array<i32>} : memref<640xf32, #tpu.memory_space<vmem>>, vector<16xf32>,
    %get3A_484 = arith.constant 624 : index
    %get3A_485 = tpu.vector_load %arg18[%get3A_484] {strides = array<i32>} : memref<640xf32, #tpu.memory_space<vmem>>, vector<16xf32>,
    %get3A_486 = arith.constant 624 : index
    %get3A_487 = tpu.vector_load %arg17[%get3A_486] {strides = array<i32>} : memref<640xf32, #tpu.memory_space<vmem>>, vector<16xf32>,
    %add3A_488 = arith.addf %get3A_485, %get3A_487 : vector<16xf32>
    %swap3A_489 = arith.constant 624 : index
    %swap3A_490 = tpu.vector_load %arg18[%swap3A_489] {strides = array<i32>} : memref<640xf32, #tpu.memory_space<vmem>>, vector<16xf32>,
    tpu.vector_store %arg18[%swap3A_489], %add3A_488 {strides = array<i32>} : memref<640xf32, #tpu.memory_space<vmem>>, vector<16xf32>,
    %mul3A_491 = arith.constant 640 : i32
    %mul3A_492 = arith.muli %arg1, %mul3A_491 : i32
    "tpu.region"() ({
      %run_scoped3A = tpu.sem_alloc : memref<!tpu.dma_semaphore, #tpu.memory_space<semaphore_mem>>
      %dma_start3A_497 = tpu.memref_slice %arg7[%arg0, %mul3A_492] : memref<2x10240xf32, #tpu.memory_space<hbm>> -> memref<1x640xf32, #tpu.memory_space<hbm>>
      %dma_start3A_498 = tpu.memref_squeeze %dma_start3A_497 : memref<1x640xf32, #tpu.memory_space<hbm>> -> memref<640xf32, #tpu.memory_space<hbm>>
      %dma_start3A_499 = tpu.memref_slice %arg7[%arg0, %mul3A_492] : memref<2x10240xf32, #tpu.memory_space<hbm>> -> memref<1x640xf32, #tpu.memory_space<hbm>>
      %dma_start3A_500 = tpu.memref_squeeze %dma_start3A_499 : memref<1x640xf32, #tpu.memory_space<hbm>> -> memref<640xf32, #tpu.memory_space<hbm>>
      tpu.enqueue_dma source(%arg18 : memref<640xf32, #tpu.memory_space<vmem>>) target(%dma_start3A_500 : memref<640xf32, #tpu.memory_space<hbm>>) target_semaphore(%run_scoped3A : memref<!tpu.dma_semaphore, #tpu.memory_space<semaphore_mem>>)
      %dma_wait3A_501 = tpu.memref_slice %arg7[%arg0, %mul3A_492] : memref<2x10240xf32, #tpu.memory_space<hbm>> -> memref<1x640xf32, #tpu.memory_space<hbm>>
      %dma_wait3A_502 = tpu.memref_squeeze %dma_wait3A_501 : memref<1x640xf32, #tpu.memory_space<hbm>> -> memref<640xf32, #tpu.memory_space<hbm>>
      %dma_wait3A_503 = tpu.memref_slice %arg7[%arg0, %mul3A_492] : memref<2x10240xf32, #tpu.memory_space<hbm>> -> memref<1x640xf32, #tpu.memory_space<hbm>>
      %dma_wait3A_504 = tpu.memref_squeeze %dma_wait3A_503 : memref<1x640xf32, #tpu.memory_space<hbm>> -> memref<640xf32, #tpu.memory_space<hbm>>
      tpu.wait_dma2 semaphore(%run_scoped3A : memref<!tpu.dma_semaphore, #tpu.memory_space<semaphore_mem>>) src(%arg18 : memref<640xf32, #tpu.memory_space<vmem>>) dst(%dma_wait3A_504 : memref<640xf32, #tpu.memory_space<hbm>>)
      tpu.yield
    }) : () -> ()
    %mul3A_493 = arith.constant 640 : i32
    %mul3A_494 = arith.muli %arg1, %mul3A_493 : i32
    %mul3A_495 = arith.constant 640 : i32
    %mul3A_496 = arith.muli %arg1, %mul3A_495 : i32
    "tpu.region"() ({
      %run_scoped3A = tpu.sem_alloc : memref<!tpu.dma_semaphore, #tpu.memory_space<semaphore_mem>>
      %dma_start3A_497 = arith.constant 0 : i32
      %dma_start3A_498 = tpu.memref_slice %arg6[%arg0, %mul3A_496, %dma_start3A_497] : memref<2x10240x128xf32, #tpu.memory_space<hbm>> -> memref<1x640x128xf32, #tpu.memory_space<hbm>>
      %dma_start3A_499 = tpu.memref_squeeze %dma_start3A_498 : memref<1x640x128xf32, #tpu.memory_space<hbm>> -> memref<640x128xf32, #tpu.memory_space<hbm>>
      %dma_start3A_500 = arith.constant 0 : i32
      %dma_start3A_501 = tpu.memref_slice %arg19[%mul3A_494, %dma_start3A_500] : memref<10240x128xf32, #tpu.memory_space<vmem_shared>> -> memref<640x128xf32, #tpu.memory_space<vmem_shared>>
      tpu.enqueue_dma source(%dma_start3A_501 : memref<640x128xf32, #tpu.memory_space<vmem_shared>>) target(%dma_start3A_499 : memref<640x128xf32, #tpu.memory_space<hbm>>) target_semaphore(%run_scoped3A : memref<!tpu.dma_semaphore, #tpu.memory_space<semaphore_mem>>)
      %dma_wait3A_502 = arith.constant 0 : i32
      %dma_wait3A_503 = tpu.memref_slice %arg6[%arg0, %mul3A_496, %dma_wait3A_502] : memref<2x10240x128xf32, #tpu.memory_space<hbm>> -> memref<1x640x128xf32, #tpu.memory_space<hbm>>
      %dma_wait3A_504 = tpu.memref_squeeze %dma_wait3A_503 : memref<1x640x128xf32, #tpu.memory_space<hbm>> -> memref<640x128xf32, #tpu.memory_space<hbm>>
      %dma_wait3A_505 = arith.constant 0 : i32
      %dma_wait3A_506 = tpu.memref_slice %arg19[%mul3A_494, %dma_wait3A_505] : memref<10240x128xf32, #tpu.memory_space<vmem_shared>> -> memref<640x128xf32, #tpu.memory_space<vmem_shared>>
      tpu.wait_dma2 semaphore(%run_scoped3A : memref<!tpu.dma_semaphore, #tpu.memory_space<semaphore_mem>>) src(%dma_wait3A_506 : memref<640x128xf32, #tpu.memory_space<vmem_shared>>) dst(%dma_wait3A_504 : memref<640x128xf32, #tpu.memory_space<hbm>>)
      tpu.yield
    }) : () -> ()
    return
  }
}

module attributes {stable_mosaic.version = 14 : i64} {
  func.func @_s1_body(%arg0: i32, %arg1: memref<1000x128xf32, #tpu.memory_space<vmem>>, %arg2: memref<128x128xf32, #tpu.memory_space<vmem>>, %arg3: memref<1x128xf32, #tpu.memory_space<vmem>>, %arg4: memref<128x128xf32, #tpu.memory_space<vmem>>, %arg5: memref<1x128xf32, #tpu.memory_space<vmem>>, %arg6: memref<1000x128xf32, #tpu.memory_space<vmem>>, %arg7: memref<1024x128xf32, #tpu.memory_space<vmem>>) attributes {dimension_semantics = [#tpu.dimension_semantics<arbitrary>], iteration_bounds = array<i64: 10>, scalar_prefetch = 0 : i64, scratch_operands = 0 : i64, tpu.core_type = #tpu.core_type<tc>, window_params = [{transform_indices = @transform_0, window_bounds = array<i64: 1000, 128>}, {pipeline_mode = #tpu.pipeline_mode<synchronous>, transform_indices = @transform_1, window_bounds = array<i64: 128, 128>}, {pipeline_mode = #tpu.pipeline_mode<synchronous>, transform_indices = @transform_2, window_bounds = array<i64: 1, 128>}, {pipeline_mode = #tpu.pipeline_mode<synchronous>, transform_indices = @transform_3, window_bounds = array<i64: 128, 128>}, {pipeline_mode = #tpu.pipeline_mode<synchronous>, transform_indices = @transform_4, window_bounds = array<i64: 1, 128>}, {transform_indices = @transform_5, window_bounds = array<i64: 1000, 128>}, {transform_indices = @transform_6, window_bounds = array<i64: 1024, 128>}]} {
    %get3A = arith.constant 0 : index
    %get3A_0 = arith.constant 0 : index
    %get3A_1 = vector.load %arg1[%get3A, %get3A_0] : memref<1000x128xf32, #tpu.memory_space<vmem>>, vector<1000x128xf32>
    %get3A_2 = arith.constant 0 : index
    %get3A_3 = arith.constant 0 : index
    %get3A_4 = vector.load %arg2[%get3A_2, %get3A_3] : memref<128x128xf32, #tpu.memory_space<vmem>>, vector<128x128xf32>
    %dot_general3A = arith.constant dense<0.000000e+00> : vector<1000x128xf32>
    %dot_general3A_5 = tpu.matmul %get3A_1, %get3A_4, %dot_general3A {dimension_numbers = #tpu.dot_dimension_numbers<[1], [0], [0], [1], [0, 0, 1, 1], [], []>, transpose_lhs_hint = false} : vector<1000x128xf32>, vector<128x128xf32>, vector<1000x128xf32> -> vector<1000x128xf32>
    %get3A_6 = arith.constant 0 : index
    %get3A_7 = arith.constant 0 : index
    %get3A_8 = vector.load %arg3[%get3A_6, %get3A_7] : memref<1x128xf32, #tpu.memory_space<vmem>>, vector<1x128xf32>
    %add3A = vector.broadcast %get3A_8 : vector<1x128xf32> to vector<1000x128xf32>
    %add3A_9 = arith.addf %dot_general3A_5, %add3A : vector<1000x128xf32>
    %max3A = arith.constant 0.000000e+00 : f32
    %max3A_10 = vector.broadcast %max3A : f32 to vector<1000x128xf32>
    %max3A_11 = arith.maximumf %add3A_9, %max3A_10 : vector<1000x128xf32>
    %get3A_12 = arith.constant 0 : index
    %get3A_13 = arith.constant 0 : index
    %get3A_14 = vector.load %arg4[%get3A_12, %get3A_13] : memref<128x128xf32, #tpu.memory_space<vmem>>, vector<128x128xf32>
    %dot_general3A_15 = arith.constant dense<0.000000e+00> : vector<1000x128xf32>
    %dot_general3A_16 = tpu.matmul %max3A_11, %get3A_14, %dot_general3A_15 {dimension_numbers = #tpu.dot_dimension_numbers<[1], [0], [0], [1], [0, 0, 1, 1], [], []>, transpose_lhs_hint = false} : vector<1000x128xf32>, vector<128x128xf32>, vector<1000x128xf32> -> vector<1000x128xf32>
    %get3A_17 = arith.constant 0 : index
    %get3A_18 = arith.constant 0 : index
    %get3A_19 = vector.load %arg5[%get3A_17, %get3A_18] : memref<1x128xf32, #tpu.memory_space<vmem>>, vector<1x128xf32>
    %add3A_20 = vector.broadcast %get3A_19 : vector<1x128xf32> to vector<1000x128xf32>
    %add3A_21 = arith.addf %dot_general3A_16, %add3A_20 : vector<1000x128xf32>
    %swap3A = arith.constant 0 : index
    %swap3A_22 = arith.constant 0 : index
    %swap3A_23 = vector.load %arg6[%swap3A, %swap3A_22] : memref<1000x128xf32, #tpu.memory_space<vmem>>, vector<1000x128xf32>
    tpu.vector_store %arg6[%swap3A, %swap3A_22], %add3A_21 {strides = array<i32>} : memref<1000x128xf32, #tpu.memory_space<vmem>>, vector<1000x128xf32>,
    %broadcast_in_dim3A = arith.constant 0.000000e+00 : f32
    %broadcast_in_dim3A_24 = vector.broadcast %broadcast_in_dim3A : f32 to vector<1024x128xf32>
    %swap3A_25 = arith.constant 0 : index
    %swap3A_26 = arith.constant 0 : index
    %swap3A_27 = vector.load %arg7[%swap3A_25, %swap3A_26] : memref<1024x128xf32, #tpu.memory_space<vmem>>, vector<1024x128xf32>
    tpu.vector_store %arg7[%swap3A_25, %swap3A_26], %broadcast_in_dim3A_24 {strides = array<i32>} : memref<1024x128xf32, #tpu.memory_space<vmem>>, vector<1024x128xf32>,
    return
  }
  func.func @transform_0(%arg0: i32) -> (i32, i32) {
    %c0_i32 = arith.constant 0 : i32
    %c0_i32_0 = arith.constant 0 : i32
    return %arg0, %c0_i32 : i32, i32
  }
  func.func @transform_1(%arg0: i32) -> (i32, i32) {
    %c0_i32 = arith.constant 0 : i32
    %c0_i32_0 = arith.constant 0 : i32
    %c0_i32_1 = arith.constant 0 : i32
    return %c0_i32, %c0_i32_0 : i32, i32
  }
  func.func @transform_2(%arg0: i32) -> (i32, i32) {
    %c0_i32 = arith.constant 0 : i32
    %c0_i32_0 = arith.constant 0 : i32
    %c0_i32_1 = arith.constant 0 : i32
    return %c0_i32, %c0_i32_0 : i32, i32
  }
  func.func @transform_3(%arg0: i32) -> (i32, i32) {
    %c0_i32 = arith.constant 0 : i32
    %c0_i32_0 = arith.constant 0 : i32
    %c0_i32_1 = arith.constant 0 : i32
    return %c0_i32, %c0_i32_0 : i32, i32
  }
  func.func @transform_4(%arg0: i32) -> (i32, i32) {
    %c0_i32 = arith.constant 0 : i32
    %c0_i32_0 = arith.constant 0 : i32
    %c0_i32_1 = arith.constant 0 : i32
    return %c0_i32, %c0_i32_0 : i32, i32
  }
  func.func @transform_5(%arg0: i32) -> (i32, i32) {
    %c0_i32 = arith.constant 0 : i32
    %c0_i32_0 = arith.constant 0 : i32
    return %arg0, %c0_i32 : i32, i32
  }
  func.func @transform_6(%arg0: i32) -> (i32, i32) {
    %c0_i32 = arith.constant 0 : i32
    %c0_i32_0 = arith.constant 0 : i32
    return %arg0, %c0_i32 : i32, i32
  }
}

module attributes {stable_mosaic.version = 14 : i64} {
  func.func @_s3_body(%arg0: i32, %arg1: memref<1000x128xf32, #tpu.memory_space<vmem>>, %arg2: memref<1x1000x128xf32, #tpu.memory_space<vmem>>, %arg3: memref<1x1000x128xf32, #tpu.memory_space<vmem>>, %arg4: memref<1000x128xf32, #tpu.memory_space<vmem>>, %arg5: memref<128x128xf32, #tpu.memory_space<vmem>>, %arg6: memref<1x128xf32, #tpu.memory_space<vmem>>, %arg7: memref<128x128xf32, #tpu.memory_space<vmem>>, %arg8: memref<128x128xf32, #tpu.memory_space<vmem>>, %arg9: memref<1x128xf32, #tpu.memory_space<vmem>>, %arg10: memref<128x128xf32, #tpu.memory_space<vmem>>, %arg11: memref<1x128xf32, #tpu.memory_space<vmem>>, %arg12: memref<1000x128xf32, #tpu.memory_space<vmem>>) attributes {dimension_semantics = [#tpu.dimension_semantics<arbitrary>], iteration_bounds = array<i64: 10>, scalar_prefetch = 0 : i64, scratch_operands = 0 : i64, tpu.core_type = #tpu.core_type<tc>, window_params = [{transform_indices = @transform_0, window_bounds = array<i64: 1000, 128>}, {transform_indices = @transform_1, window_bounds = array<i64: 1, 1000, 128>}, {transform_indices = @transform_2, window_bounds = array<i64: 1, 1000, 128>}, {transform_indices = @transform_3, window_bounds = array<i64: 1000, 128>}, {pipeline_mode = #tpu.pipeline_mode<synchronous>, transform_indices = @transform_4, window_bounds = array<i64: 128, 128>}, {pipeline_mode = #tpu.pipeline_mode<synchronous>, transform_indices = @transform_5, window_bounds = array<i64: 1, 128>}, {pipeline_mode = #tpu.pipeline_mode<synchronous>, transform_indices = @transform_6, window_bounds = array<i64: 128, 128>}, {pipeline_mode = #tpu.pipeline_mode<synchronous>, transform_indices = @transform_7, window_bounds = array<i64: 128, 128>}, {pipeline_mode = #tpu.pipeline_mode<synchronous>, transform_indices = @transform_8, window_bounds = array<i64: 1, 128>}, {pipeline_mode = #tpu.pipeline_mode<synchronous>, transform_indices = @transform_9, window_bounds = array<i64: 128, 128>}, {pipeline_mode = #tpu.pipeline_mode<synchronous>, transform_indices = @transform_10, window_bounds = array<i64: 1, 128>}, {transform_indices = @transform_11, window_bounds = array<i64: 1000, 128>}]} {
    %get3A = arith.constant 0 : index
    %get3A_0 = arith.constant 0 : index
    %get3A_1 = arith.constant 0 : index
    %get3A_2 = vector.load %arg2[%get3A, %get3A_0, %get3A_1] : memref<1x1000x128xf32, #tpu.memory_space<vmem>>, vector<1x1000x128xf32>
    %get3A_3 = vector.shape_cast %get3A_2 : vector<1x1000x128xf32> to vector<1000x128xf32>
    %get3A_4 = arith.constant 0 : index
    %get3A_5 = arith.constant 0 : index
    %get3A_6 = arith.constant 0 : index
    %get3A_7 = vector.load %arg3[%get3A_4, %get3A_5, %get3A_6] : memref<1x1000x128xf32, #tpu.memory_space<vmem>>, vector<1x1000x128xf32>
    %get3A_8 = vector.shape_cast %get3A_7 : vector<1x1000x128xf32> to vector<1000x128xf32>
    %add3A = arith.addf %get3A_3, %get3A_8 : vector<1000x128xf32>
    %get3A_9 = arith.constant 0 : index
    %get3A_10 = arith.constant 0 : index
    %get3A_11 = vector.load %arg4[%get3A_9, %get3A_10] : memref<1000x128xf32, #tpu.memory_space<vmem>>, vector<1000x128xf32>
    %max3A = arith.constant 1.000000e+00 : f32
    %max3A_12 = vector.broadcast %max3A : f32 to vector<1000x128xf32>
    %max3A_13 = arith.maximumf %get3A_11, %max3A_12 : vector<1000x128xf32>
    %div3A = arith.divf %add3A, %max3A_13 : vector<1000x128xf32>
    %get3A_14 = arith.constant 0 : index
    %get3A_15 = arith.constant 0 : index
    %get3A_16 = vector.load %arg1[%get3A_14, %get3A_15] : memref<1000x128xf32, #tpu.memory_space<vmem>>, vector<1000x128xf32>
    %get3A_17 = arith.constant 0 : index
    %get3A_18 = arith.constant 0 : index
    %get3A_19 = vector.load %arg5[%get3A_17, %get3A_18] : memref<128x128xf32, #tpu.memory_space<vmem>>, vector<128x128xf32>
    %dot_general3A = arith.constant dense<0.000000e+00> : vector<1000x128xf32>
    %dot_general3A_20 = tpu.matmul %div3A, %get3A_19, %dot_general3A {dimension_numbers = #tpu.dot_dimension_numbers<[1], [0], [0], [1], [0, 0, 1, 1], [], []>, transpose_lhs_hint = false} : vector<1000x128xf32>, vector<128x128xf32>, vector<1000x128xf32> -> vector<1000x128xf32>
    %get3A_21 = arith.constant 0 : index
    %get3A_22 = arith.constant 0 : index
    %get3A_23 = vector.load %arg6[%get3A_21, %get3A_22] : memref<1x128xf32, #tpu.memory_space<vmem>>, vector<1x128xf32>
    %add3A_24 = vector.broadcast %get3A_23 : vector<1x128xf32> to vector<1000x128xf32>
    %add3A_25 = arith.addf %dot_general3A_20, %add3A_24 : vector<1000x128xf32>
    %tanh3A = math.tanh %add3A_25 : vector<1000x128xf32>
    %add3A_26 = arith.addf %get3A_16, %tanh3A : vector<1000x128xf32>
    %get3A_27 = arith.constant 0 : index
    %get3A_28 = arith.constant 0 : index
    %get3A_29 = vector.load %arg7[%get3A_27, %get3A_28] : memref<128x128xf32, #tpu.memory_space<vmem>>, vector<128x128xf32>
    %dot_general3A_30 = arith.constant dense<0.000000e+00> : vector<1000x128xf32>
    %dot_general3A_31 = tpu.matmul %add3A_26, %get3A_29, %dot_general3A_30 {dimension_numbers = #tpu.dot_dimension_numbers<[1], [0], [0], [1], [0, 0, 1, 1], [], []>, transpose_lhs_hint = false} : vector<1000x128xf32>, vector<128x128xf32>, vector<1000x128xf32> -> vector<1000x128xf32>
    %get3A_32 = arith.constant 0 : index
    %get3A_33 = arith.constant 0 : index
    %get3A_34 = vector.load %arg8[%get3A_32, %get3A_33] : memref<128x128xf32, #tpu.memory_space<vmem>>, vector<128x128xf32>
    %dot_general3A_35 = arith.constant dense<0.000000e+00> : vector<1000x128xf32>
    %dot_general3A_36 = tpu.matmul %div3A, %get3A_34, %dot_general3A_35 {dimension_numbers = #tpu.dot_dimension_numbers<[1], [0], [0], [1], [0, 0, 1, 1], [], []>, transpose_lhs_hint = false} : vector<1000x128xf32>, vector<128x128xf32>, vector<1000x128xf32> -> vector<1000x128xf32>
    %add3A_37 = arith.addf %dot_general3A_31, %dot_general3A_36 : vector<1000x128xf32>
    %get3A_38 = arith.constant 0 : index
    %get3A_39 = arith.constant 0 : index
    %get3A_40 = vector.load %arg9[%get3A_38, %get3A_39] : memref<1x128xf32, #tpu.memory_space<vmem>>, vector<1x128xf32>
    %add3A_41 = vector.broadcast %get3A_40 : vector<1x128xf32> to vector<1000x128xf32>
    %add3A_42 = arith.addf %add3A_37, %add3A_41 : vector<1000x128xf32>
    %max3A_43 = arith.constant 0.000000e+00 : f32
    %max3A_44 = vector.broadcast %max3A_43 : f32 to vector<1000x128xf32>
    %max3A_45 = arith.maximumf %add3A_42, %max3A_44 : vector<1000x128xf32>
    %get3A_46 = arith.constant 0 : index
    %get3A_47 = arith.constant 0 : index
    %get3A_48 = vector.load %arg10[%get3A_46, %get3A_47] : memref<128x128xf32, #tpu.memory_space<vmem>>, vector<128x128xf32>
    %dot_general3A_49 = arith.constant dense<0.000000e+00> : vector<1000x128xf32>
    %dot_general3A_50 = tpu.matmul %max3A_45, %get3A_48, %dot_general3A_49 {dimension_numbers = #tpu.dot_dimension_numbers<[1], [0], [0], [1], [0, 0, 1, 1], [], []>, transpose_lhs_hint = false} : vector<1000x128xf32>, vector<128x128xf32>, vector<1000x128xf32> -> vector<1000x128xf32>
    %get3A_51 = arith.constant 0 : index
    %get3A_52 = arith.constant 0 : index
    %get3A_53 = vector.load %arg11[%get3A_51, %get3A_52] : memref<1x128xf32, #tpu.memory_space<vmem>>, vector<1x128xf32>
    %add3A_54 = vector.broadcast %get3A_53 : vector<1x128xf32> to vector<1000x128xf32>
    %add3A_55 = arith.addf %dot_general3A_50, %add3A_54 : vector<1000x128xf32>
    %swap3A = arith.constant 0 : index
    %swap3A_56 = arith.constant 0 : index
    %swap3A_57 = vector.load %arg12[%swap3A, %swap3A_56] : memref<1000x128xf32, #tpu.memory_space<vmem>>, vector<1000x128xf32>
    tpu.vector_store %arg12[%swap3A, %swap3A_56], %add3A_55 {strides = array<i32>} : memref<1000x128xf32, #tpu.memory_space<vmem>>, vector<1000x128xf32>,
    return
  }
  func.func @transform_0(%arg0: i32) -> (i32, i32) {
    %c0_i32 = arith.constant 0 : i32
    %c0_i32_0 = arith.constant 0 : i32
    return %arg0, %c0_i32 : i32, i32
  }
  func.func @transform_1(%arg0: i32) -> (i32, i32, i32) {
    %c0_i32 = arith.constant 0 : i32
    %c0_i32_0 = arith.constant 0 : i32
    %c0_i32_1 = arith.constant 0 : i32
    return %c0_i32, %arg0, %c0_i32_0 : i32, i32, i32
  }
  func.func @transform_2(%arg0: i32) -> (i32, i32, i32) {
    %c1_i32 = arith.constant 1 : i32
    %c0_i32 = arith.constant 0 : i32
    %c0_i32_0 = arith.constant 0 : i32
    return %c1_i32, %arg0, %c0_i32 : i32, i32, i32
  }
  func.func @transform_3(%arg0: i32) -> (i32, i32) {
    %c0_i32 = arith.constant 0 : i32
    %c0_i32_0 = arith.constant 0 : i32
    return %arg0, %c0_i32 : i32, i32
  }
  func.func @transform_4(%arg0: i32) -> (i32, i32) {
    %c0_i32 = arith.constant 0 : i32
    %c0_i32_0 = arith.constant 0 : i32
    %c0_i32_1 = arith.constant 0 : i32
    return %c0_i32, %c0_i32_0 : i32, i32
  }
  func.func @transform_5(%arg0: i32) -> (i32, i32) {
    %c0_i32 = arith.constant 0 : i32
    %c0_i32_0 = arith.constant 0 : i32
    %c0_i32_1 = arith.constant 0 : i32
    return %c0_i32, %c0_i32_0 : i32, i32
  }
  func.func @transform_6(%arg0: i32) -> (i32, i32) {
    %c0_i32 = arith.constant 0 : i32
    %c0_i32_0 = arith.constant 0 : i32
    %c0_i32_1 = arith.constant 0 : i32
    return %c0_i32, %c0_i32_0 : i32, i32
  }
  func.func @transform_7(%arg0: i32) -> (i32, i32) {
    %c0_i32 = arith.constant 0 : i32
    %c0_i32_0 = arith.constant 0 : i32
    %c0_i32_1 = arith.constant 0 : i32
    return %c0_i32, %c0_i32_0 : i32, i32
  }
  func.func @transform_8(%arg0: i32) -> (i32, i32) {
    %c0_i32 = arith.constant 0 : i32
    %c0_i32_0 = arith.constant 0 : i32
    %c0_i32_1 = arith.constant 0 : i32
    return %c0_i32, %c0_i32_0 : i32, i32
  }
  func.func @transform_9(%arg0: i32) -> (i32, i32) {
    %c0_i32 = arith.constant 0 : i32
    %c0_i32_0 = arith.constant 0 : i32
    %c0_i32_1 = arith.constant 0 : i32
    return %c0_i32, %c0_i32_0 : i32, i32
  }
  func.func @transform_10(%arg0: i32) -> (i32, i32) {
    %c0_i32 = arith.constant 0 : i32
    %c0_i32_0 = arith.constant 0 : i32
    %c0_i32_1 = arith.constant 0 : i32
    return %c0_i32, %c0_i32_0 : i32, i32
  }
  func.func @transform_11(%arg0: i32) -> (i32, i32) {
    %c0_i32 = arith.constant 0 : i32
    %c0_i32_0 = arith.constant 0 : i32
    return %arg0, %c0_i32 : i32, i32
  }
}

</mosaic_0001>

<sc_bundles>
// kernel: kernel.5.cloned.1.call-start
scs
__scs_entry_jumppad:
0x0: {  	(pc) =	sbr.rel $0x88, $3  }
0x1: {  	(tag) =	ssettag $0x0;
	lr =	simm.s32 $0x1  }
0x2: {  	[smem:$0x3F95] =	sst lr;
	_ =	strace $0xD0000000  }
0x3: {  	_ = 	snop  }
0x4: {  	_ = 	snop  }
0x5: {  	_ = 	snop  }
0x6: {  	_ = 	snop  }
0x7: {  	_ = 	snop  }
__scs_overlays_trampoline_lowered:
0x8: {  	[smem:$0x3FA4] =	sst s0  }
0x9: {  	[smem:$0x3FA5] =	sst s1  }
0xa: {  	[smem:$0x3FA6] =	sst s2  }
0xb: {  	[smem:$0x3FA7] =	sst s3  }
0xc: {  	[smem:$0x3FA8] =	sst s4  }
0xd: {  	[smem:$0x3FA9] =	sst s5  }
0xe: {  	[smem:$0x3FAA] =	sst s6  }
0xf: {  	[smem:$0x3FAB] =	sst s7  }
0x10: {  	[smem:$0x3FAC] =	sst s8  }
0x11: {  	[smem:$0x3FAD] =	sst s9;
	s0 =	simm.s32 @!p0 $0x0  }
0x12: {  	s1 =	sld [smem:$0x3F93];
	s0 =	simm.s32 @p0 $0x1  }
0x13: {  	[smem:$0x3FAE] =	sst s0;
	s0 =	simm.s32 @!p1 $0x0  }
0x14: {  	s2 =	sld [smem:$0x3F92];
	s0 =	simm.s32 @p1 $0x1  }
0x15: {  	[smem:$0x3FAF] =	sst s0;
	s0 =	simm.s32 @!p2 $0x0  }
0x16: {  	s3 =	sld [smem:$0x3FDB];
	s0 =	simm.s32 @p2 $0x1  }
0x17: {  	s4 =	simm.s32 $0x1BF5;
	[smem:$0x3FB1] =	sst s0  }
0x18: {  	s0 =	sld [smem:$0x3F94];
	_ =	swait.ge [sflag:s4], $0x0  }
0x19: {  	s7 =	sld [smem:$0x3F95]  }
0x1a: {  	s8 =	sadd.s32 $0xFFFFE003, lr  }
0x1b: {  	s9 =	sadd.s32 $0xFFFFFEF7, lr;
	s5 =	simm.s32 $0xFFFFFFFF;
	p2 =	slt.u32 s8, $0xFFFFF086  }
0x1c: {  	p1 =	slt.u32 s9, $0xF7A;
	s5 =	simm.s32 @!p2 $0x0  }
0x1d: {  	s5 =	simm.s32 @p1 $0x1;
	p0 =	seq.s32 s7, s2  }
0x1e: {  	s7 =	smul.u32 @!p0 $0xF7A, s2;
	p2 =	seq.s32 @!p0 s5, $0x0  }
0x1f: {  	s9 =	smul.u32 $0xF7A, s1;
	s8 =	simm.s32 @!p0 $0x1BF5;
	p2 =	por !p2, p0  }
0x20: {  	[sflag:s8] =	ssyncset.s32 @!p0 $0xFFFFF086;
	s6 =	sadd.s32 @!p0 s3, s7;
	s7 =	simm.s32 @!p0 $0x108  }
0x21: {  	s3 =	sadd.s32 s3, s9;
	s6 =	sadd.s32 @!p0 $0x88, s6;
	s7 =	simm.s32 @p2 $0x1082  }
0x22: {  	[simem:s7], [sflag:s8] =	dma.local @!p0 [hbm:s6], $0xF7A  }
0x23: {  	s9 =	sor.u32 $0xD0000000, s2;
	s6 =	simm.s32 $0x108;
	_ =	swait.ge @!p0 [sflag:s8], $0x0  }
0x24: {  	s3 =	sadd.s32 $0x88, s3;
	s6 =	simm.s32 @!p1 $0x1082;
	[sflag:s4] =	ssyncset.s32 $0xFFFFF086  }
0x25: {  	[simem:s6], [sflag:s4] =	dma.local [hbm:s3], $0xF7A  }
0x26: {  	[smem:$0x3F95] =	sst s1;
	(tag) =	ssettag s2;
	_ =	strace s9  }
0x27: {  	s1 =	sld [smem:$0x3FA5]  }
0x28: {  	s2 =	sld [smem:$0x3FA6]  }
0x29: {  	s4 =	sld [smem:$0x3FA8]  }
0x2a: {  	p0 =	seq.s32 s5, $0x0;
	s5 =	sld [smem:$0x3FA9]  }
0x2b: {  	s6 =	sld [smem:$0x3FAA]  }
0x2c: {  	s7 =	sld [smem:$0x3FAB]  }
0x2d: {  	s3 =	simm.s32 $0x108;
	s8 =	sld [smem:$0x3FAC]  }
0x2e: {  	s3 =	simm.s32 @!p0 $0x1082;
	s9 =	sld [smem:$0x3FAD]  }
0x2f: {  	lr =	sadd.s32 s0, s3;
	s0 =	sld [smem:$0x3FA4]  }
0x30: {  	s3 =	sld [smem:$0x3FA7]  }
0x31: {  	[smem:$0x3FB0] =	sst s10  }
0x32: {  	s10 =	sld [smem:$0x3FAE];
	_ =	sdelay $0x3  }
0x33: {  	p0 =	seq.s32 s10, $0x1;
	s10 =	sld [smem:$0x3FB0];
	_ =	sdelay $0x3  }
0x34: {  	[smem:$0x3FB0] =	sst s10  }
0x35: {  	s10 =	sld [smem:$0x3FAF];
	_ =	sdelay $0x3  }
0x36: {  	p1 =	seq.s32 s10, $0x1;
	s10 =	sld [smem:$0x3FB0];
	_ =	sdelay $0x3  }
0x37: {  	[smem:$0x3FB0] =	sst s10  }
0x38: {  	s10 =	sld [smem:$0x3FB1]  }
0x39: {  	_ = 	snop;
	(pc) =	sbr.ind lr, $3  }
0x3a: {  	_ = 	snop  }
0x3b: {  	_ = 	snop  }
0x3c: {  	p2 =	seq.s32 s10, $0x1;
	s10 =	sld [smem:$0x3FB0]  }
0x3d: {  	_ =	shalt  }
0x3e: {  	_ =	shalt  }
0x3f: {  	_ =	shalt  }
0x40: {  	_ =	shalt  }
0x41: {  	_ =	shalt  }
0x42: {  	_ =	shalt  }
0x43: {  	_ =	shalt  }
0x44: {  	_ =	shalt  }
0x45: {  	_ =	shalt  }
0x46: {  	_ =	shalt  }
0x47: {  	_ =	shalt  }
0x48: {  	_ =	shalt  }
0x49: {  	_ =	shalt  }
0x4a: {  	_ =	shalt  }
0x4b: {  	_ =	shalt  }
0x4c: {  	_ =	shalt  }
0x4d: {  	_ =	shalt  }
0x4e: {  	_ =	shalt  }
0x4f: {  	_ =	shalt  }
0x50: {  	_ =	shalt  }
0x51: {  	_ =	shalt  }
0x52: {  	_ =	shalt  }
0x53: {  	_ =	shalt  }
0x54: {  	_ =	shalt  }
0x55: {  	_ =	shalt  }
0x56: {  	_ =	shalt  }
0x57: {  	_ =	shalt  }
0x58: {  	_ =	shalt  }
0x59: {  	_ =	shalt  }
0x5a: {  	_ =	shalt  }
0x5b: {  	_ =	shalt  }
0x5c: {  	_ =	shalt  }
0x5d: {  	_ =	shalt  }
0x5e: {  	_ =	shalt  }
0x5f: {  	_ =	shalt  }
0x60: {  	_ =	shalt  }
0x61: {  	_ =	shalt  }
0x62: {  	_ =	shalt  }
0x63: {  	_ =	shalt  }
0x64: {  	_ =	shalt  }
0x65: {  	_ =	shalt  }
0x66: {  	_ =	shalt  }
0x67: {  	_ =	shalt  }
0x68: {  	_ =	shalt  }
0x69: {  	_ =	shalt  }
0x6a: {  	_ =	shalt  }
0x6b: {  	_ =	shalt  }
0x6c: {  	_ =	shalt  }
0x6d: {  	_ =	shalt  }
0x6e: {  	_ =	shalt  }
0x6f: {  	_ =	shalt  }
0x70: {  	_ =	shalt  }
0x71: {  	_ =	shalt  }
0x72: {  	_ =	shalt  }
0x73: {  	_ =	shalt  }
0x74: {  	_ =	shalt  }
0x75: {  	_ =	shalt  }
0x76: {  	_ =	shalt  }
0x77: {  	_ =	shalt  }
0x78: {  	_ =	shalt  }
0x79: {  	_ =	shalt  }
0x7a: {  	_ =	shalt  }
0x7b: {  	_ =	shalt  }
0x7c: {  	_ =	shalt  }
0x7d: {  	_ =	shalt  }
0x7e: {  	_ =	shalt  }
0x7f: {  	_ =	shalt  }
0x80: {  	_ =	shalt  }
0x81: {  	_ =	shalt  }
0x82: {  	_ =	shalt  }
0x83: {  	_ =	shalt  }
0x84: {  	_ =	shalt  }
0x85: {  	_ =	shalt  }
0x86: {  	_ =	shalt  }
0x87: {  	_ =	shalt  }
.Lfunc_end0:
.L_simem_size_0:
called_computation_lowered:
.L_overlay_start_0:
0x88: {  	s2 =	sld [smem:$0x3FD9]  }
0x89: {  	s3 =	sld [smem:$0x3FFE];
	_ =	sdelay $0x1  }
0x8a: {  	s1 =	srdreg.scid  }
0x8b: {  	s0 =	sand.u32 $0x1, s1  }
0x8c: {  	s17 =	sshll.u32 s0, $0xA;
	s2 =	sadd.s32 s3, s2  }
0x8d: {  	s2 =	sadd.s32 s2, s17  }
0x8e: {  	[smem:$0x3FBC] =	sst s2  }
0x8f: {  	_ = 	snop  }
0x90: {  	s2 =	sld [smem:$0x3FD0];
	(tm) =	ssettm $0x1  }
0x91: {  	s18 =	sld [smem:$0x3FFB];
	_ =	sdelay $0x3  }
0x92: {  	_ =	strace s18  }
0x93: {  	s3 =	sld [smem:$0x3FFC];
	_ =	sdelay $0x3  }
0x94: {  	_ =	strace s3  }
0x95: {  	s3 =	sld [smem:$0x3FFD];
	_ =	sdelay $0x3  }
0x96: {  	_ =	strace s3  }
0x97: {  	_ =	strace $0x8FFFFFFF  }
0x98: {  	s19 =	sld [smem:$0x3FDB];
	_ =	sdelay $0x1  }
0x99: {  	s4 =	simm.s32 $_scs_section_size  }
0x9a: {  	s5 =	simm.s32 $_size__tile_overlayer_lowered;
	s6 =	simm.s32 $_tile_overlayer_lowered  }
0x9b: {  	s22 =	simm.s32 $0x1BFF;
	s21 =	sshll.u32 s6, $0x1;
	s3 =	sadd.s32 s4, s19  }
0x9c: {  	s7 =	simm.s32 $0x0;
	s20 =	sshll.u32 s5, $0x1;
	s5 =	sadd.s32 s21, s3  }
0x9d: {  	[timem:s7], [sflag:s22] =	dma.local [hbm:s5], s20  }
0x9e: {  	_ =	swait.ge [sflag:s22], s20  }
0x9f: {  	s4 =	ssub.s32 $0x0, s20;
	[sflag:s22] =	ssyncset.done $0x0  }
0xa0: {  	[sflag:s22] =	ssyncadd.s32 s4;
	_ =	sdelay $0x1  }
0xa1: {  	s23 =	simm.s32 $0x1B8B  }
0xa2: {  	_ =	swait.ge [sflag:s23], $0x1  }
0xa3: {  	[sflag:s23] =	ssyncset.done $0x0  }
0xa4: {  	s25 =	simm.s32 $0x1B8E;
	s24 =	sld [smem:$0x3FFE];
	[sflag:s23] =	ssyncadd.s32 $0xFFFFFFFF  }
0xa5: {  	s26 =	simm.s32 $execute0_lowered;
	[smem:$0x3FD2] =	sst s25  }
0xa6: {  	s5 =	sshll.u32 s26, $0x1;
	_ =	strace $0x80000046;
	[dreg:$0x1] =	wrdreg $0xFFFFFFFF  }
0xa7: {  	s28 =	simm.s32 $_size_execute0_lowered;
	s3 =	sadd.s32 s3, s5;
	[dreg:$0x0] =	wrdreg $0x0  }
0xa8: {  	s5 =	sshll.u32 s28, $0x1;
	[dreg:$0x2] =	wrdreg s3  }
0xa9: {  	[dreg:$0x3] =	wrdreg s5  }
0xaa: {  	[dreg:$0x4] =	wrdreg $0xC0  }
0xab: {  	_ =	task [dreg:s7], $0x5FFFF  }
0xac: {  	[dreg:$0x1] =	wrdreg $0xFFFFFFFF  }
0xad: {  	[dreg:$0x0] =	wrdreg $0x60  }
0xae: {  	[dreg:$0x2] =	wrdreg s2  }
0xaf: {  	[dreg:$0x3] =	wrdreg s24  }
0xb0: {  	[dreg:$0x4] =	wrdreg $0xB1800  }
0xb1: {  	[dreg:$0x5] =	wrdreg $0x9  }
0xb2: {  	_ =	task.clear_ibuf [dreg:s7], $0x6FFFF;
	_ =	strace $0x90000046  }
0xb3: {  	s29 =	simm.s32 $0x9;
	_ =	strace $0x80000048  }
0xb4: {  	_ =	swait.ge [sflag:s29], $0x1  }
0xb5: {  	[sflag:s29] =	ssyncadd.s32 $0xFFFFFFFF  }
0xb6: {  	_ =	strace $0x90000048  }
0xb7: {  	_ =	sfence  }
0xb8: {  	s30 =	sld [smem:$0x0];
	_ =	sdelay $0x2  }
0xb9: {  	s31 =	sshll.u32 s1, $0xD;
	s1 =	sshrl.u32 s1, $0x2  }
0xba: {  	s3 =	sand.u32 $0x4000, s31;
	s1 =	sadd.s32 s1, s30  }
0xbb: {  	s0 =	sor.u32 s3, s0;
	s1 =	sshll.u32 s1, $0x11  }
0xbc: {  	s0 =	sor.u32 s1, s0  }
0xbd: {  	s0 =	sadd.s32 $0x8F2B, s0  }
0xbe: {  	[sflag:s0] =	ssyncadd.remote.s32 $0x1  }
0xbf: {  	_ =	sfence.sel $0xFFFF  }
0xc0: {  	[dreg:$0x0] =	wrdreg $0xFFFFFFFF;
	(pc) =	sbr.abs _section_cstart, $3  }
0xc1: {  	[dreg:$0x1] =	wrdreg $0xFFFFFFFF  }
0xc2: {  	_ =	task.clear_ibuf [dreg:s7], $0x2FFFF;
	_ =	strace $0x9FFFFFFF  }
0xc3: {  	(tm) =	ssettm $0x7FFFFFFF  }
tec
execute0_lowered:
.L_overlay_start_1:
0x0: {  	(tag) =	ssettag $0x1  }
0x1: {  	s2 =	rddreg [dreg:$0x0]  }
0x2: {  	s0 =	rddreg [dreg:$0x1]  }
0x3: {  	s3 =	rddreg [dreg:$0x2]  }
0x4: {  	s15 =	stileid.u32;
	s1 =	srdreg.scid;
	s4 =	simm.s32 $0x0  }
0x5: {  	s29 =	simm.s32 $0x7;
	s30 =	simm.s32 $0x100;
	s7 =	smul.u32 $0x14000, s15  }
0x6: {  	s31 =	simm.s32 $0x80;
	s1 =	sand.u32 $0x1, s1;
	s9 =	smul.u32 $0x500, s15  }
0x7: {  	[smem:$0x7FF] =	sst s4;
	s5 =	sadd.s32 $0xB800, s0;
	s23 =	smul.u32 $0x50000, s15  }
0x8: {  	s6 =	sadd.s32 $0x1A00, s0;
	s12 =	sshll.u32 s15, $0x1;
	s14 =	smul.u32 $0x280, s15  }
0x9: {  	s8 =	smul.u32 $0x140000, s1;
	_ =	strace $0x80000047;
	s10 =	sshll.u32 s1, $0x7  }
0xa: {  	s20 =	ssub.s32 $0x2, s1;
	s22 =	sor.u32 s1, s12;
	s17 =	sshll.u32 s1, $0x4  }
0xb: {  	s11 =	sshrl.u32 s7, $0x3;
	s18 =	sor.u32 s10, s9;
	s21 =	sshrl.u32 s20, $0x1  }
0xc: {  	s13 =	smul.u32 $0x2780, s22;
	p0 =	seq.s32 s22, $0x1F;
	s12 =	sshrl.u32 s23, $0x2  }
0xd: {  	s23 =	smul.u32 $0x4F00, s15;
	s7 =	sadd.s32 s7, s8;
	s19 =	sadd.s32 s11, s0  }
0xe: {  	s8 =	sshrl.u32 s18, $0x3;
	s11 =	simm.s32 $0x33;
	s18 =	smul.u32 $0x28000, s1  }
0xf: {  	s12 =	sadd.s32 s12, s3;
	s1 =	smul.u32 $0x2780, s1;
	s7 =	sshrl.u32 s7, $0x3  }
0x10: {  	s8 =	sadd.s32 s8, s0;
	s11 =	simm.s32 @!p0 $0x4F;
	[dreg:$0x4] =	wrdreg s12  }
0x11: {  	s9 =	sadd.s32 $0x15600, s19;
	s24 =	sshrl.u32 s13, $0x3;
	s12 =	sor.u32 s15, s17  }
0x12: {  	s10 =	sadd.s32 s7, s0;
	s7 =	sadd.s32 $0x3D600, s0;
	s0 =	ssub.s32 s20, s21  }
0x13: {  	[dreg:$0x5] =	wrdreg s9;
	s25 =	sadd.s32 s5, s24;
	s26 =	sadd.s32 s6, s24  }
0x14: {  	s9 =	sadd.s32 $0x10, s24;
	s16 =	sshll.u32 s11, $0x7;
	s11 =	sadd.s32 $0xFFFFFFFD, s11  }
0x15: {  	s19 =	smul.u32 $0x500, s12;
	s21 =	sor.u32 s14, s18;
	s8 =	sadd.s32 $0x47600, s8  }
0x16: {  	s1 =	sadd.s32 s1, s23;
	s12 =	simm.s32 $0x8200;
	[dreg:$0x6] =	wrdreg s25  }
0x17: {  	s14 =	simm.s32 $0xAC80;
	s18 =	simm.s32 $0xAA00;
	[dreg:$0x7] =	wrdreg s26  }
0x18: {  	s28 =	sadd.s32 s5, s9;
	s9 =	sadd.s32 s6, s9;
	s11 =	sshrl.u32 s11, $0x1  }
0x19: {  	s22 =	sadd.s32 $0x2800, s21;
	[dreg:$0x10] =	wrdreg s8;
	s24 =	sadd.s32 $0x48000, s10  }
0x1a: {  	s25 =	sadd.s32 $0x7800, s21;
	s0 =	smax.u32 s0, $0x1;
	[dreg:$0x8] =	wrdreg s28  }
0x1b: {  	s23 =	sadd.s32 $0x180, s1;
	s1 =	simm.s32 $0x2;
	[dreg:$0x9] =	wrdreg s9  }
0x1c: {  	s8 =	simm.s32 $0x180;
	s10 =	simm.s32 $0x6;
	[dreg:$0xa] =	wrdreg s11  }
0x1d: {  	s9 =	sadd.s32 s16, s13;
	s11 =	sadd.s32 s7, s19;
	[dreg:$0x11] =	wrdreg s24  }
0x1e: {  	s13 =	sshrl.u32 s21, $0x3;
	[dreg:$0x12] =	wrdreg s0;
	s26 =	sshrl.u32 s25, $0x3  }
0x1f: {  	s0 =	simm.s32 $0x200;
	s16 =	simm.s32 $0x4;
	s19 =	simm.s32 $0x0  }
0x20: {  	s9 =	sadd.s32 $0xFFFFFF80, s9;
	[dreg:$0xd] =	wrdreg s11;
	s11 =	sshrl.u32 s22, $0x3  }
0x21: {  	s13 =	sadd.s32 s7, s13;
	s24 =	sadd.s32 s26, s7;
	s22 =	sadd.s32 $0x5000, s21  }
0x22: {  	s26 =	sshll.u32 s15, $0x6;
	[dreg:$0xe] =	wrdreg s13;
	s11 =	sadd.s32 s7, s11  }
0x23: {  	s9 =	sshrl.u32 s9, $0x3;
	s28 =	sor.u32 $0x1C02, s26;
	[dreg:$0xf] =	wrdreg s11  }
0x24: {  	s15 =	simm.s32 $0x5;
	s20 =	sadd.s32 s5, s9;
	[dreg:$0x13] =	wrdreg s28  }
0x25: {  	s13 =	simm.s32 $0x3;
	s9 =	sadd.s32 s6, s9;
	[dreg:$0xb] =	wrdreg s20  }
0x26: {  	v0 =	vimm.f32 $0.0e+00;
	v1 =	vimm.f32 $1.000000000e+00;
	s11 =	simm.s32 $0x4200;
	[dreg:$0xc] =	wrdreg s9;
	s9 =	simm.s32 $0x1  }
.LBB2_1:
0x27: {  	s17 =	rddreg [dreg:$0x4]  }
0x28: {  	s28 =	rddreg [dreg:$0x5]  }
0x29: {  	s21 =	rddreg [dreg:$0x13];
	s20 =	sshrl.u32 s17, $0x3  }
0x2a: {  	[spmem:s20], [sflag:s21] =	dma.local [hbm:s28], $0x2800  }
0x2b: {  	s25 =	simm.s32 $0x0;
	s21 =	simm.s32 $0x40  }
.LBB2_2:
0x2c: {  	p0 =	sne.s32 s21, $0x9FC0;
	[tilespmem:s25+$0x8200] =	vst v0;
	s25 =	smov.u32 s21;
	s21 =	sadd.s32 $0x40, s21  }
.Ltmp0:
0x2d: {  	(pc) =	sbr.rel @p0 .LBB2_2-.Ltmp0, $2  }
0x2e: {  	_ =	sdelay $0x2  }
0x2f: {  	s25 =	sshra.s32 s25, $0x2  }
0x30: {  	[tilespmem:s25+$0x8200] =	vst v0;
	s17 =	rddreg [dreg:$0x6]  }
0x31: {  	[tilespmem:s4], [sflag:$0x7] =	stream.linear.gather [hbm4b:s17+s4], $0x80, $0x38;
	[tilespmem:$0x1F180] =	vst v63  }
0x32: {  	_ =	swait.ge [sflag:s29], $0x80  }
0x33: {  	[sflag:s29] =	ssyncset.done $0x0  }
0x34: {  	s21 =	rddreg [dreg:$0x7];
	[sflag:s29] =	ssyncadd.s32 $0xFFFFFF80  }
0x35: {  	[tilespmem:s30], [sflag:$0x7] =	stream.linear.gather [hbm4b:s21+s4], $0x80, $0x38;
	[tilespmem:$0x1F180] =	vst v63  }
0x36: {  	_ =	swait.ge [sflag:s29], $0x80  }
0x37: {  	[sflag:s29] =	ssyncset.done $0x0  }
0x38: {  	[sflag:s29] =	ssyncadd.s32 $0xFFFFFF80  }
0x39: {  	[tilespmem:s0], [sflag:$0x1] =	stream.indirect.gather [hbm4b:s2+s31], $0x80, s4, s31, $0xb8;
	[tilespmem:$0x1F180] =	vst v63  }
0x3a: {  	_ =	swait.ge [sflag:s1], $0x2800  }
0x3b: {  	[sflag:s1] =	ssyncset.done $0x0  }
0x3c: {  	[sflag:s1] =	ssyncadd.s32 $0xFFFFD800  }
0x3d: {  	[bflag:$0x0] =	sbarrier.arrive $0xFFFF  }
0x3e: {  	s25 =	rddreg [dreg:$0x8]  }
0x3f: {  	[tilespmem:s31], [sflag:$0x6] =	stream.linear.gather [hbm4b:s25+s4], $0x80, $0x38;
	[tilespmem:$0x1F180] =	vst v63  }
0x40: {  	s28 =	rddreg [dreg:$0x9]  }
0x41: {  	[tilespmem:s8], [sflag:$0x6] =	stream.linear.gather [hbm4b:s28+s4], $0x80, $0x38;
	[tilespmem:$0x1F180] =	vst v63  }
0x42: {  	_ =	swait.ge [sflag:s9], $0x4000  }
0x43: {  	[sflag:s9] =	ssyncset.done $0x0  }
0x44: {  	[sflag:s9] =	ssyncadd.s32 $0xFFFFC000  }
0x45: {  	_ =	swait.ge [sflag:s10], $0x80  }
0x46: {  	[sflag:s10] =	ssyncset.done $0x0  }
0x47: {  	[sflag:s10] =	ssyncadd.s32 $0xFFFFFF80  }
0x48: {  	_ =	swait.ge [sflag:s10], $0x80  }
0x49: {  	[sflag:s10] =	ssyncset.done $0x0  }
0x4a: {  	[sflag:s10] =	ssyncadd.s32 $0xFFFFFF80  }
0x4b: {  	[tilespmem:s11], [sflag:$0x2] =	stream.indirect.gather [hbm4b:s2+s31], $0x80, s31, s31, $0xb8;
	[tilespmem:$0x1F180] =	vst v63  }
0x4c: {  	v2 =	vld [tilespmem:$0x100];
	_ =	sdelay $0x7  }
0x4d: {  	[tilespmem:v2+s12+$0x0] =	vst.idx.add.f32.msk $0xffff, v1  }
0x4e: {  	v2 =	vld [tilespmem:$0x110];
	_ =	sdelay $0x7  }
0x4f: {  	[tilespmem:v2+s12+$0x0] =	vst.idx.add.f32.msk $0xffff, v1  }
0x50: {  	v2 =	vld [tilespmem:$0x120];
	_ =	sdelay $0x7  }
0x51: {  	[tilespmem:v2+s12+$0x0] =	vst.idx.add.f32.msk $0xffff, v1  }
0x52: {  	v2 =	vld [tilespmem:$0x130];
	_ =	sdelay $0x7  }
0x53: {  	[tilespmem:v2+s12+$0x0] =	vst.idx.add.f32.msk $0xffff, v1  }
0x54: {  	v2 =	vld [tilespmem:$0x140];
	_ =	sdelay $0x7  }
0x55: {  	[tilespmem:v2+s12+$0x0] =	vst.idx.add.f32.msk $0xffff, v1  }
0x56: {  	v2 =	vld [tilespmem:$0x150];
	_ =	sdelay $0x7  }
0x57: {  	[tilespmem:v2+s12+$0x0] =	vst.idx.add.f32.msk $0xffff, v1  }
0x58: {  	v2 =	vld [tilespmem:$0x160];
	_ =	sdelay $0x7  }
0x59: {  	[tilespmem:v2+s12+$0x0] =	vst.idx.add.f32.msk $0xffff, v1  }
0x5a: {  	v2 =	vld [tilespmem:$0x170];
	_ =	sdelay $0x7  }
0x5b: {  	s21 =	smov.u32 s23;
	s25 =	rddreg [dreg:$0xa];
	[tilespmem:v2+s12+$0x0] =	vst.idx.add.f32.msk $0xffff, v1  }
0x5c: {  	[spmem:s3] =	stream.indirect.scatter.add.f32 [tilespmem:s0], [sflag:$0x3], $0x80, s30, s31, $0xb8;
	[tilespmem:$0x1F180] =	vst v63  }
.LBB2_4:
0x5d: {  	_ =	swait.ge [sflag:s13], $0x4000;
	s28 =	sadd.s32 $0xFFFFFF80, s21  }
0x5e: {  	[sflag:s13] =	ssyncset.done $0x0;
	s28 =	sshrl.u32 s28, $0x3  }
0x5f: {  	[sflag:s13] =	ssyncadd.s32 $0xFFFFC000;
	s17 =	sadd.s32 s5, s28  }
0x60: {  	[tilespmem:s4], [sflag:$0x5] =	stream.linear.gather [hbm4b:s17+s4], $0x80, $0x38;
	[tilespmem:$0x1F180] =	vst v63  }
0x61: {  	s28 =	sadd.s32 s6, s28  }
0x62: {  	[tilespmem:s30], [sflag:$0x5] =	stream.linear.gather [hbm4b:s28+s4], $0x80, $0x38;
	[tilespmem:$0x1F180] =	vst v63  }
0x63: {  	_ =	swait.ge [sflag:s1], $0x4000  }
0x64: {  	[sflag:s1] =	ssyncset.done $0x0  }
0x65: {  	[sflag:s1] =	ssyncadd.s32 $0xFFFFC000  }
0x66: {  	_ =	swait.ge [sflag:s15], $0x80  }
0x67: {  	[sflag:s15] =	ssyncset.done $0x0  }
0x68: {  	[sflag:s15] =	ssyncadd.s32 $0xFFFFFF80  }
0x69: {  	_ =	swait.ge [sflag:s15], $0x80  }
0x6a: {  	[sflag:s15] =	ssyncset.done $0x0  }
0x6b: {  	[sflag:s15] =	ssyncadd.s32 $0xFFFFFF80  }
0x6c: {  	[tilespmem:s0], [sflag:$0x1] =	stream.indirect.gather [hbm4b:s2+s31], $0x80, s4, s31, $0xb8;
	[tilespmem:$0x1F180] =	vst v63  }
0x6d: {  	v2 =	vld [tilespmem:$0x180];
	_ =	sdelay $0x7  }
0x6e: {  	[tilespmem:v2+s12+$0x0] =	vst.idx.add.f32.msk $0xffff, v1  }
0x6f: {  	v2 =	vld [tilespmem:$0x190];
	_ =	sdelay $0x7  }
0x70: {  	[tilespmem:v2+s12+$0x0] =	vst.idx.add.f32.msk $0xffff, v1  }
0x71: {  	v2 =	vld [tilespmem:$0x1A0];
	_ =	sdelay $0x7  }
0x72: {  	[tilespmem:v2+s12+$0x0] =	vst.idx.add.f32.msk $0xffff, v1  }
0x73: {  	v2 =	vld [tilespmem:$0x1B0];
	_ =	sdelay $0x7  }
0x74: {  	[tilespmem:v2+s12+$0x0] =	vst.idx.add.f32.msk $0xffff, v1  }
0x75: {  	v2 =	vld [tilespmem:$0x1C0];
	_ =	sdelay $0x7  }
0x76: {  	[tilespmem:v2+s12+$0x0] =	vst.idx.add.f32.msk $0xffff, v1  }
0x77: {  	v2 =	vld [tilespmem:$0x1D0];
	_ =	sdelay $0x7  }
0x78: {  	[tilespmem:v2+s12+$0x0] =	vst.idx.add.f32.msk $0xffff, v1  }
0x79: {  	v2 =	vld [tilespmem:$0x1E0];
	_ =	sdelay $0x7  }
0x7a: {  	[tilespmem:v2+s12+$0x0] =	vst.idx.add.f32.msk $0xffff, v1  }
0x7b: {  	v2 =	vld [tilespmem:$0x1F0];
	_ =	sdelay $0x7  }
0x7c: {  	[tilespmem:v2+s12+$0x0] =	vst.idx.add.f32.msk $0xffff, v1  }
0x7d: {  	[spmem:s3] =	stream.indirect.scatter.add.f32 [tilespmem:s11], [sflag:$0x4], $0x80, s8, s31, $0xb8;
	[tilespmem:$0x1F180] =	vst v63  }
0x7e: {  	_ =	swait.ge [sflag:s16], $0x4000  }
0x7f: {  	s17 =	sshrl.u32 s21, $0x3;
	[sflag:s16] =	ssyncset.done $0x0  }
0x80: {  	s28 =	sadd.s32 s5, s17;
	[sflag:s16] =	ssyncadd.s32 $0xFFFFC000  }
0x81: {  	[tilespmem:s31], [sflag:$0x6] =	stream.linear.gather [hbm4b:s28+s4], $0x80, $0x38;
	[tilespmem:$0x1F180] =	vst v63  }
0x82: {  	s17 =	sadd.s32 s6, s17  }
0x83: {  	[tilespmem:s8], [sflag:$0x6] =	stream.linear.gather [hbm4b:s17+s4], $0x80, $0x38;
	[tilespmem:$0x1F180] =	vst v63  }
0x84: {  	_ =	swait.ge [sflag:s9], $0x4000  }
0x85: {  	[sflag:s9] =	ssyncset.done $0x0  }
0x86: {  	[sflag:s9] =	ssyncadd.s32 $0xFFFFC000  }
0x87: {  	_ =	swait.ge [sflag:s10], $0x80  }
0x88: {  	[sflag:s10] =	ssyncset.done $0x0  }
0x89: {  	[sflag:s10] =	ssyncadd.s32 $0xFFFFFF80  }
0x8a: {  	_ =	swait.ge [sflag:s10], $0x80  }
0x8b: {  	[sflag:s10] =	ssyncset.done $0x0  }
0x8c: {  	[sflag:s10] =	ssyncadd.s32 $0xFFFFFF80  }
0x8d: {  	[tilespmem:s11], [sflag:$0x2] =	stream.indirect.gather [hbm4b:s2+s31], $0x80, s31, s31, $0xb8;
	[tilespmem:$0x1F180] =	vst v63  }
0x8e: {  	v2 =	vld [tilespmem:$0x100];
	_ =	sdelay $0x7  }
0x8f: {  	[tilespmem:v2+s12+$0x0] =	vst.idx.add.f32.msk $0xffff, v1  }
0x90: {  	v2 =	vld [tilespmem:$0x110];
	_ =	sdelay $0x7  }
0x91: {  	[tilespmem:v2+s12+$0x0] =	vst.idx.add.f32.msk $0xffff, v1  }
0x92: {  	v2 =	vld [tilespmem:$0x120];
	_ =	sdelay $0x7  }
0x93: {  	[tilespmem:v2+s12+$0x0] =	vst.idx.add.f32.msk $0xffff, v1  }
0x94: {  	v2 =	vld [tilespmem:$0x130];
	_ =	sdelay $0x7  }
0x95: {  	[tilespmem:v2+s12+$0x0] =	vst.idx.add.f32.msk $0xffff, v1  }
0x96: {  	v2 =	vld [tilespmem:$0x140];
	_ =	sdelay $0x7  }
0x97: {  	[tilespmem:v2+s12+$0x0] =	vst.idx.add.f32.msk $0xffff, v1  }
0x98: {  	v2 =	vld [tilespmem:$0x150];
	_ =	sdelay $0x7  }
0x99: {  	[tilespmem:v2+s12+$0x0] =	vst.idx.add.f32.msk $0xffff, v1  }
0x9a: {  	v2 =	vld [tilespmem:$0x160];
	_ =	sdelay $0x7  }
0x9b: {  	[tilespmem:v2+s12+$0x0] =	vst.idx.add.f32.msk $0xffff, v1  }
0x9c: {  	v2 =	vld [tilespmem:$0x170];
	_ =	sdelay $0x3  }
0x9d: {  	p0 =	sne.s32 s25, $0x1  }
.Ltmp1:
0x9e: {  	_ = 	snop;
	(pc) =	sbr.rel @p0 .LBB2_4-.Ltmp1, $3  }
0x9f: {  	_ =	sdelay $0x1  }
0xa0: {  	s25 =	sadd.s32 $0xFFFFFFFF, s25;
	s21 =	sadd.s32 $0x100, s21;
	[tilespmem:v2+s12+$0x0] =	vst.idx.add.f32.msk $0xffff, v1  }
0xa1: {  	[spmem:s3] =	stream.indirect.scatter.add.f32 [tilespmem:s0], [sflag:$0x3], $0x80, s30, s31, $0xb8;
	[tilespmem:$0x1F180] =	vst v63  }
0xa2: {  	_ =	swait.ge [sflag:s13], $0x4000  }
0xa3: {  	[sflag:s13] =	ssyncset.done $0x0  }
0xa4: {  	s21 =	simm.s32 $0x0;
	s17 =	rddreg [dreg:$0xb];
	[sflag:s13] =	ssyncadd.s32 $0xFFFFC000  }
0xa5: {  	[tilespmem:s21], [sflag:$0x5] =	stream.linear.gather [hbm4b:s17+s21], $0x80, $0x38;
	[tilespmem:$0x1F180] =	vst v63  }
0xa6: {  	s25 =	rddreg [dreg:$0xc]  }
0xa7: {  	[tilespmem:s30], [sflag:$0x5] =	stream.linear.gather [hbm4b:s25+s21], $0x80, $0x38;
	[tilespmem:$0x1F180] =	vst v63  }
0xa8: {  	_ =	swait.ge [sflag:s1], $0x4000  }
0xa9: {  	[sflag:s1] =	ssyncset.done $0x0  }
0xaa: {  	[sflag:s1] =	ssyncadd.s32 $0xFFFFC000  }
0xab: {  	_ =	swait.ge [sflag:s15], $0x80  }
0xac: {  	[sflag:s15] =	ssyncset.done $0x0  }
0xad: {  	[sflag:s15] =	ssyncadd.s32 $0xFFFFFF80  }
0xae: {  	_ =	swait.ge [sflag:s15], $0x80  }
0xaf: {  	[sflag:s15] =	ssyncset.done $0x0  }
0xb0: {  	[sflag:s15] =	ssyncadd.s32 $0xFFFFFF80  }
0xb1: {  	[tilespmem:s0], [sflag:$0x1] =	stream.indirect.gather [hbm4b:s2+s31], $0x80, s21, s31, $0xb8;
	[tilespmem:$0x1F180] =	vst v63  }
0xb2: {  	v2 =	vld [tilespmem:$0x180];
	_ =	sdelay $0x7  }
0xb3: {  	[tilespmem:v2+s12+$0x0] =	vst.idx.add.f32.msk $0xffff, v1  }
0xb4: {  	v2 =	vld [tilespmem:$0x190];
	_ =	sdelay $0x7  }
0xb5: {  	[tilespmem:v2+s12+$0x0] =	vst.idx.add.f32.msk $0xffff, v1  }
0xb6: {  	v2 =	vld [tilespmem:$0x1A0];
	_ =	sdelay $0x7  }
0xb7: {  	[tilespmem:v2+s12+$0x0] =	vst.idx.add.f32.msk $0xffff, v1  }
0xb8: {  	v2 =	vld [tilespmem:$0x1B0];
	_ =	sdelay $0x7  }
0xb9: {  	[tilespmem:v2+s12+$0x0] =	vst.idx.add.f32.msk $0xffff, v1  }
0xba: {  	v2 =	vld [tilespmem:$0x1C0];
	_ =	sdelay $0x7  }
0xbb: {  	[tilespmem:v2+s12+$0x0] =	vst.idx.add.f32.msk $0xffff, v1  }
0xbc: {  	v2 =	vld [tilespmem:$0x1D0];
	_ =	sdelay $0x7  }
0xbd: {  	[tilespmem:v2+s12+$0x0] =	vst.idx.add.f32.msk $0xffff, v1  }
0xbe: {  	v2 =	vld [tilespmem:$0x1E0];
	_ =	sdelay $0x7  }
0xbf: {  	[tilespmem:v2+s12+$0x0] =	vst.idx.add.f32.msk $0xffff, v1  }
0xc0: {  	v2 =	vld [tilespmem:$0x1F0];
	_ =	sdelay $0x7  }
0xc1: {  	[tilespmem:v2+s12+$0x0] =	vst.idx.add.f32.msk $0xffff, v1  }
0xc2: {  	[spmem:s3] =	stream.indirect.scatter.add.f32 [tilespmem:s11], [sflag:$0x4], $0x80, s8, s31, $0xb8;
	[tilespmem:$0x1F180] =	vst v63  }
0xc3: {  	_ =	swait.ge [sflag:s16], $0x4000  }
0xc4: {  	[sflag:s16] =	ssyncset.done $0x0  }
0xc5: {  	[sflag:s16] =	ssyncadd.s32 $0xFFFFC000  }
0xc6: {  	_ =	swait.ge [sflag:s9], $0x4000  }
0xc7: {  	[sflag:s9] =	ssyncset.done $0x0  }
0xc8: {  	[sflag:s9] =	ssyncadd.s32 $0xFFFFC000  }
0xc9: {  	v2 =	vld [tilespmem:$0x100];
	_ =	sdelay $0x7  }
0xca: {  	[tilespmem:v2+s12+$0x0] =	vst.idx.add.f32.msk $0xffff, v1  }
0xcb: {  	v2 =	vld [tilespmem:$0x110];
	_ =	sdelay $0x7  }
0xcc: {  	[tilespmem:v2+s12+$0x0] =	vst.idx.add.f32.msk $0xffff, v1  }
0xcd: {  	v2 =	vld [tilespmem:$0x120];
	_ =	sdelay $0x7  }
0xce: {  	[tilespmem:v2+s12+$0x0] =	vst.idx.add.f32.msk $0xffff, v1  }
0xcf: {  	v2 =	vld [tilespmem:$0x130];
	_ =	sdelay $0x7  }
0xd0: {  	[tilespmem:v2+s12+$0x0] =	vst.idx.add.f32.msk $0xffff, v1  }
0xd1: {  	v2 =	vld [tilespmem:$0x140];
	_ =	sdelay $0x7  }
0xd2: {  	[tilespmem:v2+s12+$0x0] =	vst.idx.add.f32.msk $0xffff, v1  }
0xd3: {  	v2 =	vld [tilespmem:$0x150];
	_ =	sdelay $0x7  }
0xd4: {  	[tilespmem:v2+s12+$0x0] =	vst.idx.add.f32.msk $0xffff, v1  }
0xd5: {  	v2 =	vld [tilespmem:$0x160];
	_ =	sdelay $0x7  }
0xd6: {  	[tilespmem:v2+s12+$0x0] =	vst.idx.add.f32.msk $0xffff, v1  }
0xd7: {  	v2 =	vld [tilespmem:$0x170];
	_ =	sdelay $0x7  }
0xd8: {  	[tilespmem:v2+s12+$0x0] =	vst.idx.add.f32.msk $0xffff, v1  }
0xd9: {  	[spmem:s3] =	stream.indirect.scatter.add.f32 [tilespmem:s0], [sflag:$0x3], $0x80, s30, s31, $0xb8;
	[tilespmem:$0x1F180] =	vst v63  }
0xda: {  	_ =	swait.ge [sflag:s13], $0x4000  }
0xdb: {  	[sflag:s13] =	ssyncset.done $0x0  }
0xdc: {  	s25 =	rddreg [dreg:$0xd];
	[sflag:s13] =	ssyncadd.s32 $0xFFFFC000  }
0xdd: {  	[hbm4b:s25+s21] =	stream.linear.scatter [tilespmem:s12], [sflag:$0x7], $0x2800, $0x38;
	[tilespmem:$0x1F180] =	vst v63  }
0xde: {  	_ =	swait.ge [sflag:s29], $0x2800  }
0xdf: {  	[sflag:s29] =	ssyncset.done $0x0  }
0xe0: {  	[sflag:s29] =	ssyncadd.s32 $0xFFFFD800  }
0xe1: {  	[bflag:$0x0] =	sbarrier.arrive $0xFFFF  }
0xe2: {  	s28 =	simm.s32 $0xAF00;
	s25 =	rddreg [dreg:$0xe]  }
0xe3: {  	[tilespmem:s28], [sflag:$0x7] =	stream.linear.gather [hbm4b:s25+s21], $0x280, $0x38;
	[tilespmem:$0x1F180] =	vst v63  }
0xe4: {  	_ =	swait.ge [sflag:s29], $0x280  }
0xe5: {  	[sflag:s29] =	ssyncset.done $0x0  }
0xe6: {  	s25 =	rddreg [dreg:$0xf];
	[sflag:s29] =	ssyncadd.s32 $0xFFFFFD80  }
0xe7: {  	[tilespmem:s14], [sflag:$0x6] =	stream.linear.gather [hbm4b:s25+s21], $0x280, $0x38;
	[tilespmem:$0x1F180] =	vst v63  }
0xe8: {  	s25 =	smov.u32 s22  }
.LBB2_6:
0xe9: {  	s17 =	sshrl.u32 s25, $0x3  }
0xea: {  	s17 =	sadd.s32 s7, s17  }
0xeb: {  	[tilespmem:s18], [sflag:$0x5] =	stream.linear.gather [hbm4b:s17+s4], $0x280, $0x38;
	[tilespmem:$0x1F180] =	vst v63  }
0xec: {  	_ =	swait.ge [sflag:s10], $0x280  }
0xed: {  	[sflag:s10] =	ssyncset.done $0x0  }
0xee: {  	[sflag:s10] =	ssyncadd.s32 $0xFFFFFD80  }
0xef: {  	v2 =	vld [tilespmem:$0xAF00]  }
0xf0: {  	v3 =	vld [tilespmem:$0xAC80]  }
0xf1: {  	v4 =	vld [tilespmem:$0xAF10]  }
0xf2: {  	v5 =	vld [tilespmem:$0xAC90]  }
0xf3: {  	v6 =	vld [tilespmem:$0xAF20]  }
0xf4: {  	v7 =	vld [tilespmem:$0xACA0]  }
0xf5: {  	v8 =	vld [tilespmem:$0xAF30]  }
0xf6: {  	v9 =	vld [tilespmem:$0xACB0]  }
0xf7: {  	v10 =	vld [tilespmem:$0xAF40]  }
0xf8: {  	v11 =	vld [tilespmem:$0xACC0]  }
0xf9: {  	v12 =	vld [tilespmem:$0xAF50]  }
0xfa: {  	v13 =	vld [tilespmem:$0xACD0]  }
0xfb: {  	v14 =	vld [tilespmem:$0xAF60]  }
0xfc: {  	v15 =	vld [tilespmem:$0xACE0]  }
0xfd: {  	v16 =	vld [tilespmem:$0xAF70]  }
0xfe: {  	v17 =	vld [tilespmem:$0xACF0]  }
0xff: {  	v18 =	vld [tilespmem:$0xAF80]  }
0x100: {  	v19 =	vld [tilespmem:$0xAD00]  }
0x101: {  	v20 =	vld [tilespmem:$0xAF90]  }
0x102: {  	v21 =	vld [tilespmem:$0xAD10]  }
0x103: {  	v22 =	vld [tilespmem:$0xAFA0]  }
0x104: {  	v23 =	vld [tilespmem:$0xAD20]  }
0x105: {  	v24 =	vld [tilespmem:$0xAFB0]  }
0x106: {  	v25 =	vld [tilespmem:$0xAD30]  }
0x107: {  	v26 =	vld [tilespmem:$0xAFC0]  }
0x108: {  	v27 =	vld [tilespmem:$0xAD40]  }
0x109: {  	v28 =	vld [tilespmem:$0xAFD0]  }
0x10a: {  	v29 =	vld [tilespmem:$0xAD50]  }
0x10b: {  	v30 =	vld [tilespmem:$0xAFE0]  }
0x10c: {  	v31 =	vld [tilespmem:$0xAD60]  }
0x10d: {  	v32 =	vld [tilespmem:$0xAFF0]  }
0x10e: {  	v33 =	vld [tilespmem:$0xAD70]  }
0x10f: {  	v34 =	vld [tilespmem:$0xB000]  }
0x110: {  	v35 =	vld [tilespmem:$0xAD80]  }
0x111: {  	v36 =	vld [tilespmem:$0xB010]  }
0x112: {  	v37 =	vld [tilespmem:$0xAD90]  }
0x113: {  	v38 =	vld [tilespmem:$0xB020]  }
0x114: {  	v39 =	vld [tilespmem:$0xADA0]  }
0x115: {  	v40 =	vld [tilespmem:$0xB030]  }
0x116: {  	v41 =	vld [tilespmem:$0xADB0]  }
0x117: {  	v42 =	vld [tilespmem:$0xB040]  }
0x118: {  	v43 =	vld [tilespmem:$0xADC0]  }
0x119: {  	v44 =	vld [tilespmem:$0xB050]  }
0x11a: {  	v45 =	vld [tilespmem:$0xADD0]  }
0x11b: {  	v46 =	vld [tilespmem:$0xB060]  }
0x11c: {  	v63 =	vld [tilespmem:$0xAE40];
	v2 =	vadd.f32 v3, v2  }
0x11d: {  	v47 =	vld [tilespmem:$0xAE50];
	v4 =	vadd.f32 v5, v4  }
0x11e: {  	v48 =	vld [tilespmem:$0xB0E0];
	[tilespmem:$0xAF00] =	vst v2;
	v2 =	vadd.f32 v7, v6  }
0x11f: {  	v49 =	vld [tilespmem:$0xAE60];
	[tilespmem:$0xAF10] =	vst v4;
	v4 =	vadd.f32 v9, v8  }
0x120: {  	v50 =	vld [tilespmem:$0xB0F0];
	[tilespmem:$0xAF20] =	vst v2;
	v2 =	vadd.f32 v11, v10  }
0x121: {  	v51 =	vld [tilespmem:$0xAE70];
	[tilespmem:$0xAF30] =	vst v4;
	v4 =	vadd.f32 v13, v12  }
0x122: {  	v52 =	vld [tilespmem:$0xB100];
	[tilespmem:$0xAF40] =	vst v2;
	v2 =	vadd.f32 v15, v14  }
0x123: {  	v53 =	vld [tilespmem:$0xAE80];
	[tilespmem:$0xAF50] =	vst v4;
	v4 =	vadd.f32 v17, v16  }
0x124: {  	v54 =	vld [tilespmem:$0xB110];
	[tilespmem:$0xAF60] =	vst v2;
	v2 =	vadd.f32 v19, v18  }
0x125: {  	v3 =	vld [tilespmem:$0xADE0];
	[tilespmem:$0xAF70] =	vst v4;
	v4 =	vadd.f32 v21, v20  }
0x126: {  	v5 =	vld [tilespmem:$0xB070];
	[tilespmem:$0xAF80] =	vst v2;
	v2 =	vadd.f32 v23, v22  }
0x127: {  	v6 =	vld [tilespmem:$0xADF0];
	[tilespmem:$0xAF90] =	vst v4;
	v4 =	vadd.f32 v25, v24  }
0x128: {  	v7 =	vld [tilespmem:$0xB080];
	[tilespmem:$0xAFA0] =	vst v2;
	v2 =	vadd.f32 v27, v26  }
0x129: {  	v8 =	vld [tilespmem:$0xAE00];
	[tilespmem:$0xAFB0] =	vst v4;
	v4 =	vadd.f32 v29, v28  }
0x12a: {  	v9 =	vld [tilespmem:$0xB090];
	[tilespmem:$0xAFC0] =	vst v2;
	v2 =	vadd.f32 v31, v30  }
0x12b: {  	v10 =	vld [tilespmem:$0xAE10];
	[tilespmem:$0xAFD0] =	vst v4;
	v4 =	vadd.f32 v33, v32  }
0x12c: {  	v11 =	vld [tilespmem:$0xB0A0];
	[tilespmem:$0xAFE0] =	vst v2;
	v2 =	vadd.f32 v35, v34  }
0x12d: {  	v12 =	vld [tilespmem:$0xAE20];
	[tilespmem:$0xAFF0] =	vst v4;
	v4 =	vadd.f32 v37, v36  }
0x12e: {  	v13 =	vld [tilespmem:$0xB0B0];
	[tilespmem:$0xB000] =	vst v2;
	v2 =	vadd.f32 v39, v38  }
0x12f: {  	v14 =	vld [tilespmem:$0xAE30];
	[tilespmem:$0xB010] =	vst v4;
	v4 =	vadd.f32 v41, v40  }
0x130: {  	v15 =	vld [tilespmem:$0xB0C0];
	[tilespmem:$0xB020] =	vst v2;
	v2 =	vadd.f32 v43, v42  }
0x131: {  	v29 =	vld [tilespmem:$0xB0D0];
	[tilespmem:$0xB030] =	vst v4;
	v4 =	vadd.f32 v45, v44  }
0x132: {  	[tilespmem:$0xB040] =	vst v2;
	v2 =	vadd.f32 v3, v46;
	v3 =	vld [tilespmem:$0xAE90]  }
0x133: {  	[tilespmem:$0xB050] =	vst v4;
	v4 =	vadd.f32 v6, v5;
	v5 =	vld [tilespmem:$0xB120]  }
0x134: {  	v6 =	vld [tilespmem:$0xAEA0];
	[tilespmem:$0xB060] =	vst v2;
	v2 =	vadd.f32 v8, v7  }
0x135: {  	[tilespmem:$0xB070] =	vst v4;
	v4 =	vadd.f32 v10, v9;
	v7 =	vld [tilespmem:$0xB130]  }
0x136: {  	v8 =	vld [tilespmem:$0xAEB0];
	[tilespmem:$0xB080] =	vst v2;
	v2 =	vadd.f32 v12, v11  }
0x137: {  	v9 =	vld [tilespmem:$0xB140];
	[tilespmem:$0xB090] =	vst v4;
	v4 =	vadd.f32 v14, v13  }
0x138: {  	v10 =	vld [tilespmem:$0xAEC0];
	[tilespmem:$0xB0A0] =	vst v2;
	v2 =	vadd.f32 v63, v15  }
0x139: {  	v11 =	vld [tilespmem:$0xB150];
	[tilespmem:$0xB0B0] =	vst v4;
	v4 =	vadd.f32 v47, v29  }
0x13a: {  	v12 =	vld [tilespmem:$0xAED0];
	[tilespmem:$0xB0C0] =	vst v2;
	v2 =	vadd.f32 v49, v48  }
0x13b: {  	v13 =	vld [tilespmem:$0xB160];
	[tilespmem:$0xB0D0] =	vst v4;
	v4 =	vadd.f32 v51, v50  }
0x13c: {  	v14 =	vld [tilespmem:$0xAEE0];
	[tilespmem:$0xB0E0] =	vst v2;
	v2 =	vadd.f32 v53, v52  }
0x13d: {  	v3 =	vadd.f32 v3, v54;
	[tilespmem:$0xB0F0] =	vst v4;
	v4 =	vld [tilespmem:$0xB170]  }
0x13e: {  	[tilespmem:$0xB100] =	vst v2;
	v2 =	vadd.f32 v6, v5;
	v5 =	vld [tilespmem:$0xAEF0]  }
0x13f: {  	[tilespmem:$0xB110] =	vst v3;
	v3 =	vadd.f32 v8, v7  }
0x140: {  	[tilespmem:$0xB120] =	vst v2;
	v2 =	vadd.f32 v10, v9  }
0x141: {  	[tilespmem:$0xB130] =	vst v3;
	v3 =	vadd.f32 v12, v11  }
0x142: {  	[tilespmem:$0xB140] =	vst v2;
	v2 =	vadd.f32 v14, v13  }
0x143: {  	[tilespmem:$0xB150] =	vst v3;
	v3 =	vadd.f32 v5, v4  }
0x144: {  	[tilespmem:$0xB160] =	vst v2  }
0x145: {  	s17 =	sadd.s32 s21, s24;
	[tilespmem:$0xB170] =	vst v3  }
0x146: {  	[tilespmem:s14], [sflag:$0x6] =	stream.linear.gather [hbm4b:s17+s4], $0x280, $0x38;
	[tilespmem:$0x1F180] =	vst v63  }
0x147: {  	_ =	swait.ge [sflag:s15], $0x280  }
0x148: {  	[sflag:s15] =	ssyncset.done $0x0  }
0x149: {  	[sflag:s15] =	ssyncadd.s32 $0xFFFFFD80  }
0x14a: {  	v2 =	vld [tilespmem:$0xAF00]  }
0x14b: {  	v3 =	vld [tilespmem:$0xAA00]  }
0x14c: {  	v4 =	vld [tilespmem:$0xAF10]  }
0x14d: {  	v5 =	vld [tilespmem:$0xAA10]  }
0x14e: {  	v6 =	vld [tilespmem:$0xAF20]  }
0x14f: {  	v7 =	vld [tilespmem:$0xAA20]  }
0x150: {  	v8 =	vld [tilespmem:$0xAF30]  }
0x151: {  	v9 =	vld [tilespmem:$0xAA30]  }
0x152: {  	v10 =	vld [tilespmem:$0xAF40]  }
0x153: {  	v11 =	vld [tilespmem:$0xAA40]  }
0x154: {  	v12 =	vld [tilespmem:$0xAF50]  }
0x155: {  	v13 =	vld [tilespmem:$0xAA50]  }
0x156: {  	v14 =	vld [tilespmem:$0xAF60]  }
0x157: {  	v15 =	vld [tilespmem:$0xAA60]  }
0x158: {  	v16 =	vld [tilespmem:$0xAF70]  }
0x159: {  	v17 =	vld [tilespmem:$0xAA70]  }
0x15a: {  	v18 =	vld [tilespmem:$0xAF80]  }
0x15b: {  	v19 =	vld [tilespmem:$0xAA80]  }
0x15c: {  	v20 =	vld [tilespmem:$0xAF90]  }
0x15d: {  	v21 =	vld [tilespmem:$0xAA90]  }
0x15e: {  	v22 =	vld [tilespmem:$0xAFA0]  }
0x15f: {  	v23 =	vld [tilespmem:$0xAAA0]  }
0x160: {  	v24 =	vld [tilespmem:$0xAFB0]  }
0x161: {  	v25 =	vld [tilespmem:$0xAAB0]  }
0x162: {  	v26 =	vld [tilespmem:$0xAFC0]  }
0x163: {  	v27 =	vld [tilespmem:$0xAAC0]  }
0x164: {  	v28 =	vld [tilespmem:$0xAFD0]  }
0x165: {  	v29 =	vld [tilespmem:$0xAAD0]  }
0x166: {  	v30 =	vld [tilespmem:$0xAFE0]  }
0x167: {  	v31 =	vld [tilespmem:$0xAAE0]  }
0x168: {  	v32 =	vld [tilespmem:$0xAFF0]  }
0x169: {  	v55 =	vld [tilespmem:$0xAAF0]  }
0x16a: {  	v34 =	vld [tilespmem:$0xB000]  }
0x16b: {  	v35 =	vld [tilespmem:$0xAB00]  }
0x16c: {  	v56 =	vld [tilespmem:$0xB010]  }
0x16d: {  	v57 =	vld [tilespmem:$0xAB10]  }
0x16e: {  	v58 =	vld [tilespmem:$0xB020]  }
0x16f: {  	v59 =	vld [tilespmem:$0xAB20]  }
0x170: {  	v60 =	vld [tilespmem:$0xB030]  }
0x171: {  	v61 =	vld [tilespmem:$0xAB30]  }
0x172: {  	v62 =	vld [tilespmem:$0xB040]  }
0x173: {  	v63 =	vld [tilespmem:$0xAB40]  }
0x174: {  	v52 =	vld [tilespmem:$0xB050]  }
0x175: {  	v53 =	vld [tilespmem:$0xAB50]  }
0x176: {  	v54 =	vld [tilespmem:$0xB060]  }
0x177: {  	v47 =	vld [tilespmem:$0xAB60];
	v2 =	vadd.f32 v3, v2  }
0x178: {  	v48 =	vld [tilespmem:$0xB070];
	v3 =	vadd.f32 v5, v4  }
0x179: {  	v49 =	vld [tilespmem:$0xAB70];
	[tilespmem:$0xAF00] =	vst v2;
	v2 =	vadd.f32 v7, v6  }
0x17a: {  	v4 =	vld [tilespmem:$0xB0B0];
	[tilespmem:$0xAF10] =	vst v3;
	v3 =	vadd.f32 v9, v8  }
0x17b: {  	v5 =	vld [tilespmem:$0xABB0];
	[tilespmem:$0xAF20] =	vst v2;
	v2 =	vadd.f32 v11, v10  }
0x17c: {  	v8 =	vld [tilespmem:$0xB080];
	[tilespmem:$0xAF30] =	vst v3;
	v3 =	vadd.f32 v13, v12  }
0x17d: {  	v9 =	vld [tilespmem:$0xAB80];
	[tilespmem:$0xAF40] =	vst v2;
	v2 =	vadd.f32 v15, v14  }
0x17e: {  	v6 =	vld [tilespmem:$0xB0C0];
	[tilespmem:$0xAF50] =	vst v3;
	v3 =	vadd.f32 v17, v16  }
0x17f: {  	v7 =	vld [tilespmem:$0xABC0];
	[tilespmem:$0xAF60] =	vst v2;
	v2 =	vadd.f32 v19, v18  }
0x180: {  	v13 =	vld [tilespmem:$0xB090];
	[tilespmem:$0xAF70] =	vst v3;
	v3 =	vadd.f32 v21, v20  }
0x181: {  	v10 =	vld [tilespmem:$0xB0D0];
	[tilespmem:$0xAF80] =	vst v2;
	v2 =	vadd.f32 v23, v22  }
0x182: {  	v11 =	vld [tilespmem:$0xABD0];
	[tilespmem:$0xAF90] =	vst v3;
	v3 =	vadd.f32 v25, v24  }
0x183: {  	v12 =	vld [tilespmem:$0xB0E0];
	[tilespmem:$0xAFA0] =	vst v2;
	v2 =	vadd.f32 v27, v26  }
0x184: {  	v14 =	vld [tilespmem:$0xABE0];
	[tilespmem:$0xAFB0] =	vst v3;
	v3 =	vadd.f32 v29, v28  }
0x185: {  	v15 =	vld [tilespmem:$0xB0F0];
	[tilespmem:$0xAFC0] =	vst v2;
	v2 =	vadd.f32 v31, v30  }
0x186: {  	[tilespmem:$0xAFD0] =	vst v3;
	v3 =	vadd.f32 v55, v32;
	v55 =	vld [tilespmem:$0xABF0]  }
0x187: {  	[tilespmem:$0xAFE0] =	vst v2;
	v2 =	vadd.f32 v5, v4;
	v4 =	vld [tilespmem:$0xB100]  }
0x188: {  	[tilespmem:$0xAFF0] =	vst v3;
	v3 =	vadd.f32 v7, v6;
	v5 =	vld [tilespmem:$0xAC00]  }
0x189: {  	v6 =	vld [tilespmem:$0xB110];
	[tilespmem:$0xB0B0] =	vst v2;
	v2 =	vadd.f32 v11, v10  }
0x18a: {  	v7 =	vld [tilespmem:$0xAC10];
	[tilespmem:$0xB0C0] =	vst v3;
	v3 =	vadd.f32 v14, v12  }
0x18b: {  	v11 =	vld [tilespmem:$0xB120];
	v10 =	vadd.f32 v55, v15;
	[tilespmem:$0xB0D0] =	vst v2  }
0x18c: {  	v12 =	vld [tilespmem:$0xAC20];
	v2 =	vadd.f32 v35, v34;
	[tilespmem:$0xB0E0] =	vst v3  }
0x18d: {  	v14 =	vld [tilespmem:$0xAC30];
	v3 =	vadd.f32 v57, v56;
	[tilespmem:$0xB0F0] =	vst v10  }
0x18e: {  	v15 =	vld [tilespmem:$0xB140];
	v5 =	vadd.f32 v5, v4;
	[tilespmem:$0xB000] =	vst v2  }
0x18f: {  	v56 =	vld [tilespmem:$0xAC40];
	v6 =	vadd.f32 v7, v6;
	[tilespmem:$0xB010] =	vst v3  }
0x190: {  	v57 =	vld [tilespmem:$0xB150];
	v4 =	vadd.f32 v59, v58;
	[tilespmem:$0xB100] =	vst v5  }
0x191: {  	v10 =	vld [tilespmem:$0xB130];
	v5 =	vadd.f32 v61, v60;
	[tilespmem:$0xB110] =	vst v6  }
0x192: {  	v58 =	vld [tilespmem:$0xB0A0];
	[tilespmem:$0xB020] =	vst v4;
	v7 =	vadd.f32 v12, v11  }
0x193: {  	v59 =	vld [tilespmem:$0xABA0];
	v6 =	vadd.f32 v63, v62;
	[tilespmem:$0xB030] =	vst v5  }
0x194: {  	v11 =	vld [tilespmem:$0xAC50];
	[tilespmem:$0xB120] =	vst v7;
	v7 =	vadd.f32 v53, v52  }
0x195: {  	v61 =	vld [tilespmem:$0xAC60];
	[tilespmem:$0xB040] =	vst v6;
	v12 =	vadd.f32 v56, v15  }
0x196: {  	v62 =	vld [tilespmem:$0xB170];
	v10 =	vadd.f32 v14, v10;
	[tilespmem:$0xB050] =	vst v7  }
0x197: {  	v14 =	vld [tilespmem:$0xAB90];
	[tilespmem:$0xB140] =	vst v12;
	v12 =	vadd.f32 v9, v8  }
0x198: {  	v15 =	vld [tilespmem:$0xB160];
	v8 =	vadd.f32 v59, v58;
	[tilespmem:$0xB130] =	vst v10  }
0x199: {  	v63 =	vld [tilespmem:$0xAC70];
	v60 =	vadd.f32 v11, v57;
	[tilespmem:$0xB080] =	vst v12  }
0x19a: {  	v10 =	vadd.f32 v47, v54;
	[tilespmem:$0xB0A0] =	vst v8  }
0x19b: {  	p0 =	sne.s32 s21, $0x3C00;
	v11 =	vadd.f32 v49, v48;
	[tilespmem:$0xB150] =	vst v60  }
.Ltmp2:
0x19c: {  	[tilespmem:$0xB060] =	vst v10;
	v9 =	vadd.f32 v14, v13;
	(pc) =	sbr.rel @p0 .LBB2_6-.Ltmp2, $4  }
0x19d: {  	[tilespmem:$0xB070] =	vst v11;
	v13 =	vadd.f32 v61, v15  }
0x19e: {  	v14 =	vadd.f32 v63, v62;
	[tilespmem:$0xB090] =	vst v9  }
0x19f: {  	[tilespmem:$0xB160] =	vst v13  }
0x1a0: {  	s25 =	sadd.s32 $0x5000, s25;
	s21 =	sadd.s32 $0xA00, s21;
	[tilespmem:$0xB170] =	vst v14  }
0x1a1: {  	_ =	swait.ge [sflag:s10], $0x280  }
0x1a2: {  	[sflag:s10] =	ssyncset.done $0x0  }
0x1a3: {  	[sflag:s10] =	ssyncadd.s32 $0xFFFFFD80  }
0x1a4: {  	v13 =	vld [tilespmem:$0xAF00]  }
0x1a5: {  	v14 =	vld [tilespmem:$0xAC80]  }
0x1a6: {  	v15 =	vld [tilespmem:$0xAF10]  }
0x1a7: {  	v16 =	vld [tilespmem:$0xAC90]  }
0x1a8: {  	v17 =	vld [tilespmem:$0xAF20]  }
0x1a9: {  	v18 =	vld [tilespmem:$0xACA0]  }
0x1aa: {  	v19 =	vld [tilespmem:$0xAF30]  }
0x1ab: {  	v20 =	vld [tilespmem:$0xACB0]  }
0x1ac: {  	v21 =	vld [tilespmem:$0xAF40]  }
0x1ad: {  	v22 =	vld [tilespmem:$0xACC0]  }
0x1ae: {  	v23 =	vld [tilespmem:$0xAF50]  }
0x1af: {  	v24 =	vld [tilespmem:$0xACD0]  }
0x1b0: {  	v25 =	vld [tilespmem:$0xAF60]  }
0x1b1: {  	v26 =	vld [tilespmem:$0xACE0]  }
0x1b2: {  	v27 =	vld [tilespmem:$0xAF70]  }
0x1b3: {  	v28 =	vld [tilespmem:$0xACF0]  }
0x1b4: {  	v29 =	vld [tilespmem:$0xAF80]  }
0x1b5: {  	v30 =	vld [tilespmem:$0xAD00]  }
0x1b6: {  	v31 =	vld [tilespmem:$0xAF90]  }
0x1b7: {  	v32 =	vld [tilespmem:$0xAD10]  }
0x1b8: {  	v33 =	vld [tilespmem:$0xAFA0]  }
0x1b9: {  	v34 =	vld [tilespmem:$0xAD20]  }
0x1ba: {  	v35 =	vld [tilespmem:$0xAFB0]  }
0x1bb: {  	v36 =	vld [tilespmem:$0xAD30]  }
0x1bc: {  	v37 =	vld [tilespmem:$0xAFC0]  }
0x1bd: {  	v38 =	vld [tilespmem:$0xAD40]  }
0x1be: {  	v39 =	vld [tilespmem:$0xAFD0]  }
0x1bf: {  	v40 =	vld [tilespmem:$0xAD50]  }
0x1c0: {  	v41 =	vld [tilespmem:$0xAFE0]  }
0x1c1: {  	v42 =	vld [tilespmem:$0xAD60]  }
0x1c2: {  	v43 =	vld [tilespmem:$0xAFF0]  }
0x1c3: {  	v44 =	vld [tilespmem:$0xAD70]  }
0x1c4: {  	v45 =	vld [tilespmem:$0xAD80]  }
0x1c5: {  	v46 =	vld [tilespmem:$0xAD90]  }
0x1c6: {  	v47 =	vld [tilespmem:$0xADA0];
	v13 =	vadd.f32 v14, v13  }
0x1c7: {  	v49 =	vld [tilespmem:$0xADC0];
	v15 =	vadd.f32 v16, v15  }
0x1c8: {  	v51 =	vld [tilespmem:$0xADD0];
	v48 =	vadd.f32 v18, v17;
	[tilespmem:$0xAF00] =	vst v13  }
0x1c9: {  	v53 =	vld [tilespmem:$0xADE0];
	v50 =	vadd.f32 v20, v19;
	[tilespmem:$0xAF10] =	vst v15  }
0x1ca: {  	v55 =	vld [tilespmem:$0xADF0];
	v52 =	vadd.f32 v22, v21;
	[tilespmem:$0xAF20] =	vst v48  }
0x1cb: {  	v57 =	vld [tilespmem:$0xAE00];
	v54 =	vadd.f32 v24, v23;
	[tilespmem:$0xAF30] =	vst v50  }
0x1cc: {  	v59 =	vld [tilespmem:$0xAE10];
	v56 =	vadd.f32 v26, v25;
	[tilespmem:$0xAF40] =	vst v52  }
0x1cd: {  	v61 =	vld [tilespmem:$0xAE20];
	v58 =	vadd.f32 v28, v27;
	[tilespmem:$0xAF50] =	vst v54  }
0x1ce: {  	v63 =	vld [tilespmem:$0xB0B0];
	v60 =	vadd.f32 v30, v29;
	[tilespmem:$0xAF60] =	vst v56  }
0x1cf: {  	v16 =	vld [tilespmem:$0xADB0];
	v62 =	vadd.f32 v32, v31;
	[tilespmem:$0xAF70] =	vst v58  }
0x1d0: {  	v33 =	vadd.f32 v34, v33;
	v34 =	vld [tilespmem:$0xAE30];
	[tilespmem:$0xAF80] =	vst v60  }
0x1d1: {  	v35 =	vadd.f32 v36, v35;
	v36 =	vld [tilespmem:$0xB0C0];
	[tilespmem:$0xAF90] =	vst v62  }
0x1d2: {  	v37 =	vadd.f32 v38, v37;
	v38 =	vld [tilespmem:$0xAE40];
	[tilespmem:$0xAFA0] =	vst v33  }
0x1d3: {  	v39 =	vadd.f32 v40, v39;
	v40 =	vld [tilespmem:$0xB0D0];
	[tilespmem:$0xAFB0] =	vst v35  }
0x1d4: {  	v41 =	vadd.f32 v42, v41;
	v42 =	vld [tilespmem:$0xAE50];
	[tilespmem:$0xAFC0] =	vst v37  }
0x1d5: {  	v43 =	vadd.f32 v44, v43;
	v44 =	vld [tilespmem:$0xB0E0];
	[tilespmem:$0xAFD0] =	vst v39  }
0x1d6: {  	v2 =	vadd.f32 v45, v2;
	v45 =	vld [tilespmem:$0xAE60];
	[tilespmem:$0xAFE0] =	vst v41  }
0x1d7: {  	v3 =	vadd.f32 v46, v3;
	v46 =	vld [tilespmem:$0xB0F0];
	[tilespmem:$0xAFF0] =	vst v43  }
0x1d8: {  	[tilespmem:$0xB000] =	vst v2;
	v2 =	vadd.f32 v47, v4;
	v47 =	vld [tilespmem:$0xAE70]  }
0x1d9: {  	[tilespmem:$0xB010] =	vst v3;
	v48 =	vld [tilespmem:$0xB100];
	v3 =	vadd.f32 v16, v5  }
0x1da: {  	v50 =	vld [tilespmem:$0xB110];
	[tilespmem:$0xB020] =	vst v2;
	v2 =	vadd.f32 v49, v6  }
0x1db: {  	v52 =	vld [tilespmem:$0xB120];
	[tilespmem:$0xB030] =	vst v3;
	v3 =	vadd.f32 v51, v7  }
0x1dc: {  	v54 =	vld [tilespmem:$0xB130];
	[tilespmem:$0xB040] =	vst v2;
	v2 =	vadd.f32 v53, v10  }
0x1dd: {  	v56 =	vld [tilespmem:$0xB140];
	[tilespmem:$0xB050] =	vst v3;
	v3 =	vadd.f32 v55, v11  }
0x1de: {  	v58 =	vld [tilespmem:$0xB150];
	[tilespmem:$0xB060] =	vst v2;
	v2 =	vadd.f32 v57, v12  }
0x1df: {  	v60 =	vld [tilespmem:$0xB160];
	[tilespmem:$0xB070] =	vst v3;
	v3 =	vadd.f32 v59, v9  }
0x1e0: {  	v62 =	vld [tilespmem:$0xB170];
	[tilespmem:$0xB080] =	vst v2;
	v2 =	vadd.f32 v61, v8  }
0x1e1: {  	v49 =	vld [tilespmem:$0xAE80];
	[tilespmem:$0xB090] =	vst v3;
	v3 =	vadd.f32 v34, v63  }
0x1e2: {  	v51 =	vld [tilespmem:$0xAE90];
	[tilespmem:$0xB0A0] =	vst v2;
	v2 =	vadd.f32 v38, v36  }
0x1e3: {  	v53 =	vld [tilespmem:$0xAEA0];
	[tilespmem:$0xB0B0] =	vst v3;
	v3 =	vadd.f32 v42, v40  }
0x1e4: {  	v55 =	vld [tilespmem:$0xAEB0];
	[tilespmem:$0xB0C0] =	vst v2;
	v2 =	vadd.f32 v45, v44  }
0x1e5: {  	v57 =	vld [tilespmem:$0xAEC0];
	[tilespmem:$0xB0D0] =	vst v3;
	v3 =	vadd.f32 v47, v46  }
0x1e6: {  	v59 =	vld [tilespmem:$0xAED0];
	[tilespmem:$0xB0E0] =	vst v2;
	v2 =	vadd.f32 v49, v48  }
0x1e7: {  	v61 =	vld [tilespmem:$0xAEE0];
	[tilespmem:$0xB0F0] =	vst v3;
	v3 =	vadd.f32 v51, v50  }
0x1e8: {  	v63 =	vld [tilespmem:$0xAEF0];
	[tilespmem:$0xB100] =	vst v2;
	v2 =	vadd.f32 v53, v52  }
0x1e9: {  	[tilespmem:$0xB110] =	vst v3;
	v3 =	vadd.f32 v55, v54  }
0x1ea: {  	[tilespmem:$0xB120] =	vst v2;
	v2 =	vadd.f32 v57, v56  }
0x1eb: {  	[tilespmem:$0xB130] =	vst v3;
	v3 =	vadd.f32 v59, v58  }
0x1ec: {  	[tilespmem:$0xB140] =	vst v2;
	v2 =	vadd.f32 v61, v60  }
0x1ed: {  	[tilespmem:$0xB150] =	vst v3;
	v3 =	vadd.f32 v63, v62  }
0x1ee: {  	[tilespmem:$0xB160] =	vst v2  }
0x1ef: {  	s17 =	rddreg [dreg:$0x10];
	[tilespmem:$0xB170] =	vst v3  }
0x1f0: {  	[hbm4b:s17+s31] =	stream.strided.scatter [tilespmem:s28], [sflag:$0x7], $0x280, s30, s31, $0x38;
	[tilespmem:$0x1F180] =	vst v63  }
0x1f1: {  	_ =	swait.ge [sflag:s29], $0x280  }
0x1f2: {  	[sflag:s29] =	ssyncset.done $0x0  }
0x1f3: {  	s25 =	sor.u32 $0x1C07, s26;
	s21 =	rddreg [dreg:$0x11];
	[sflag:s29] =	ssyncadd.s32 $0xFFFFFD80  }
0x1f4: {  	[hbm:s21], [sflag:s25] =	dma.local [spmem:s20], $0x2800  }
0x1f5: {  	_ =	swait.ge [sflag:s29], $0x2800  }
0x1f6: {  	s19 =	sadd.s32 $0x1, s19;
	s28 =	rddreg [dreg:$0x12]  }
0x1f7: {  	p0 =	sne.s32 s19, s28  }
.Ltmp3:
0x1f8: {  	_ = 	snop;
	(pc) =	sbr.rel @p0 .LBB2_1-.Ltmp3, $3  }
0x1f9: {  	_ =	sdelay $0x1  }
0x1fa: {  	[sflag:s29] =	ssyncset.done $0x0  }
0x1fb: {  	[sflag:s29] =	ssyncadd.s32 $0xFFFFD800  }
0x1fc: {  	_ =	sfence.sel $0x180000  }
0x1fd: {  	[bflag:$0x0] =	sbarrier.arrive $0xFFFF  }
0x1fe: {  	_ =	strace $0x90000047  }
0x1ff: {  	s0 =	stileid.u32;
	[bflag:$0x2] =	sbarrier.arrive $0xFFFF  }
0x200: {  	p0 =	sne.s32 s0, $0x0;
	s0 =	rddreg [dreg:$0x3]  }
0x201: {  	s0 =	sadd.s32 @!p0 $0x100000, s0  }
0x202: {  	[sflag:s0] =	ssyncadd.tile.s32 @!p0 $0x1;
	_ =	shalt  }
.Lfunc_end2:
_tile_overlayer_lowered:
.L_overlay_start_2:
0x203: {  	(tag) =	ssettag $0x2  }
0x204: {  	s0 =	rddreg [dreg:$0x0];
	s2 =	stileid.u32  }
0x205: {  	s1 =	rddreg [dreg:$0x1];
	p0 =	sne.s32 s2, $0x0  }
0x206: {  	s3 =	rddreg [dreg:$0x2];
	[bflag:$0x3] =	sbarrier.arrive $0xFFFF;
	s2 =	simm.s32 @!p0 $0x1C07  }
0x207: {  	[timem:s3], [sflag:s2] =	dma.local @!p0 [hbm:s0], s1  }
0x208: {  	s0 =	simm.s32 @!p0 $0x7  }
0x209: {  	_ =	swait.ge @!p0 [sflag:s0], s1  }
0x20a: {  	s1 =	ssub.s32 @!p0 $0x0, s1;
	[sflag:s0] =	ssyncset.done @!p0 $0x0  }
0x20b: {  	[sflag:s0] =	ssyncadd.s32 @!p0 s1  }
0x20c: {  	[bflag:$0x3] =	sbarrier.arrive $0xFFFF  }
0x20d: {  	_ =	shalt  }

</sc_bundles>
